<compile_context>
chip_gen: v7x
topology: tpu7x:2x2x1
jax: 0.10.2.dev20260603
libtpu: 0.0.44.dev20260713+nightly
codegen_flags: <defaults>
</compile_context>

<pallas_src>
import functools

import jax
import jax.numpy as jnp
from jax import lax
from jax.experimental import pallas as pl
from jax.experimental.pallas import tpu as pltpu
from jax.experimental.pallas import tpu_sc as plsc

N = 10000
BATCH = 256
NT = 16
NC = 2
NHEADS = 10
HPC = NHEADS // NC
D1 = 80
D2 = 144
RPT = 632
NROWS = RPT * NT
DSTPAD = 16000
CAP = 12288
SCAN = 2048
ETOT = 170000
EPAD = 172032
W = 512
NSB = 20
NWIN = NSB * W
KE2 = 128

_GDN = lax.GatherDimensionNumbers(
    offset_dims=(), collapsed_slice_dims=(0,), start_index_map=(0,))


def _lane(v, l):
    idx = jnp.full((16, 1), l, jnp.int32)
    return lax.gather(v, idx, _GDN, (1,),
                      mode=lax.GatherScatterMode.PROMISE_IN_BOUNDS)


def _conv1_body(src_hbm, dst_hbm, adst_hbm, ht_hbm, zrow_hbm,
                out_hbm, bkey_out, cnt_out, off_out,
                csrc_v, cdst_v, bkey_v, bkey2_v, win_v, adst_loc,
                acc_v, cntv_v, offv_v, sboff_s, semw):
    c = lax.axis_index("c")
    s = lax.axis_index("s")
    lo = s * RPT
    iota = lax.iota(jnp.int32, 16)

    def initb(i, _):
        bkey_v[pl.ds(i * 16, 16)] = jnp.zeros((16,), jnp.int32)
        bkey2_v[pl.ds(i * 16, 16)] = jnp.zeros((16,), jnp.int32)
        return 0
    lax.fori_loop(0, CAP // 16, initb, 0)

    def scan_chunk(ci, cnt):
        pltpu.sync_copy(src_hbm.at[pl.ds(ci * SCAN, SCAN)], csrc_v)
        pltpu.sync_copy(dst_hbm.at[pl.ds(ci * SCAN, SCAN)], cdst_v)

        def scan_vreg(j, cnt):
            sv = csrc_v[pl.ds(j * 16, 16)]
            dv = cdst_v[pl.ds(j * 16, 16)]
            m = (dv >= lo) & (dv < lo + RPT)
            mi = m.astype(jnp.int32)
            pos = jnp.minimum(cnt + plsc.cumsum(mi) - mi, CAP - 1)
            plsc.store_scatter(bkey_v, [pos], sv * 1024 + (dv - lo), mask=m)
            return jnp.minimum(cnt + jnp.sum(mi), CAP - 16)
        return lax.fori_loop(0, SCAN // 16, scan_vreg, cnt)
    cnt = lax.fori_loop(0, EPAD // SCAN, scan_chunk, jnp.int32(0))

    nv = (cnt + 15) // 16

    lane0 = lax.iota(jnp.int32, 16) == 0

    def part_sb(sb, off):
        sboff_s[sb] = off
        plsc.store_scatter(offv_v, [jnp.broadcast_to(sb, (16,))],
                           jnp.broadcast_to(off, (16,)), mask=lane0)

        def part_vreg(i, off):
            kv = bkey_v[pl.ds(i * 16, 16)]
            valid = (i * 16 + iota) < cnt
            m = (lax.shift_right_logical(kv, 19) == sb) & valid
            mi = m.astype(jnp.int32)
            tot = jnp.sum(mi)

            @pl.when(tot > 0)
            def _():
                pos = jnp.minimum(off + plsc.cumsum(mi) - mi, CAP - 1)
                plsc.store_scatter(bkey2_v, [pos], kv, mask=m)
            return off + tot
        return lax.fori_loop(0, nv, part_vreg, off)
    total = lax.fori_loop(0, NSB, part_sb, jnp.int32(0))
    sboff_s[NSB] = total
    plsc.store_scatter(offv_v, [jnp.broadcast_to(jnp.int32(NSB), (16,))],
                       jnp.broadcast_to(total, (16,)), mask=lane0)

    cntv_v[...] = jnp.broadcast_to(cnt, (16,))

    @pl.when(c == 0)
    def _publish():
        pltpu.sync_copy(bkey2_v, bkey_out.at[pl.ds(s * CAP, CAP)])
        pltpu.sync_copy(cntv_v, cnt_out.at[pl.ds(s * 16, 16)])
        pltpu.sync_copy(offv_v, off_out.at[pl.ds(s * 32, 32)])

    col79 = jnp.full((16,), 79, jnp.int32)

    def head_pass(k, _):
        h = c * HPC + k
        pltpu.sync_copy(adst_hbm.at[h, pl.ds(lo, RPT)], adst_loc)
        pltpu.sync_copy(zrow_hbm, acc_v)

        def sb_pass(sb, _):
            pltpu.async_copy(
                ht_hbm.at[h, pl.ds(sb * W, W)], win_v, semw).wait()
            sbstart = sboff_s[sb]
            sbcnt = sboff_s[sb + 1] - sbstart
            wbase = sb * W

            def edge_vreg(i, _):
                off = sbstart + i * 16
                kv = bkey2_v[pl.ds(off, 16)]
                srcw = jnp.clip(
                    lax.shift_right_logical(kv, 10) - wbase, 0, W - 1)
                dloc = kv & 1023
                av = plsc.load_gather(win_v, [srcw, col79])
                bv = plsc.load_gather(adst_loc, [dloc])
                ev = av + bv
                ev = jnp.where(ev >= 0.0, ev, 0.2 * ev)
                ee = jnp.exp(ev)
                ee = jnp.where(i * 16 + iota < sbcnt, ee, 0.0)

                @plsc.parallel_loop(0, 16, 1, unroll=8)
                def lp(l, ee=ee, dloc=dloc, srcw=srcw):
                    se = _lane(ee, l)
                    sd = _lane(dloc, l)
                    sw = _lane(srcw, l)
                    for cc in range(5):
                        hv = plsc.load_gather(win_v, [sw, cc * 16 + iota])
                        plsc.addupdate_scatter(
                            acc_v, [sd, cc * 16 + iota], hv * se)
                return 0
            lax.fori_loop(0, (sbcnt + 15) // 16, edge_vreg, 0)
            return 0
        lax.fori_loop(0, NSB, sb_pass, 0)
        pltpu.sync_copy(acc_v, out_hbm.at[h, pl.ds(lo, RPT)])
        return 0
    lax.fori_loop(0, HPC, head_pass, 0)


HROWS = 320
KBUF = 2048


def _conv2_body(bkey_hbm, off_hbm, adst_hbm, ht_hbm, zrow_hbm, out_hbm,
                kbuf, win_v, adst_loc, acc_v, offs_v, semw):
    c = lax.axis_index("c")
    s = lax.axis_index("s")
    lo = s * RPT
    iota = lax.iota(jnp.int32, 16)
    col129 = jnp.full((16,), 129, jnp.int32)

    pltpu.sync_copy(off_hbm.at[pl.ds(s * 32, 32)], offs_v)
    pltpu.sync_copy(zrow_hbm, acc_v)
    pltpu.sync_copy(adst_hbm.at[pl.ds(lo, RPT)], adst_loc)
    ov0 = offs_v[pl.ds(0, 16)]
    ov1 = offs_v[pl.ds(16, 16)]

    def off_at(sb):
        a = jnp.sum(jnp.where(iota == sb, ov0, 0))
        b = jnp.sum(jnp.where(iota == (sb - 16), ov1, 0))
        return jnp.where(sb < 16, a, b)

    minrow = c * 8
    shiftc = c * 312

    def sb_pass(sb, _):
        pltpu.async_copy(ht_hbm.at[pl.ds(sb * W, W)], win_v, semw).wait()
        sbstart = off_at(sb)
        sbcnt = off_at(sb + 1) - sbstart
        astart = jnp.minimum((sbstart // 8) * 8, CAP - KBUF)
        pltpu.sync_copy(bkey_hbm.at[pl.ds(s * CAP + astart, KBUF)], kbuf)
        abase = sbstart - astart
        wbase = sb * W

        def edge_vreg(i, _):
            kv = kbuf[pl.ds(abase + i * 16, 16)]
            srcw = jnp.clip(lax.shift_right_logical(kv, 10) - wbase, 0, W - 1)
            dloc = kv & 1023
            sd2 = dloc - shiftc
            valid = ((i * 16 + iota < sbcnt) & (sd2 >= minrow)
                     & (sd2 < HROWS))
            sd2 = jnp.clip(sd2, 0, HROWS - 1)
            av = plsc.load_gather(win_v, [srcw, col129])
            bv = plsc.load_gather(adst_loc, [dloc])
            ev = av + bv
            ev = jnp.where(ev >= 0.0, ev, 0.2 * ev)
            ee = jnp.exp(ev)
            ee = jnp.where(valid, ee, 0.0)

            @plsc.parallel_loop(0, 16, 1, unroll=8)
            def lp(l, ee=ee, sd2=sd2, srcw=srcw):
                se = _lane(ee, l)
                sd = _lane(sd2, l)
                sw = _lane(srcw, l)
                for cc in range(D2 // 16):
                    hv = plsc.load_gather(win_v, [sw, cc * 16 + iota])
                    plsc.addupdate_scatter(
                        acc_v, [sd, cc * 16 + iota], hv * se)
            return 0
        nvr = jnp.minimum((sbcnt + 15) // 16, (KBUF - 16) // 16)
        lax.fori_loop(0, nvr, edge_vreg, 0)
        return 0
    lax.fori_loop(0, NSB, sb_pass, 0)
    pltpu.sync_copy(acc_v, out_hbm.at[c, pl.ds(lo + c * 312, HROWS)])


_MESH = plsc.VectorSubcoreMesh(core_axis_name="c", subcore_axis_name="s")

_conv1_call = pl.kernel(
    _conv1_body,
    out_type=(
        jax.ShapeDtypeStruct((NHEADS, NROWS, D1), jnp.float32),
        jax.ShapeDtypeStruct((NT * CAP,), jnp.int32),
        jax.ShapeDtypeStruct((NT * 16,), jnp.int32),
        jax.ShapeDtypeStruct((NT * 32,), jnp.int32),
    ),
    mesh=_MESH,
    compiler_params=pltpu.CompilerParams(
        needs_layout_passes=False, use_tc_tiling_on_sc=False),
    scratch_types=[
        pltpu.VMEM((SCAN,), jnp.int32),
        pltpu.VMEM((SCAN,), jnp.int32),
        pltpu.VMEM((CAP,), jnp.int32),
        pltpu.VMEM((CAP,), jnp.int32),
        pltpu.VMEM((W, D1), jnp.float32),
        pltpu.VMEM((RPT,), jnp.float32),
        pltpu.VMEM((RPT, D1), jnp.float32),
        pltpu.VMEM((16,), jnp.int32),
        pltpu.VMEM((32,), jnp.int32),
        pltpu.SMEM((NSB + 1,), jnp.int32),
        pltpu.SemaphoreType.DMA,
    ],
)

_conv2_call = pl.kernel(
    _conv2_body,
    out_type=jax.ShapeDtypeStruct((NC, NROWS, D2), jnp.float32),
    mesh=_MESH,
    compiler_params=pltpu.CompilerParams(
        needs_layout_passes=False, use_tc_tiling_on_sc=False),
    scratch_types=[
        pltpu.VMEM((KBUF,), jnp.int32),
        pltpu.VMEM((W, D2), jnp.float32),
        pltpu.VMEM((RPT,), jnp.float32),
        pltpu.VMEM((HROWS, D2), jnp.float32),
        pltpu.VMEM((32,), jnp.int32),
        pltpu.SemaphoreType.DMA,
    ],
)


def _tail_body(g_ref, xt_ref, fc1_w_ref, fc1_b_ref, fc2_w_ref, fc2_b_ref,
               out_w_ref, out_b_ref, o_ref):
    xc = jnp.concatenate([g_ref[...], xt_ref[...]], axis=1)
    h1 = jnp.maximum(
        jnp.dot(xc, fc1_w_ref[...], preferred_element_type=jnp.float32)
        + fc1_b_ref[...][None, :], 0.0)
    h2 = jnp.maximum(
        jnp.dot(h1, fc2_w_ref[...], preferred_element_type=jnp.float32)
        + fc2_b_ref[...][None, :], 0.0)
    o_ref[...] = (
        jnp.dot(h2, out_w_ref[...], preferred_element_type=jnp.float32)
        + out_b_ref[...][None, :])


def _tail(g, xt, fc1_w, fc1_b, fc2_w, fc2_b, out_w, out_b):
    return pl.pallas_call(
        _tail_body,
        out_shape=jax.ShapeDtypeStruct((g.shape[0], 1), jnp.float32),
    )(g, xt, fc1_w, fc1_b, fc2_w, fc2_b, out_w, out_b)


def kernel(x, edge_index, batch, proteins, W1, a_src1, a_dst1, b1, W2, a_src2,
           a_dst2, b2, fc_g1_w, fc_g1_b, emb, conv_w, conv_b, fc_xt1_w,
           fc_xt1_b, fc1_w, fc1_b, fc2_w, fc2_b, out_w, out_b):
    loop = jnp.arange(N, dtype=edge_index.dtype)
    npad = EPAD - ETOT
    srcp = jnp.concatenate(
        [edge_index[0], loop, jnp.zeros((npad,), jnp.int32)])
    dstp = jnp.concatenate(
        [edge_index[1], loop, jnp.full((npad,), DSTPAD, jnp.int32)])

    h1 = x @ W1
    hr = h1.reshape(N, NHEADS, 78)
    alpha_src = jnp.einsum('nhc,hc->nh', hr, a_src1)
    alpha_dst = jnp.einsum('nhc,hc->nh', hr, a_dst1)
    adst_tab = jnp.pad(alpha_dst.T, ((0, 0), (0, NROWS - N)))
    ht1 = jnp.concatenate(
        [hr, jnp.ones((N, NHEADS, 1), jnp.float32),
         alpha_src[:, :, None]], axis=-1)
    ht1 = jnp.pad(ht1.transpose(1, 0, 2), ((0, 0), (0, NWIN - N), (0, 0)))
    zrow1 = jnp.zeros((RPT, D1), jnp.float32)

    out1, bkey, cnts, offs = _conv1_call(srcp, dstp, adst_tab, ht1, zrow1)

    num1 = out1[:, :N, :78].transpose(1, 0, 2)
    den1 = out1[:, :N, 78].T[:, :, None]
    gat1 = (num1 / (den1 + 1e-16)).reshape(N, NHEADS * 78) + b1
    h2in = jax.nn.elu(gat1)

    h2 = h2in @ W2
    asrc2 = h2 @ a_src2[0]
    adst2 = jnp.pad(h2 @ a_dst2[0], (0, NROWS - N))
    ht2 = jnp.concatenate(
        [h2, jnp.ones((N, 1), jnp.float32), asrc2[:, None],
         jnp.zeros((N, D2 - 130), jnp.float32)], axis=1)
    ht2 = jnp.pad(ht2, ((0, NWIN - N), (0, 0)))
    zrow2 = jnp.zeros((320, D2), jnp.float32)

    out2 = _conv2_call(bkey, offs, adst2, ht2, zrow2)
    r0 = out2[0].reshape(NT, RPT, D2)[:, :320]
    r1 = out2[1].reshape(NT, RPT, D2)[:, 320:]
    o2 = jnp.concatenate([r0, r1], axis=1).reshape(NROWS, D2)[:N]
    h3 = jax.nn.relu(o2[:, :128] / (o2[:, 128:129] + 1e-16) + b2)

    g = jax.ops.segment_max(h3, batch, num_segments=BATCH)
    g = jax.nn.relu(g @ fc_g1_w + fc_g1_b)

    e_xt = emb[proteins]
    conv = lax.conv_general_dilated(
        e_xt, conv_w, window_strides=(1,), padding='VALID',
        dimension_numbers=('NCH', 'OIH', 'NCH'))
    conv = jax.nn.relu(conv + conv_b[None, :, None])
    xt = conv.reshape(BATCH, 32 * 121) @ fc_xt1_w + fc_xt1_b

    return _tail(g, xt, fc1_w, fc1_b, fc2_w, fc2_b, out_w, out_b)

# --- scband reference (transcript-rebuilt; emitter-appended) ---
"""Pipeline reference for scband-gatnet-72679436582985 (READ-ONLY COPY).

The authoritative reference and input builder live on the scoring server;
editing this copy changes nothing except your own understanding.
"""

import jax, jax.numpy as jnp
import numpy as np


def _gat_conv(x, edge_index, W, a_src, a_dst, b, heads, out_ch):
    N = x.shape[0]
    loop = jnp.arange(N, dtype=edge_index.dtype)
    src = jnp.concatenate([edge_index[0], loop])
    dst = jnp.concatenate([edge_index[1], loop])
    h = (x @ W).reshape(N, heads, out_ch)
    alpha_src = jnp.sum(h * a_src[None, :, :], axis=-1)
    alpha_dst = jnp.sum(h * a_dst[None, :, :], axis=-1)
    e = jax.nn.leaky_relu(alpha_src[src] + alpha_dst[dst], 0.2)
    emax = jax.ops.segment_max(e, dst, num_segments=N)
    ee = jnp.exp(e - emax[dst])
    den = jax.ops.segment_sum(ee, dst, num_segments=N)
    alpha = ee / (den[dst] + 1e-16)
    out = jax.ops.segment_sum(h[src] * alpha[:, :, None], dst, num_segments=N)
    return out.reshape(N, heads * out_ch) + b


def setup_inputs(seed: int = 0):
    key = jax.random.key(seed)
    ks = jax.random.split(key, 20)
    N, E, B = 10000, 160000, 256
    inp = {}
    inp['x'] = jax.random.normal(ks[0], (N, 78), dtype=jnp.float32)
    inp['edge_index'] = jax.random.randint(ks[1], (2, E), 0, N, dtype=jnp.int32)
    inp['batch'] = jnp.sort(jax.random.randint(ks[2], (N,), 0, B, dtype=jnp.int32))
    inp['proteins'] = jax.random.randint(ks[3], (B, 1000), 0, 26, dtype=jnp.int32)
    inp['W1'] = jax.random.normal(ks[4], (78, 780), dtype=jnp.float32) * 0.1
    inp['a_src1'] = jax.random.normal(ks[5], (10, 78), dtype=jnp.float32) * 0.1
    inp['a_dst1'] = jax.random.normal(ks[6], (10, 78), dtype=jnp.float32) * 0.1
    inp['b1'] = jnp.zeros((780,), jnp.float32)
    inp['W2'] = jax.random.normal(ks[7], (780, 128), dtype=jnp.float32) * 0.05
    inp['a_src2'] = jax.random.normal(ks[8], (1, 128), dtype=jnp.float32) * 0.1
    inp['a_dst2'] = jax.random.normal(ks[9], (1, 128), dtype=jnp.float32) * 0.1
    inp['b2'] = jnp.zeros((128,), jnp.float32)
    inp['fc_g1_w'] = jax.random.normal(ks[10], (128, 128), dtype=jnp.float32) * 0.08
    inp['fc_g1_b'] = jnp.zeros((128,), jnp.float32)
    inp['emb'] = jax.random.normal(ks[11], (26, 128), dtype=jnp.float32)
    inp['conv_w'] = jax.random.normal(ks[12], (32, 1000, 8), dtype=jnp.float32) * 0.01
    inp['conv_b'] = jnp.zeros((32,), jnp.float32)
    inp['fc_xt1_w'] = jax.random.normal(ks[13], (3872, 128), dtype=jnp.float32) * 0.015
    inp['fc_xt1_b'] = jnp.zeros((128,), jnp.float32)
    inp['fc1_w'] = jax.random.normal(ks[14], (256, 1024), dtype=jnp.float32) * 0.06
    inp['fc1_b'] = jnp.zeros((1024,), jnp.float32)
    inp['fc2_w'] = jax.random.normal(ks[15], (1024, 256), dtype=jnp.float32) * 0.03
    inp['fc2_b'] = jnp.zeros((256,), jnp.float32)
    inp['out_w'] = jax.random.normal(ks[16], (256, 1), dtype=jnp.float32) * 0.06
    inp['out_b'] = jnp.zeros((1,), jnp.float32)
    return inp


def reference(x, edge_index, batch, proteins, W1, a_src1, a_dst1, b1, W2, a_src2, a_dst2, b2,
              fc_g1_w, fc_g1_b, emb, conv_w, conv_b, fc_xt1_w, fc_xt1_b,
              fc1_w, fc1_b, fc2_w, fc2_b, out_w, out_b):
    # eval mode: all dropouts are identity
    B = proteins.shape[0]
    h = jax.nn.elu(_gat_conv(x, edge_index, W1, a_src1, a_dst1, b1, 10, 78))
    h = jax.nn.relu(_gat_conv(h, edge_index, W2, a_src2, a_dst2, b2, 1, 128))
    g = jax.ops.segment_max(h, batch, num_segments=B)  # global_max_pool
    g = jax.nn.relu(g @ fc_g1_w + fc_g1_b)
    e_xt = emb[proteins]  # [B, 1000, 128]
    conv = jax.lax.conv_general_dilated(e_xt, conv_w, window_strides=(1,), padding='VALID',
                                        dimension_numbers=('NCH', 'OIH', 'NCH'))
    conv = jax.nn.relu(conv + conv_b[None, :, None])  # [B, 32, 121]
    xt = conv.reshape(B, 32 * 121) @ fc_xt1_w + fc_xt1_b
    xc = jnp.concatenate([g, xt], axis=1)
    xc = jax.nn.relu(xc @ fc1_w + fc1_b)
    xc = jax.nn.relu(xc @ fc2_w + fc2_b)
    return xc @ out_w + out_b

if __name__ == "__main__":
    import jax
    _d = setup_inputs()
    print(jax.jit(kernel)(*tuple(_d.values())))

</pallas_src>

<mosaic_0001>
#map = affine_map<(d0, d1) -> (0)>
#map1 = affine_map<(d0, d1) -> (0, 0)>
#map2 = affine_map<(d0, d1) -> (0, 0, 0)>
module attributes {stable_mosaic.version = 14 : i64} {
  func.func @_conv1_body(%arg0: i32, %arg1: i32, %arg2: memref<172032xi32, #tpu.memory_space<hbm>>, %arg3: memref<172032xi32, #tpu.memory_space<hbm>>, %arg4: memref<10x10112xf32, #tpu.memory_space<hbm>>, %arg5: memref<10x10240x80xf32, #tpu.memory_space<hbm>>, %arg6: memref<632x80xf32, #tpu.memory_space<hbm>>, %arg7: memref<10x10112x80xf32, #tpu.memory_space<hbm>>, %arg8: memref<196608xi32, #tpu.memory_space<hbm>>, %arg9: memref<256xi32, #tpu.memory_space<hbm>>, %arg10: memref<512xi32, #tpu.memory_space<hbm>>, %arg11: memref<2048xi32, #tpu.memory_space<vmem>>, %arg12: memref<2048xi32, #tpu.memory_space<vmem>>, %arg13: memref<12288xi32, #tpu.memory_space<vmem>>, %arg14: memref<12288xi32, #tpu.memory_space<vmem>>, %arg15: memref<512x80xf32, #tpu.memory_space<vmem>>, %arg16: memref<632xf32, #tpu.memory_space<vmem>>, %arg17: memref<632x80xf32, #tpu.memory_space<vmem>>, %arg18: memref<16xi32, #tpu.memory_space<vmem>>, %arg19: memref<32xi32, #tpu.memory_space<vmem>>, %arg20: memref<21xi32, #tpu.memory_space<smem>>, %arg21: memref<!tpu.dma_semaphore, #tpu.memory_space<semaphore_mem>>) attributes {dimension_semantics = [#tpu.dimension_semantics<core_parallel>, #tpu.dimension_semantics<subcore_parallel>], iteration_bounds = array<i64: 2, 16>, scalar_prefetch = 0 : i64, scratch_operands = 11 : i64, tpu.core_type = #tpu.core_type<sc_vector_subcore>, window_params = [{transform_indices = #map}, {transform_indices = #map}, {transform_indices = #map1}, {transform_indices = #map2}, {transform_indices = #map1}, {transform_indices = #map2}, {transform_indices = #map}, {transform_indices = #map}, {transform_indices = #map}]} {
    %mul3A = arith.constant 632 : i32
    %mul3A_0 = arith.muli %arg1, %mul3A : i32
    %iota3A = tpu.iota {dimensions = array<i32: 0>} : vector<16xi32>
    %scan3A = arith.constant 0 : i32
    %scan3A_1 = arith.constant 0 : i32
    %scan3A_2 = arith.constant 768 : i32
    %scan3A_3 = arith.addi %scan3A_1, %scan3A_2 : i32
    %scan3A_4 = arith.constant 1 : i32
    %scan3A_5 = scf.for %scan3A_60 = %scan3A_1 to %scan3A_3 step %scan3A_4 iter_args(%scan3A_61 = %scan3A) -> (i32)  : i32 {
      %broadcast_in_dim3A_62 = arith.constant 0 : i32
      %broadcast_in_dim3A_63 = vector.broadcast %broadcast_in_dim3A_62 : i32 to vector<16xi32>
      %mul3A_64 = arith.constant 16 : i32
      %mul3A_65 = arith.muli %scan3A_60, %mul3A_64 : i32
      %swap3A_66 = arith.index_cast %mul3A_65 : i32 to index
      %swap3A_67 = tpu.vector_load %arg13[%swap3A_66] {strides = array<i32>} : memref<12288xi32, #tpu.memory_space<vmem>>, vector<16xi32>,
      tpu.vector_store %arg13[%swap3A_66], %broadcast_in_dim3A_63 {strides = array<i32>} : memref<12288xi32, #tpu.memory_space<vmem>>, vector<16xi32>,
      %broadcast_in_dim3A_68 = arith.constant 0 : i32
      %broadcast_in_dim3A_69 = vector.broadcast %broadcast_in_dim3A_68 : i32 to vector<16xi32>
      %mul3A_70 = arith.constant 16 : i32
      %mul3A_71 = arith.muli %scan3A_60, %mul3A_70 : i32
      %swap3A_72 = arith.index_cast %mul3A_71 : i32 to index
      %swap3A_73 = tpu.vector_load %arg14[%swap3A_72] {strides = array<i32>} : memref<12288xi32, #tpu.memory_space<vmem>>, vector<16xi32>,
      tpu.vector_store %arg14[%swap3A_72], %broadcast_in_dim3A_69 {strides = array<i32>} : memref<12288xi32, #tpu.memory_space<vmem>>, vector<16xi32>,
      %scan3A_74 = arith.constant 0 : i32
      scf.yield %scan3A_74 : i32
    }
    %scan3A_6 = arith.constant 768 : i32
    %scan3A_7 = arith.constant 0 : i32
    %scan3A_8 = arith.constant 0 : i32
    %scan3A_9 = arith.constant 84 : i32
    %scan3A_10 = arith.addi %scan3A_8, %scan3A_9 : i32
    %scan3A_11 = arith.constant 1 : i32
    %scan3A_12 = scf.for %scan3A_60 = %scan3A_8 to %scan3A_10 step %scan3A_11 iter_args(%scan3A_61 = %scan3A_7) -> (i32)  : i32 {
      %mul3A_62 = arith.constant 2048 : i32
      %mul3A_63 = arith.muli %scan3A_60, %mul3A_62 : i32
      "tpu.region"() ({
        %run_scoped3A = tpu.sem_alloc : memref<!tpu.dma_semaphore, #tpu.memory_space<semaphore_mem>>
        %dma_start3A = tpu.memref_slice %arg2[%mul3A_63] : memref<172032xi32, #tpu.memory_space<hbm>> -> memref<2048xi32, #tpu.memory_space<hbm>>
        %dma_start3A_72 = tpu.memref_slice %arg2[%mul3A_63] : memref<172032xi32, #tpu.memory_space<hbm>> -> memref<2048xi32, #tpu.memory_space<hbm>>
        tpu.enqueue_dma source(%dma_start3A_72 : memref<2048xi32, #tpu.memory_space<hbm>>) target(%arg11 : memref<2048xi32, #tpu.memory_space<vmem>>) target_semaphore(%run_scoped3A : memref<!tpu.dma_semaphore, #tpu.memory_space<semaphore_mem>>)
        %dma_wait3A = tpu.memref_slice %arg2[%mul3A_63] : memref<172032xi32, #tpu.memory_space<hbm>> -> memref<2048xi32, #tpu.memory_space<hbm>>
        %dma_wait3A_73 = tpu.memref_slice %arg2[%mul3A_63] : memref<172032xi32, #tpu.memory_space<hbm>> -> memref<2048xi32, #tpu.memory_space<hbm>>
        tpu.wait_dma2 semaphore(%run_scoped3A : memref<!tpu.dma_semaphore, #tpu.memory_space<semaphore_mem>>) src(%dma_wait3A_73 : memref<2048xi32, #tpu.memory_space<hbm>>) dst(%arg11 : memref<2048xi32, #tpu.memory_space<vmem>>)
        tpu.yield
      }) : () -> ()
      %mul3A_64 = arith.constant 2048 : i32
      %mul3A_65 = arith.muli %scan3A_60, %mul3A_64 : i32
      "tpu.region"() ({
        %run_scoped3A = tpu.sem_alloc : memref<!tpu.dma_semaphore, #tpu.memory_space<semaphore_mem>>
        %dma_start3A = tpu.memref_slice %arg3[%mul3A_65] : memref<172032xi32, #tpu.memory_space<hbm>> -> memref<2048xi32, #tpu.memory_space<hbm>>
        %dma_start3A_72 = tpu.memref_slice %arg3[%mul3A_65] : memref<172032xi32, #tpu.memory_space<hbm>> -> memref<2048xi32, #tpu.memory_space<hbm>>
        tpu.enqueue_dma source(%dma_start3A_72 : memref<2048xi32, #tpu.memory_space<hbm>>) target(%arg12 : memref<2048xi32, #tpu.memory_space<vmem>>) target_semaphore(%run_scoped3A : memref<!tpu.dma_semaphore, #tpu.memory_space<semaphore_mem>>)
        %dma_wait3A = tpu.memref_slice %arg3[%mul3A_65] : memref<172032xi32, #tpu.memory_space<hbm>> -> memref<2048xi32, #tpu.memory_space<hbm>>
        %dma_wait3A_73 = tpu.memref_slice %arg3[%mul3A_65] : memref<172032xi32, #tpu.memory_space<hbm>> -> memref<2048xi32, #tpu.memory_space<hbm>>
        tpu.wait_dma2 semaphore(%run_scoped3A : memref<!tpu.dma_semaphore, #tpu.memory_space<semaphore_mem>>) src(%dma_wait3A_73 : memref<2048xi32, #tpu.memory_space<hbm>>) dst(%arg12 : memref<2048xi32, #tpu.memory_space<vmem>>)
        tpu.yield
      }) : () -> ()
      %scan3A_66 = arith.constant 0 : i32
      %scan3A_67 = arith.constant 128 : i32
      %scan3A_68 = arith.addi %scan3A_66, %scan3A_67 : i32
      %scan3A_69 = arith.constant 1 : i32
      %scan3A_70 = scf.for %scan3A_72 = %scan3A_66 to %scan3A_68 step %scan3A_69 iter_args(%scan3A_73 = %scan3A_61) -> (i32)  : i32 {
        %mul3A_74 = arith.constant 16 : i32
        %mul3A_75 = arith.muli %scan3A_72, %mul3A_74 : i32
        %get3A = arith.index_cast %mul3A_75 : i32 to index
        %get3A_76 = tpu.vector_load %arg11[%get3A] {strides = array<i32>} : memref<2048xi32, #tpu.memory_space<vmem>>, vector<16xi32>,
        %mul3A_77 = arith.constant 16 : i32
        %mul3A_78 = arith.muli %scan3A_72, %mul3A_77 : i32
        %get3A_79 = arith.index_cast %mul3A_78 : i32 to index
        %get3A_80 = tpu.vector_load %arg12[%get3A_79] {strides = array<i32>} : memref<2048xi32, #tpu.memory_space<vmem>>, vector<16xi32>,
        %ge3A = vector.broadcast %mul3A_0 : i32 to vector<16xi32>
        %ge3A_81 = arith.cmpi sge, %get3A_80, %ge3A : vector<16xi32>
        %add3A_82 = arith.constant 632 : i32
        %add3A_83 = arith.addi %mul3A_0, %add3A_82 : i32
        %lt3A = vector.broadcast %add3A_83 : i32 to vector<16xi32>
        %lt3A_84 = arith.cmpi slt, %get3A_80, %lt3A : vector<16xi32>
        %and3A_85 = arith.andi %ge3A_81, %lt3A_84 : vector<16xi1>
        %convert_element_type3A_86 = arith.extui %and3A_85 : vector<16xi1> to vector<16xi32>
        %broadcast_in_dim3A_87 = arith.constant true
        %broadcast_in_dim3A_88 = vector.broadcast %broadcast_in_dim3A_87 : i1 to vector<16xi1>
        %masked_cumsum3A = tpu.scan <sum>, %convert_element_type3A_86 masked %broadcast_in_dim3A_88 : vector<16xi32>, vector<16xi1> -> vector<16xi32>
        %add3A_89 = vector.broadcast %scan3A_73 : i32 to vector<16xi32>
        %add3A_90 = arith.addi %add3A_89, %masked_cumsum3A : vector<16xi32>
        %sub3A_91 = arith.subi %add3A_90, %convert_element_type3A_86 : vector<16xi32>
        %min3A = arith.constant 12287 : i32
        %min3A_92 = vector.broadcast %min3A : i32 to vector<16xi32>
        %min3A_93 = arith.minsi %sub3A_91, %min3A_92 : vector<16xi32>
        %mul3A_94 = arith.constant 1024 : i32
        %mul3A_95 = vector.broadcast %mul3A_94 : i32 to vector<16xi32>
        %mul3A_96 = arith.muli %get3A_76, %mul3A_95 : vector<16xi32>
        %sub3A_97 = vector.broadcast %mul3A_0 : i32 to vector<16xi32>
        %sub3A_98 = arith.subi %get3A_80, %sub3A_97 : vector<16xi32>
        %add3A_99 = arith.addi %mul3A_96, %sub3A_98 : vector<16xi32>
        tpu.vector_store_idx %arg13[%min3A_93], %add3A_99 masked %and3A_85 : memref<12288xi32, #tpu.memory_space<vmem>>[vector<16xi32>], vector<16xi32>, vector<16xi1>
        %reduce_sum3A = arith.constant true
        %reduce_sum3A_100 = vector.broadcast %reduce_sum3A : i1 to vector<16xi1>
        %reduce_sum3A_101 = tpu.scan <sum>, %convert_element_type3A_86 masked %reduce_sum3A_100 : vector<16xi32>, vector<16xi1> -> vector<16xi32>
        %reduce_sum3A_102 = vector.extract %reduce_sum3A_101[15] : i32 from vector<16xi32>
        %add3A_103 = arith.addi %scan3A_73, %reduce_sum3A_102 : i32
        %min3A_104 = arith.constant 12272 : i32
        %min3A_105 = arith.minsi %add3A_103, %min3A_104 : i32
        scf.yield %min3A_105 : i32
      }
      %scan3A_71 = arith.constant 128 : i32
      scf.yield %scan3A_70 : i32
    }
    %scan3A_13 = arith.constant 84 : i32
    %add3A = arith.constant 15 : i32
    %add3A_14 = arith.addi %scan3A_12, %add3A : i32
    %jit3A = arith.constant 16 : i32
    %div3A = arith.divsi %add3A_14, %jit3A : i32
    %sign3A = arith.constant 0 : i32
    %sign3A_15 = arith.cmpi sgt, %add3A_14, %sign3A : i32
    %sign3A_16 = arith.extui %sign3A_15 : i1 to i32
    %sign3A_17 = arith.constant 0 : i32
    %sign3A_18 = arith.cmpi slt, %add3A_14, %sign3A_17 : i32
    %sign3A_19 = arith.extui %sign3A_18 : i1 to i32
    %sign3A_20 = arith.subi %sign3A_16, %sign3A_19 : i32
    %sign3A_21 = arith.constant 0 : i32
    %sign3A_22 = arith.cmpi sgt, %jit3A, %sign3A_21 : i32
    %sign3A_23 = arith.extui %sign3A_22 : i1 to i32
    %sign3A_24 = arith.constant 0 : i32
    %sign3A_25 = arith.cmpi slt, %jit3A, %sign3A_24 : i32
    %sign3A_26 = arith.extui %sign3A_25 : i1 to i32
    %sign3A_27 = arith.subi %sign3A_23, %sign3A_26 : i32
    %ne3A = arith.cmpi ne, %sign3A_20, %sign3A_27 : i32
    %rem3A = arith.remsi %add3A_14, %jit3A : i32
    %ne3A_28 = arith.constant 0 : i32
    %ne3A_29 = arith.cmpi ne, %rem3A, %ne3A_28 : i32
    %and3A = arith.andi %ne3A, %ne3A_29 : i1
    %sub3A = arith.constant 1 : i32
    %sub3A_30 = arith.subi %div3A, %sub3A : i32
    %select_n3A = arith.select %and3A, %sub3A_30, %div3A : i32
    %iota3A_31 = tpu.iota {dimensions = array<i32: 0>} : vector<16xi32>
    %eq3A = arith.constant 0 : i32
    %eq3A_32 = vector.broadcast %eq3A : i32 to vector<16xi32>
    %eq3A_33 = arith.cmpi eq, %iota3A_31, %eq3A_32 : vector<16xi32>
    %scan3A_34 = arith.constant 0 : i32
    %scan3A_35 = arith.constant 0 : i32
    %scan3A_36 = arith.constant 20 : i32
    %scan3A_37 = arith.addi %scan3A_35, %scan3A_36 : i32
    %scan3A_38 = arith.constant 1 : i32
    %scan3A_39 = scf.for %scan3A_60 = %scan3A_35 to %scan3A_37 step %scan3A_38 iter_args(%scan3A_61 = %scan3A_34) -> (i32)  : i32 {
      %swap3A_62 = arith.index_cast %scan3A_60 : i32 to index
      %swap3A_63 = memref.load %arg20[%swap3A_62] : memref<21xi32, #tpu.memory_space<smem>>
      memref.store %scan3A_61, %arg20[%swap3A_62] : memref<21xi32, #tpu.memory_space<smem>>
      %broadcast_in_dim3A_64 = vector.broadcast %scan3A_60 : i32 to vector<16xi32>
      %broadcast_in_dim3A_65 = vector.broadcast %scan3A_61 : i32 to vector<16xi32>
      tpu.vector_store_idx %arg19[%broadcast_in_dim3A_64], %broadcast_in_dim3A_65 masked %eq3A_33 : memref<32xi32, #tpu.memory_space<vmem>>[vector<16xi32>], vector<16xi32>, vector<16xi1>
      %while3A = arith.constant 0 : i32
      %while3A_66 = arith.subi %select_n3A, %while3A : i32
      %while3A_67 = arith.addi %while3A, %while3A_66 : i32
      %while3A_68 = arith.constant 1 : i32
      %while3A_69 = arith.divsi %while3A_66, %while3A_68 : i32
      %while3A_70 = arith.muli %while3A_69, %while3A_68 : i32
      %while3A_71 = arith.addi %while3A, %while3A_70 : i32
      %while3A_72 = arith.constant 1 : i32
      %while3A_73 = scf.for %while3A_76 = %while3A to %while3A_71 step %while3A_72 iter_args(%while3A_77 = %scan3A_61) -> (i32)  : i32 {
        %mul3A_78 = arith.constant 16 : i32
        %mul3A_79 = arith.muli %while3A_76, %mul3A_78 : i32
        %get3A = arith.index_cast %mul3A_79 : i32 to index
        %get3A_80 = tpu.vector_load %arg13[%get3A] {strides = array<i32>} : memref<12288xi32, #tpu.memory_space<vmem>>, vector<16xi32>,
        %mul3A_81 = arith.constant 16 : i32
        %mul3A_82 = arith.muli %while3A_76, %mul3A_81 : i32
        %add3A_83 = vector.broadcast %mul3A_82 : i32 to vector<16xi32>
        %add3A_84 = arith.addi %add3A_83, %iota3A : vector<16xi32>
        %lt3A = vector.broadcast %scan3A_12 : i32 to vector<16xi32>
        %lt3A_85 = arith.cmpi slt, %add3A_84, %lt3A : vector<16xi32>
        %shift_right_logical3A = arith.constant 19 : i32
        %shift_right_logical3A_86 = vector.broadcast %shift_right_logical3A : i32 to vector<16xi32>
        %shift_right_logical3A_87 = arith.shrui %get3A_80, %shift_right_logical3A_86 : vector<16xi32>
        %eq3A_88 = vector.broadcast %scan3A_60 : i32 to vector<16xi32>
        %eq3A_89 = arith.cmpi eq, %shift_right_logical3A_87, %eq3A_88 : vector<16xi32>
        %and3A_90 = arith.andi %eq3A_89, %lt3A_85 : vector<16xi1>
        %convert_element_type3A_91 = arith.extui %and3A_90 : vector<16xi1> to vector<16xi32>
        %reduce_sum3A = arith.constant true
        %reduce_sum3A_92 = vector.broadcast %reduce_sum3A : i1 to vector<16xi1>
        %reduce_sum3A_93 = tpu.scan <sum>, %convert_element_type3A_91 masked %reduce_sum3A_92 : vector<16xi32>, vector<16xi1> -> vector<16xi32>
        %reduce_sum3A_94 = vector.extract %reduce_sum3A_93[15] : i32 from vector<16xi32>
        %gt3A = arith.constant 0 : i32
        %gt3A_95 = arith.cmpi sgt, %reduce_sum3A_94, %gt3A : i32
        %convert_element_type3A_96 = arith.extui %gt3A_95 : i1 to i32
        %cond3A_97 = arith.constant 0 : i32
        %cond3A_98 = arith.cmpi ne, %convert_element_type3A_96, %cond3A_97 : i32
        scf.if %cond3A_98 {
          %broadcast_in_dim3A_100 = arith.constant true
          %broadcast_in_dim3A_101 = vector.broadcast %broadcast_in_dim3A_100 : i1 to vector<16xi1>
          %masked_cumsum3A = tpu.scan <sum>, %convert_element_type3A_91 masked %broadcast_in_dim3A_101 : vector<16xi32>, vector<16xi1> -> vector<16xi32>
          %add3A_102 = vector.broadcast %while3A_77 : i32 to vector<16xi32>
          %add3A_103 = arith.addi %add3A_102, %masked_cumsum3A : vector<16xi32>
          %sub3A_104 = arith.subi %add3A_103, %convert_element_type3A_91 : vector<16xi32>
          %min3A = arith.constant 12287 : i32
          %min3A_105 = vector.broadcast %min3A : i32 to vector<16xi32>
          %min3A_106 = arith.minsi %sub3A_104, %min3A_105 : vector<16xi32>
          tpu.vector_store_idx %arg14[%min3A_106], %get3A_80 masked %and3A_90 : memref<12288xi32, #tpu.memory_space<vmem>>[vector<16xi32>], vector<16xi32>, vector<16xi1>
        } else {
        }
        %add3A_99 = arith.addi %while3A_77, %reduce_sum3A_94 : i32
        scf.yield %add3A_99 : i32
      }
      %while3A_74 = arith.constant 1 : i32
      %while3A_75 = scf.for %while3A_76 = %while3A_71 to %while3A_67 step %while3A_74 iter_args(%while3A_77 = %while3A_73) -> (i32)  : i32 {
        %mul3A_78 = arith.constant 16 : i32
        %mul3A_79 = arith.muli %while3A_76, %mul3A_78 : i32
        %get3A = arith.index_cast %mul3A_79 : i32 to index
        %get3A_80 = tpu.vector_load %arg13[%get3A] {strides = array<i32>} : memref<12288xi32, #tpu.memory_space<vmem>>, vector<16xi32>,
        %mul3A_81 = arith.constant 16 : i32
        %mul3A_82 = arith.muli %while3A_76, %mul3A_81 : i32
        %add3A_83 = vector.broadcast %mul3A_82 : i32 to vector<16xi32>
        %add3A_84 = arith.addi %add3A_83, %iota3A : vector<16xi32>
        %lt3A = vector.broadcast %scan3A_12 : i32 to vector<16xi32>
        %lt3A_85 = arith.cmpi slt, %add3A_84, %lt3A : vector<16xi32>
        %shift_right_logical3A = arith.constant 19 : i32
        %shift_right_logical3A_86 = vector.broadcast %shift_right_logical3A : i32 to vector<16xi32>
        %shift_right_logical3A_87 = arith.shrui %get3A_80, %shift_right_logical3A_86 : vector<16xi32>
        %eq3A_88 = vector.broadcast %scan3A_60 : i32 to vector<16xi32>
        %eq3A_89 = arith.cmpi eq, %shift_right_logical3A_87, %eq3A_88 : vector<16xi32>
        %and3A_90 = arith.andi %eq3A_89, %lt3A_85 : vector<16xi1>
        %convert_element_type3A_91 = arith.extui %and3A_90 : vector<16xi1> to vector<16xi32>
        %reduce_sum3A = arith.constant true
        %reduce_sum3A_92 = vector.broadcast %reduce_sum3A : i1 to vector<16xi1>
        %reduce_sum3A_93 = tpu.scan <sum>, %convert_element_type3A_91 masked %reduce_sum3A_92 : vector<16xi32>, vector<16xi1> -> vector<16xi32>
        %reduce_sum3A_94 = vector.extract %reduce_sum3A_93[15] : i32 from vector<16xi32>
        %gt3A = arith.constant 0 : i32
        %gt3A_95 = arith.cmpi sgt, %reduce_sum3A_94, %gt3A : i32
        %convert_element_type3A_96 = arith.extui %gt3A_95 : i1 to i32
        %cond3A_97 = arith.constant 0 : i32
        %cond3A_98 = arith.cmpi ne, %convert_element_type3A_96, %cond3A_97 : i32
        scf.if %cond3A_98 {
          %broadcast_in_dim3A_100 = arith.constant true
          %broadcast_in_dim3A_101 = vector.broadcast %broadcast_in_dim3A_100 : i1 to vector<16xi1>
          %masked_cumsum3A = tpu.scan <sum>, %convert_element_type3A_91 masked %broadcast_in_dim3A_101 : vector<16xi32>, vector<16xi1> -> vector<16xi32>
          %add3A_102 = vector.broadcast %while3A_77 : i32 to vector<16xi32>
          %add3A_103 = arith.addi %add3A_102, %masked_cumsum3A : vector<16xi32>
          %sub3A_104 = arith.subi %add3A_103, %convert_element_type3A_91 : vector<16xi32>
          %min3A = arith.constant 12287 : i32
          %min3A_105 = vector.broadcast %min3A : i32 to vector<16xi32>
          %min3A_106 = arith.minsi %sub3A_104, %min3A_105 : vector<16xi32>
          tpu.vector_store_idx %arg14[%min3A_106], %get3A_80 masked %and3A_90 : memref<12288xi32, #tpu.memory_space<vmem>>[vector<16xi32>], vector<16xi32>, vector<16xi1>
        } else {
        }
        %add3A_99 = arith.addi %while3A_77, %reduce_sum3A_94 : i32
        scf.yield %add3A_99 : i32
      }
      scf.yield %while3A_75 : i32
    }
    %scan3A_40 = arith.constant 20 : i32
    %swap3A = arith.constant 20 : i32
    %swap3A_41 = arith.index_cast %swap3A : i32 to index
    %swap3A_42 = memref.load %arg20[%swap3A_41] : memref<21xi32, #tpu.memory_space<smem>>
    memref.store %scan3A_39, %arg20[%swap3A_41] : memref<21xi32, #tpu.memory_space<smem>>
    %broadcast_in_dim3A = arith.constant 20 : i32
    %broadcast_in_dim3A_43 = vector.broadcast %broadcast_in_dim3A : i32 to vector<16xi32>
    %broadcast_in_dim3A_44 = vector.broadcast %scan3A_39 : i32 to vector<16xi32>
    tpu.vector_store_idx %arg19[%broadcast_in_dim3A_43], %broadcast_in_dim3A_44 masked %eq3A_33 : memref<32xi32, #tpu.memory_space<vmem>>[vector<16xi32>], vector<16xi32>, vector<16xi1>
    %broadcast_in_dim3A_45 = vector.broadcast %scan3A_12 : i32 to vector<16xi32>
    %swap3A_46 = arith.constant 0 : index
    %swap3A_47 = tpu.vector_load %arg18[%swap3A_46] {strides = array<i32>} : memref<16xi32, #tpu.memory_space<vmem>>, vector<16xi32>,
    tpu.vector_store %arg18[%swap3A_46], %broadcast_in_dim3A_45 {strides = array<i32>} : memref<16xi32, #tpu.memory_space<vmem>>, vector<16xi32>,
    %eq3A_48 = arith.constant 0 : i32
    %eq3A_49 = arith.cmpi eq, %arg0, %eq3A_48 : i32
    %convert_element_type3A = arith.extui %eq3A_49 : i1 to i32
    %cond3A = arith.constant 0 : i32
    %cond3A_50 = arith.cmpi ne, %convert_element_type3A, %cond3A : i32
    scf.if %cond3A_50 {
      %mul3A_60 = arith.constant 12288 : i32
      %mul3A_61 = arith.muli %arg1, %mul3A_60 : i32
      "tpu.region"() ({
        %run_scoped3A = tpu.sem_alloc : memref<!tpu.dma_semaphore, #tpu.memory_space<semaphore_mem>>
        %dma_start3A = tpu.memref_slice %arg8[%mul3A_61] : memref<196608xi32, #tpu.memory_space<hbm>> -> memref<12288xi32, #tpu.memory_space<hbm>>
        %dma_start3A_66 = tpu.memref_slice %arg8[%mul3A_61] : memref<196608xi32, #tpu.memory_space<hbm>> -> memref<12288xi32, #tpu.memory_space<hbm>>
        tpu.enqueue_dma source(%arg14 : memref<12288xi32, #tpu.memory_space<vmem>>) target(%dma_start3A_66 : memref<12288xi32, #tpu.memory_space<hbm>>) target_semaphore(%run_scoped3A : memref<!tpu.dma_semaphore, #tpu.memory_space<semaphore_mem>>)
        %dma_wait3A = tpu.memref_slice %arg8[%mul3A_61] : memref<196608xi32, #tpu.memory_space<hbm>> -> memref<12288xi32, #tpu.memory_space<hbm>>
        %dma_wait3A_67 = tpu.memref_slice %arg8[%mul3A_61] : memref<196608xi32, #tpu.memory_space<hbm>> -> memref<12288xi32, #tpu.memory_space<hbm>>
        tpu.wait_dma2 semaphore(%run_scoped3A : memref<!tpu.dma_semaphore, #tpu.memory_space<semaphore_mem>>) src(%arg14 : memref<12288xi32, #tpu.memory_space<vmem>>) dst(%dma_wait3A_67 : memref<12288xi32, #tpu.memory_space<hbm>>)
        tpu.yield
      }) : () -> ()
      %mul3A_62 = arith.constant 16 : i32
      %mul3A_63 = arith.muli %arg1, %mul3A_62 : i32
      "tpu.region"() ({
        %run_scoped3A = tpu.sem_alloc : memref<!tpu.dma_semaphore, #tpu.memory_space<semaphore_mem>>
        %dma_start3A = tpu.memref_slice %arg9[%mul3A_63] : memref<256xi32, #tpu.memory_space<hbm>> -> memref<16xi32, #tpu.memory_space<hbm>>
        %dma_start3A_66 = tpu.memref_slice %arg9[%mul3A_63] : memref<256xi32, #tpu.memory_space<hbm>> -> memref<16xi32, #tpu.memory_space<hbm>>
        tpu.enqueue_dma source(%arg18 : memref<16xi32, #tpu.memory_space<vmem>>) target(%dma_start3A_66 : memref<16xi32, #tpu.memory_space<hbm>>) target_semaphore(%run_scoped3A : memref<!tpu.dma_semaphore, #tpu.memory_space<semaphore_mem>>)
        %dma_wait3A = tpu.memref_slice %arg9[%mul3A_63] : memref<256xi32, #tpu.memory_space<hbm>> -> memref<16xi32, #tpu.memory_space<hbm>>
        %dma_wait3A_67 = tpu.memref_slice %arg9[%mul3A_63] : memref<256xi32, #tpu.memory_space<hbm>> -> memref<16xi32, #tpu.memory_space<hbm>>
        tpu.wait_dma2 semaphore(%run_scoped3A : memref<!tpu.dma_semaphore, #tpu.memory_space<semaphore_mem>>) src(%arg18 : memref<16xi32, #tpu.memory_space<vmem>>) dst(%dma_wait3A_67 : memref<16xi32, #tpu.memory_space<hbm>>)
        tpu.yield
      }) : () -> ()
      %mul3A_64 = arith.constant 32 : i32
      %mul3A_65 = arith.muli %arg1, %mul3A_64 : i32
      "tpu.region"() ({
        %run_scoped3A = tpu.sem_alloc : memref<!tpu.dma_semaphore, #tpu.memory_space<semaphore_mem>>
        %dma_start3A = tpu.memref_slice %arg10[%mul3A_65] : memref<512xi32, #tpu.memory_space<hbm>> -> memref<32xi32, #tpu.memory_space<hbm>>
        %dma_start3A_66 = tpu.memref_slice %arg10[%mul3A_65] : memref<512xi32, #tpu.memory_space<hbm>> -> memref<32xi32, #tpu.memory_space<hbm>>
        tpu.enqueue_dma source(%arg19 : memref<32xi32, #tpu.memory_space<vmem>>) target(%dma_start3A_66 : memref<32xi32, #tpu.memory_space<hbm>>) target_semaphore(%run_scoped3A : memref<!tpu.dma_semaphore, #tpu.memory_space<semaphore_mem>>)
        %dma_wait3A = tpu.memref_slice %arg10[%mul3A_65] : memref<512xi32, #tpu.memory_space<hbm>> -> memref<32xi32, #tpu.memory_space<hbm>>
        %dma_wait3A_67 = tpu.memref_slice %arg10[%mul3A_65] : memref<512xi32, #tpu.memory_space<hbm>> -> memref<32xi32, #tpu.memory_space<hbm>>
        tpu.wait_dma2 semaphore(%run_scoped3A : memref<!tpu.dma_semaphore, #tpu.memory_space<semaphore_mem>>) src(%arg19 : memref<32xi32, #tpu.memory_space<vmem>>) dst(%dma_wait3A_67 : memref<32xi32, #tpu.memory_space<hbm>>)
        tpu.yield
      }) : () -> ()
    } else {
    }
    %broadcast_in_dim3A_51 = arith.constant 79 : i32
    %broadcast_in_dim3A_52 = vector.broadcast %broadcast_in_dim3A_51 : i32 to vector<16xi32>
    %scan3A_53 = arith.constant 0 : i32
    %scan3A_54 = arith.constant 0 : i32
    %scan3A_55 = arith.constant 5 : i32
    %scan3A_56 = arith.addi %scan3A_54, %scan3A_55 : i32
    %scan3A_57 = arith.constant 1 : i32
    %scan3A_58 = scf.for %scan3A_60 = %scan3A_54 to %scan3A_56 step %scan3A_57 iter_args(%scan3A_61 = %scan3A_53) -> (i32)  : i32 {
      %mul3A_62 = arith.constant 5 : i32
      %mul3A_63 = arith.muli %arg0, %mul3A_62 : i32
      %add3A_64 = arith.addi %mul3A_63, %scan3A_60 : i32
      "tpu.region"() ({
        %run_scoped3A = tpu.sem_alloc : memref<!tpu.dma_semaphore, #tpu.memory_space<semaphore_mem>>
        %dma_start3A = tpu.memref_slice %arg4[%add3A_64, %mul3A_0] : memref<10x10112xf32, #tpu.memory_space<hbm>> -> memref<1x632xf32, #tpu.memory_space<hbm>>
        %dma_start3A_73 = tpu.memref_squeeze %dma_start3A : memref<1x632xf32, #tpu.memory_space<hbm>> -> memref<632xf32, #tpu.memory_space<hbm>>
        %dma_start3A_74 = tpu.memref_slice %arg4[%add3A_64, %mul3A_0] : memref<10x10112xf32, #tpu.memory_space<hbm>> -> memref<1x632xf32, #tpu.memory_space<hbm>>
        %dma_start3A_75 = tpu.memref_squeeze %dma_start3A_74 : memref<1x632xf32, #tpu.memory_space<hbm>> -> memref<632xf32, #tpu.memory_space<hbm>>
        tpu.enqueue_dma source(%dma_start3A_75 : memref<632xf32, #tpu.memory_space<hbm>>) target(%arg16 : memref<632xf32, #tpu.memory_space<vmem>>) target_semaphore(%run_scoped3A : memref<!tpu.dma_semaphore, #tpu.memory_space<semaphore_mem>>)
        %dma_wait3A = tpu.memref_slice %arg4[%add3A_64, %mul3A_0] : memref<10x10112xf32, #tpu.memory_space<hbm>> -> memref<1x632xf32, #tpu.memory_space<hbm>>
        %dma_wait3A_76 = tpu.memref_squeeze %dma_wait3A : memref<1x632xf32, #tpu.memory_space<hbm>> -> memref<632xf32, #tpu.memory_space<hbm>>
        %dma_wait3A_77 = tpu.memref_slice %arg4[%add3A_64, %mul3A_0] : memref<10x10112xf32, #tpu.memory_space<hbm>> -> memref<1x632xf32, #tpu.memory_space<hbm>>
        %dma_wait3A_78 = tpu.memref_squeeze %dma_wait3A_77 : memref<1x632xf32, #tpu.memory_space<hbm>> -> memref<632xf32, #tpu.memory_space<hbm>>
        tpu.wait_dma2 semaphore(%run_scoped3A : memref<!tpu.dma_semaphore, #tpu.memory_space<semaphore_mem>>) src(%dma_wait3A_78 : memref<632xf32, #tpu.memory_space<hbm>>) dst(%arg16 : memref<632xf32, #tpu.memory_space<vmem>>)
        tpu.yield
      }) : () -> ()
      "tpu.region"() ({
        %run_scoped3A = tpu.sem_alloc : memref<!tpu.dma_semaphore, #tpu.memory_space<semaphore_mem>>
        tpu.enqueue_dma source(%arg6 : memref<632x80xf32, #tpu.memory_space<hbm>>) target(%arg17 : memref<632x80xf32, #tpu.memory_space<vmem>>) target_semaphore(%run_scoped3A : memref<!tpu.dma_semaphore, #tpu.memory_space<semaphore_mem>>)
        tpu.wait_dma2 semaphore(%run_scoped3A : memref<!tpu.dma_semaphore, #tpu.memory_space<semaphore_mem>>) src(%arg6 : memref<632x80xf32, #tpu.memory_space<hbm>>) dst(%arg17 : memref<632x80xf32, #tpu.memory_space<vmem>>)
        tpu.yield
      }) : () -> ()
      %scan3A_65 = arith.constant 0 : i32
      %scan3A_66 = arith.constant 0 : i32
      %scan3A_67 = arith.constant 20 : i32
      %scan3A_68 = arith.addi %scan3A_66, %scan3A_67 : i32
      %scan3A_69 = arith.constant 1 : i32
      %scan3A_70 = scf.for %scan3A_73 = %scan3A_66 to %scan3A_68 step %scan3A_69 iter_args(%scan3A_74 = %scan3A_65) -> (i32)  : i32 {
        %mul3A_75 = arith.constant 512 : i32
        %mul3A_76 = arith.muli %scan3A_73, %mul3A_75 : i32
        %dma_start3A = arith.constant 0 : i32
        %dma_start3A_77 = tpu.memref_slice %arg5[%add3A_64, %mul3A_76, %dma_start3A] : memref<10x10240x80xf32, #tpu.memory_space<hbm>> -> memref<1x512x80xf32, #tpu.memory_space<hbm>>
        %dma_start3A_78 = tpu.memref_squeeze %dma_start3A_77 : memref<1x512x80xf32, #tpu.memory_space<hbm>> -> memref<512x80xf32, #tpu.memory_space<hbm>>
        %dma_start3A_79 = arith.constant 0 : i32
        %dma_start3A_80 = tpu.memref_slice %arg5[%add3A_64, %mul3A_76, %dma_start3A_79] : memref<10x10240x80xf32, #tpu.memory_space<hbm>> -> memref<1x512x80xf32, #tpu.memory_space<hbm>>
        %dma_start3A_81 = tpu.memref_squeeze %dma_start3A_80 : memref<1x512x80xf32, #tpu.memory_space<hbm>> -> memref<512x80xf32, #tpu.memory_space<hbm>>
        tpu.enqueue_dma source(%dma_start3A_81 : memref<512x80xf32, #tpu.memory_space<hbm>>) target(%arg15 : memref<512x80xf32, #tpu.memory_space<vmem>>) target_semaphore(%arg21 : memref<!tpu.dma_semaphore, #tpu.memory_space<semaphore_mem>>)
        %dma_wait3A = arith.constant 0 : i32
        %dma_wait3A_82 = tpu.memref_slice %arg5[%add3A_64, %mul3A_76, %dma_wait3A] : memref<10x10240x80xf32, #tpu.memory_space<hbm>> -> memref<1x512x80xf32, #tpu.memory_space<hbm>>
        %dma_wait3A_83 = tpu.memref_squeeze %dma_wait3A_82 : memref<1x512x80xf32, #tpu.memory_space<hbm>> -> memref<512x80xf32, #tpu.memory_space<hbm>>
        %dma_wait3A_84 = arith.constant 0 : i32
        %dma_wait3A_85 = tpu.memref_slice %arg5[%add3A_64, %mul3A_76, %dma_wait3A_84] : memref<10x10240x80xf32, #tpu.memory_space<hbm>> -> memref<1x512x80xf32, #tpu.memory_space<hbm>>
        %dma_wait3A_86 = tpu.memref_squeeze %dma_wait3A_85 : memref<1x512x80xf32, #tpu.memory_space<hbm>> -> memref<512x80xf32, #tpu.memory_space<hbm>>
        tpu.wait_dma2 semaphore(%arg21 : memref<!tpu.dma_semaphore, #tpu.memory_space<semaphore_mem>>) src(%dma_wait3A_86 : memref<512x80xf32, #tpu.memory_space<hbm>>) dst(%arg15 : memref<512x80xf32, #tpu.memory_space<vmem>>)
        %get3A = arith.index_cast %scan3A_73 : i32 to index
        %get3A_87 = memref.load %arg20[%get3A] : memref<21xi32, #tpu.memory_space<smem>>
        %add3A_88 = arith.constant 1 : i32
        %add3A_89 = arith.addi %scan3A_73, %add3A_88 : i32
        %get3A_90 = arith.index_cast %add3A_89 : i32 to index
        %get3A_91 = memref.load %arg20[%get3A_90] : memref<21xi32, #tpu.memory_space<smem>>
        %sub3A_92 = arith.subi %get3A_91, %get3A_87 : i32
        %mul3A_93 = arith.constant 512 : i32
        %mul3A_94 = arith.muli %scan3A_73, %mul3A_93 : i32
        %add3A_95 = arith.constant 15 : i32
        %add3A_96 = arith.addi %sub3A_92, %add3A_95 : i32
        %jit3A_97 = arith.constant 16 : i32
        %div3A_98 = arith.divsi %add3A_96, %jit3A_97 : i32
        %sign3A_99 = arith.constant 0 : i32
        %sign3A_100 = arith.cmpi sgt, %add3A_96, %sign3A_99 : i32
        %sign3A_101 = arith.extui %sign3A_100 : i1 to i32
        %sign3A_102 = arith.constant 0 : i32
        %sign3A_103 = arith.cmpi slt, %add3A_96, %sign3A_102 : i32
        %sign3A_104 = arith.extui %sign3A_103 : i1 to i32
        %sign3A_105 = arith.subi %sign3A_101, %sign3A_104 : i32
        %sign3A_106 = arith.constant 0 : i32
        %sign3A_107 = arith.cmpi sgt, %jit3A_97, %sign3A_106 : i32
        %sign3A_108 = arith.extui %sign3A_107 : i1 to i32
        %sign3A_109 = arith.constant 0 : i32
        %sign3A_110 = arith.cmpi slt, %jit3A_97, %sign3A_109 : i32
        %sign3A_111 = arith.extui %sign3A_110 : i1 to i32
        %sign3A_112 = arith.subi %sign3A_108, %sign3A_111 : i32
        %ne3A_113 = arith.cmpi ne, %sign3A_105, %sign3A_112 : i32
        %rem3A_114 = arith.remsi %add3A_96, %jit3A_97 : i32
        %ne3A_115 = arith.constant 0 : i32
        %ne3A_116 = arith.cmpi ne, %rem3A_114, %ne3A_115 : i32
        %and3A_117 = arith.andi %ne3A_113, %ne3A_116 : i1
        %sub3A_118 = arith.constant 1 : i32
        %sub3A_119 = arith.subi %div3A_98, %sub3A_118 : i32
        %select_n3A_120 = arith.select %and3A_117, %sub3A_119, %div3A_98 : i32
        %while3A = arith.constant 0 : i32
        %while3A_121 = arith.constant 0 : i32
        %while3A_122 = arith.subi %select_n3A_120, %while3A : i32
        %while3A_123 = arith.addi %while3A, %while3A_122 : i32
        %while3A_124 = arith.constant 1 : i32
        %while3A_125 = arith.divsi %while3A_122, %while3A_124 : i32
        %while3A_126 = arith.muli %while3A_125, %while3A_124 : i32
        %while3A_127 = arith.addi %while3A, %while3A_126 : i32
        %while3A_128 = arith.constant 1 : i32
        %while3A_129 = scf.for %while3A_133 = %while3A to %while3A_127 step %while3A_128 iter_args(%while3A_134 = %while3A_121) -> (i32)  : i32 {
          %mul3A_135 = arith.constant 16 : i32
          %mul3A_136 = arith.muli %while3A_133, %mul3A_135 : i32
          %add3A_137 = arith.addi %get3A_87, %mul3A_136 : i32
          %get3A_138 = arith.index_cast %add3A_137 : i32 to index
          %get3A_139 = tpu.vector_load %arg14[%get3A_138] {strides = array<i32>} : memref<12288xi32, #tpu.memory_space<vmem>>, vector<16xi32>,
          %shift_right_logical3A = arith.constant 10 : i32
          %shift_right_logical3A_140 = vector.broadcast %shift_right_logical3A : i32 to vector<16xi32>
          %shift_right_logical3A_141 = arith.shrui %get3A_139, %shift_right_logical3A_140 : vector<16xi32>
          %sub3A_142 = vector.broadcast %mul3A_94 : i32 to vector<16xi32>
          %sub3A_143 = arith.subi %shift_right_logical3A_141, %sub3A_142 : vector<16xi32>
          %jit3A_144 = arith.constant 0 : i32
          %jit3A_145 = arith.constant 511 : i32
          %max3A = vector.broadcast %jit3A_144 : i32 to vector<16xi32>
          %max3A_146 = arith.maxsi %max3A, %sub3A_143 : vector<16xi32>
          %min3A = vector.broadcast %jit3A_145 : i32 to vector<16xi32>
          %min3A_147 = arith.minsi %min3A, %max3A_146 : vector<16xi32>
          %and3A_148 = arith.constant 1023 : i32
          %and3A_149 = vector.broadcast %and3A_148 : i32 to vector<16xi32>
          %and3A_150 = arith.andi %get3A_139, %and3A_149 : vector<16xi32>
          %gather3A = tpu.vector_load_idx %arg15[%min3A_147, %broadcast_in_dim3A_52] : memref<512x80xf32, #tpu.memory_space<vmem>>[vector<16xi32>, vector<16xi32>], vector<16xf32>,
          %gather3A_151 = tpu.vector_load_idx %arg16[%and3A_150] : memref<632xf32, #tpu.memory_space<vmem>>[vector<16xi32>], vector<16xf32>,
          %add3A_152 = arith.addf %gather3A, %gather3A_151 : vector<16xf32>
          %ge3A = arith.constant 0.000000e+00 : f32
          %ge3A_153 = vector.broadcast %ge3A : f32 to vector<16xf32>
          %ge3A_154 = arith.cmpf oge, %add3A_152, %ge3A_153 : vector<16xf32>
          %mul3A_155 = arith.constant 2.000000e-01 : f32
          %mul3A_156 = vector.broadcast %mul3A_155 : f32 to vector<16xf32>
          %mul3A_157 = arith.mulf %mul3A_156, %add3A_152 : vector<16xf32>
          %select_n3A_158 = arith.select %ge3A_154, %add3A_152, %mul3A_157 : vector<16xi1>, vector<16xf32>
          %exp3A = math.exp %select_n3A_158 : vector<16xf32>
          %mul3A_159 = arith.constant 16 : i32
          %mul3A_160 = arith.muli %while3A_133, %mul3A_159 : i32
          %add3A_161 = vector.broadcast %mul3A_160 : i32 to vector<16xi32>
          %add3A_162 = arith.addi %add3A_161, %iota3A : vector<16xi32>
          %lt3A = vector.broadcast %sub3A_92 : i32 to vector<16xi32>
          %lt3A_163 = arith.cmpi slt, %add3A_162, %lt3A : vector<16xi32>
          %jit3A_164 = arith.constant 0.000000e+00 : f32
          %broadcast_in_dim3A_165 = vector.broadcast %jit3A_164 : f32 to vector<16xf32>
          %select_n3A_166 = arith.select %lt3A_163, %exp3A, %broadcast_in_dim3A_165 : vector<16xi1>, vector<16xf32>
          %parallel_loop3A = arith.constant 0 : i32
          %parallel_loop3A_167 = arith.constant 16 : i32
          %parallel_loop3A_168 = arith.constant 1 : i32
          scf.for %parallel_loop3A_170 = %parallel_loop3A to %parallel_loop3A_167 step %parallel_loop3A_168  : i32 {
            %parallel_loop3A_171 = vector.broadcast %parallel_loop3A_170 : i32 to vector<16x1xi32>
            %parallel_loop3A_172 = vector.shape_cast %parallel_loop3A_171 : vector<16x1xi32> to vector<16xi32>
            %parallel_loop3A_173 = tpu.dynamic_gather %select_n3A_166[%parallel_loop3A_172] in [0] : vector<16xf32>, vector<16xi32> -> vector<16xf32>
            %parallel_loop3A_174 = vector.broadcast %parallel_loop3A_170 : i32 to vector<16x1xi32>
            %parallel_loop3A_175 = vector.shape_cast %parallel_loop3A_174 : vector<16x1xi32> to vector<16xi32>
            %parallel_loop3A_176 = tpu.dynamic_gather %and3A_150[%parallel_loop3A_175] in [0] : vector<16xi32>, vector<16xi32> -> vector<16xi32>
            %parallel_loop3A_177 = vector.broadcast %parallel_loop3A_170 : i32 to vector<16x1xi32>
            %parallel_loop3A_178 = vector.shape_cast %parallel_loop3A_177 : vector<16x1xi32> to vector<16xi32>
            %parallel_loop3A_179 = tpu.dynamic_gather %min3A_147[%parallel_loop3A_178] in [0] : vector<16xi32>, vector<16xi32> -> vector<16xi32>
            %parallel_loop3A_180 = arith.constant 0 : i32
            %parallel_loop3A_181 = vector.broadcast %parallel_loop3A_180 : i32 to vector<16xi32>
            %parallel_loop3A_182 = arith.addi %parallel_loop3A_181, %iota3A : vector<16xi32>
            %parallel_loop3A_183 = tpu.vector_load_idx %arg15[%parallel_loop3A_179, %parallel_loop3A_182] : memref<512x80xf32, #tpu.memory_space<vmem>>[vector<16xi32>, vector<16xi32>], vector<16xf32>,
            %parallel_loop3A_184 = arith.constant 0 : i32
            %parallel_loop3A_185 = vector.broadcast %parallel_loop3A_184 : i32 to vector<16xi32>
            %parallel_loop3A_186 = arith.addi %parallel_loop3A_185, %iota3A : vector<16xi32>
            %parallel_loop3A_187 = arith.mulf %parallel_loop3A_183, %parallel_loop3A_173 : vector<16xf32>
            tpu.vector_store_idx %arg17[%parallel_loop3A_176, %parallel_loop3A_186], %parallel_loop3A_187 {add = true} : memref<632x80xf32, #tpu.memory_space<vmem>>[vector<16xi32>, vector<16xi32>], vector<16xf32>,
            %parallel_loop3A_188 = arith.constant 16 : i32
            %parallel_loop3A_189 = vector.broadcast %parallel_loop3A_188 : i32 to vector<16xi32>
            %parallel_loop3A_190 = arith.addi %parallel_loop3A_189, %iota3A : vector<16xi32>
            %parallel_loop3A_191 = tpu.vector_load_idx %arg15[%parallel_loop3A_179, %parallel_loop3A_190] : memref<512x80xf32, #tpu.memory_space<vmem>>[vector<16xi32>, vector<16xi32>], vector<16xf32>,
            %parallel_loop3A_192 = arith.constant 16 : i32
            %parallel_loop3A_193 = vector.broadcast %parallel_loop3A_192 : i32 to vector<16xi32>
            %parallel_loop3A_194 = arith.addi %parallel_loop3A_193, %iota3A : vector<16xi32>
            %parallel_loop3A_195 = arith.mulf %parallel_loop3A_191, %parallel_loop3A_173 : vector<16xf32>
            tpu.vector_store_idx %arg17[%parallel_loop3A_176, %parallel_loop3A_194], %parallel_loop3A_195 {add = true} : memref<632x80xf32, #tpu.memory_space<vmem>>[vector<16xi32>, vector<16xi32>], vector<16xf32>,
            %parallel_loop3A_196 = arith.constant 32 : i32
            %parallel_loop3A_197 = vector.broadcast %parallel_loop3A_196 : i32 to vector<16xi32>
            %parallel_loop3A_198 = arith.addi %parallel_loop3A_197, %iota3A : vector<16xi32>
            %parallel_loop3A_199 = tpu.vector_load_idx %arg15[%parallel_loop3A_179, %parallel_loop3A_198] : memref<512x80xf32, #tpu.memory_space<vmem>>[vector<16xi32>, vector<16xi32>], vector<16xf32>,
            %parallel_loop3A_200 = arith.constant 32 : i32
            %parallel_loop3A_201 = vector.broadcast %parallel_loop3A_200 : i32 to vector<16xi32>
            %parallel_loop3A_202 = arith.addi %parallel_loop3A_201, %iota3A : vector<16xi32>
            %parallel_loop3A_203 = arith.mulf %parallel_loop3A_199, %parallel_loop3A_173 : vector<16xf32>
            tpu.vector_store_idx %arg17[%parallel_loop3A_176, %parallel_loop3A_202], %parallel_loop3A_203 {add = true} : memref<632x80xf32, #tpu.memory_space<vmem>>[vector<16xi32>, vector<16xi32>], vector<16xf32>,
            %parallel_loop3A_204 = arith.constant 48 : i32
            %parallel_loop3A_205 = vector.broadcast %parallel_loop3A_204 : i32 to vector<16xi32>
            %parallel_loop3A_206 = arith.addi %parallel_loop3A_205, %iota3A : vector<16xi32>
            %parallel_loop3A_207 = tpu.vector_load_idx %arg15[%parallel_loop3A_179, %parallel_loop3A_206] : memref<512x80xf32, #tpu.memory_space<vmem>>[vector<16xi32>, vector<16xi32>], vector<16xf32>,
            %parallel_loop3A_208 = arith.constant 48 : i32
            %parallel_loop3A_209 = vector.broadcast %parallel_loop3A_208 : i32 to vector<16xi32>
            %parallel_loop3A_210 = arith.addi %parallel_loop3A_209, %iota3A : vector<16xi32>
            %parallel_loop3A_211 = arith.mulf %parallel_loop3A_207, %parallel_loop3A_173 : vector<16xf32>
            tpu.vector_store_idx %arg17[%parallel_loop3A_176, %parallel_loop3A_210], %parallel_loop3A_211 {add = true} : memref<632x80xf32, #tpu.memory_space<vmem>>[vector<16xi32>, vector<16xi32>], vector<16xf32>,
            %parallel_loop3A_212 = arith.constant 64 : i32
            %parallel_loop3A_213 = vector.broadcast %parallel_loop3A_212 : i32 to vector<16xi32>
            %parallel_loop3A_214 = arith.addi %parallel_loop3A_213, %iota3A : vector<16xi32>
            %parallel_loop3A_215 = tpu.vector_load_idx %arg15[%parallel_loop3A_179, %parallel_loop3A_214] : memref<512x80xf32, #tpu.memory_space<vmem>>[vector<16xi32>, vector<16xi32>], vector<16xf32>,
            %parallel_loop3A_216 = arith.constant 64 : i32
            %parallel_loop3A_217 = vector.broadcast %parallel_loop3A_216 : i32 to vector<16xi32>
            %parallel_loop3A_218 = arith.addi %parallel_loop3A_217, %iota3A : vector<16xi32>
            %parallel_loop3A_219 = arith.mulf %parallel_loop3A_215, %parallel_loop3A_173 : vector<16xf32>
            tpu.vector_store_idx %arg17[%parallel_loop3A_176, %parallel_loop3A_218], %parallel_loop3A_219 {add = true} : memref<632x80xf32, #tpu.memory_space<vmem>>[vector<16xi32>, vector<16xi32>], vector<16xf32>,
          } {sc.loop_unroll_factor = 8 : i64, sc.parallel_access}
          %while3A_169 = arith.constant 0 : i32
          scf.yield %while3A_169 : i32
        }
        %while3A_130 = arith.constant 1 : i32
        %while3A_131 = scf.for %while3A_133 = %while3A_127 to %while3A_123 step %while3A_130 iter_args(%while3A_134 = %while3A_129) -> (i32)  : i32 {
          %mul3A_135 = arith.constant 16 : i32
          %mul3A_136 = arith.muli %while3A_133, %mul3A_135 : i32
          %add3A_137 = arith.addi %get3A_87, %mul3A_136 : i32
          %get3A_138 = arith.index_cast %add3A_137 : i32 to index
          %get3A_139 = tpu.vector_load %arg14[%get3A_138] {strides = array<i32>} : memref<12288xi32, #tpu.memory_space<vmem>>, vector<16xi32>,
          %shift_right_logical3A = arith.constant 10 : i32
          %shift_right_logical3A_140 = vector.broadcast %shift_right_logical3A : i32 to vector<16xi32>
          %shift_right_logical3A_141 = arith.shrui %get3A_139, %shift_right_logical3A_140 : vector<16xi32>
          %sub3A_142 = vector.broadcast %mul3A_94 : i32 to vector<16xi32>
          %sub3A_143 = arith.subi %shift_right_logical3A_141, %sub3A_142 : vector<16xi32>
          %jit3A_144 = arith.constant 0 : i32
          %jit3A_145 = arith.constant 511 : i32
          %max3A = vector.broadcast %jit3A_144 : i32 to vector<16xi32>
          %max3A_146 = arith.maxsi %max3A, %sub3A_143 : vector<16xi32>
          %min3A = vector.broadcast %jit3A_145 : i32 to vector<16xi32>
          %min3A_147 = arith.minsi %min3A, %max3A_146 : vector<16xi32>
          %and3A_148 = arith.constant 1023 : i32
          %and3A_149 = vector.broadcast %and3A_148 : i32 to vector<16xi32>
          %and3A_150 = arith.andi %get3A_139, %and3A_149 : vector<16xi32>
          %gather3A = tpu.vector_load_idx %arg15[%min3A_147, %broadcast_in_dim3A_52] : memref<512x80xf32, #tpu.memory_space<vmem>>[vector<16xi32>, vector<16xi32>], vector<16xf32>,
          %gather3A_151 = tpu.vector_load_idx %arg16[%and3A_150] : memref<632xf32, #tpu.memory_space<vmem>>[vector<16xi32>], vector<16xf32>,
          %add3A_152 = arith.addf %gather3A, %gather3A_151 : vector<16xf32>
          %ge3A = arith.constant 0.000000e+00 : f32
          %ge3A_153 = vector.broadcast %ge3A : f32 to vector<16xf32>
          %ge3A_154 = arith.cmpf oge, %add3A_152, %ge3A_153 : vector<16xf32>
          %mul3A_155 = arith.constant 2.000000e-01 : f32
          %mul3A_156 = vector.broadcast %mul3A_155 : f32 to vector<16xf32>
          %mul3A_157 = arith.mulf %mul3A_156, %add3A_152 : vector<16xf32>
          %select_n3A_158 = arith.select %ge3A_154, %add3A_152, %mul3A_157 : vector<16xi1>, vector<16xf32>
          %exp3A = math.exp %select_n3A_158 : vector<16xf32>
          %mul3A_159 = arith.constant 16 : i32
          %mul3A_160 = arith.muli %while3A_133, %mul3A_159 : i32
          %add3A_161 = vector.broadcast %mul3A_160 : i32 to vector<16xi32>
          %add3A_162 = arith.addi %add3A_161, %iota3A : vector<16xi32>
          %lt3A = vector.broadcast %sub3A_92 : i32 to vector<16xi32>
          %lt3A_163 = arith.cmpi slt, %add3A_162, %lt3A : vector<16xi32>
          %jit3A_164 = arith.constant 0.000000e+00 : f32
          %broadcast_in_dim3A_165 = vector.broadcast %jit3A_164 : f32 to vector<16xf32>
          %select_n3A_166 = arith.select %lt3A_163, %exp3A, %broadcast_in_dim3A_165 : vector<16xi1>, vector<16xf32>
          %parallel_loop3A = arith.constant 0 : i32
          %parallel_loop3A_167 = arith.constant 16 : i32
          %parallel_loop3A_168 = arith.constant 1 : i32
          scf.for %parallel_loop3A_170 = %parallel_loop3A to %parallel_loop3A_167 step %parallel_loop3A_168  : i32 {
            %parallel_loop3A_171 = vector.broadcast %parallel_loop3A_170 : i32 to vector<16x1xi32>
            %parallel_loop3A_172 = vector.shape_cast %parallel_loop3A_171 : vector<16x1xi32> to vector<16xi32>
            %parallel_loop3A_173 = tpu.dynamic_gather %select_n3A_166[%parallel_loop3A_172] in [0] : vector<16xf32>, vector<16xi32> -> vector<16xf32>
            %parallel_loop3A_174 = vector.broadcast %parallel_loop3A_170 : i32 to vector<16x1xi32>
            %parallel_loop3A_175 = vector.shape_cast %parallel_loop3A_174 : vector<16x1xi32> to vector<16xi32>
            %parallel_loop3A_176 = tpu.dynamic_gather %and3A_150[%parallel_loop3A_175] in [0] : vector<16xi32>, vector<16xi32> -> vector<16xi32>
            %parallel_loop3A_177 = vector.broadcast %parallel_loop3A_170 : i32 to vector<16x1xi32>
            %parallel_loop3A_178 = vector.shape_cast %parallel_loop3A_177 : vector<16x1xi32> to vector<16xi32>
            %parallel_loop3A_179 = tpu.dynamic_gather %min3A_147[%parallel_loop3A_178] in [0] : vector<16xi32>, vector<16xi32> -> vector<16xi32>
            %parallel_loop3A_180 = arith.constant 0 : i32
            %parallel_loop3A_181 = vector.broadcast %parallel_loop3A_180 : i32 to vector<16xi32>
            %parallel_loop3A_182 = arith.addi %parallel_loop3A_181, %iota3A : vector<16xi32>
            %parallel_loop3A_183 = tpu.vector_load_idx %arg15[%parallel_loop3A_179, %parallel_loop3A_182] : memref<512x80xf32, #tpu.memory_space<vmem>>[vector<16xi32>, vector<16xi32>], vector<16xf32>,
            %parallel_loop3A_184 = arith.constant 0 : i32
            %parallel_loop3A_185 = vector.broadcast %parallel_loop3A_184 : i32 to vector<16xi32>
            %parallel_loop3A_186 = arith.addi %parallel_loop3A_185, %iota3A : vector<16xi32>
            %parallel_loop3A_187 = arith.mulf %parallel_loop3A_183, %parallel_loop3A_173 : vector<16xf32>
            tpu.vector_store_idx %arg17[%parallel_loop3A_176, %parallel_loop3A_186], %parallel_loop3A_187 {add = true} : memref<632x80xf32, #tpu.memory_space<vmem>>[vector<16xi32>, vector<16xi32>], vector<16xf32>,
            %parallel_loop3A_188 = arith.constant 16 : i32
            %parallel_loop3A_189 = vector.broadcast %parallel_loop3A_188 : i32 to vector<16xi32>
            %parallel_loop3A_190 = arith.addi %parallel_loop3A_189, %iota3A : vector<16xi32>
            %parallel_loop3A_191 = tpu.vector_load_idx %arg15[%parallel_loop3A_179, %parallel_loop3A_190] : memref<512x80xf32, #tpu.memory_space<vmem>>[vector<16xi32>, vector<16xi32>], vector<16xf32>,
            %parallel_loop3A_192 = arith.constant 16 : i32
            %parallel_loop3A_193 = vector.broadcast %parallel_loop3A_192 : i32 to vector<16xi32>
            %parallel_loop3A_194 = arith.addi %parallel_loop3A_193, %iota3A : vector<16xi32>
            %parallel_loop3A_195 = arith.mulf %parallel_loop3A_191, %parallel_loop3A_173 : vector<16xf32>
            tpu.vector_store_idx %arg17[%parallel_loop3A_176, %parallel_loop3A_194], %parallel_loop3A_195 {add = true} : memref<632x80xf32, #tpu.memory_space<vmem>>[vector<16xi32>, vector<16xi32>], vector<16xf32>,
            %parallel_loop3A_196 = arith.constant 32 : i32
            %parallel_loop3A_197 = vector.broadcast %parallel_loop3A_196 : i32 to vector<16xi32>
            %parallel_loop3A_198 = arith.addi %parallel_loop3A_197, %iota3A : vector<16xi32>
            %parallel_loop3A_199 = tpu.vector_load_idx %arg15[%parallel_loop3A_179, %parallel_loop3A_198] : memref<512x80xf32, #tpu.memory_space<vmem>>[vector<16xi32>, vector<16xi32>], vector<16xf32>,
            %parallel_loop3A_200 = arith.constant 32 : i32
            %parallel_loop3A_201 = vector.broadcast %parallel_loop3A_200 : i32 to vector<16xi32>
            %parallel_loop3A_202 = arith.addi %parallel_loop3A_201, %iota3A : vector<16xi32>
            %parallel_loop3A_203 = arith.mulf %parallel_loop3A_199, %parallel_loop3A_173 : vector<16xf32>
            tpu.vector_store_idx %arg17[%parallel_loop3A_176, %parallel_loop3A_202], %parallel_loop3A_203 {add = true} : memref<632x80xf32, #tpu.memory_space<vmem>>[vector<16xi32>, vector<16xi32>], vector<16xf32>,
            %parallel_loop3A_204 = arith.constant 48 : i32
            %parallel_loop3A_205 = vector.broadcast %parallel_loop3A_204 : i32 to vector<16xi32>
            %parallel_loop3A_206 = arith.addi %parallel_loop3A_205, %iota3A : vector<16xi32>
            %parallel_loop3A_207 = tpu.vector_load_idx %arg15[%parallel_loop3A_179, %parallel_loop3A_206] : memref<512x80xf32, #tpu.memory_space<vmem>>[vector<16xi32>, vector<16xi32>], vector<16xf32>,
            %parallel_loop3A_208 = arith.constant 48 : i32
            %parallel_loop3A_209 = vector.broadcast %parallel_loop3A_208 : i32 to vector<16xi32>
            %parallel_loop3A_210 = arith.addi %parallel_loop3A_209, %iota3A : vector<16xi32>
            %parallel_loop3A_211 = arith.mulf %parallel_loop3A_207, %parallel_loop3A_173 : vector<16xf32>
            tpu.vector_store_idx %arg17[%parallel_loop3A_176, %parallel_loop3A_210], %parallel_loop3A_211 {add = true} : memref<632x80xf32, #tpu.memory_space<vmem>>[vector<16xi32>, vector<16xi32>], vector<16xf32>,
            %parallel_loop3A_212 = arith.constant 64 : i32
            %parallel_loop3A_213 = vector.broadcast %parallel_loop3A_212 : i32 to vector<16xi32>
            %parallel_loop3A_214 = arith.addi %parallel_loop3A_213, %iota3A : vector<16xi32>
            %parallel_loop3A_215 = tpu.vector_load_idx %arg15[%parallel_loop3A_179, %parallel_loop3A_214] : memref<512x80xf32, #tpu.memory_space<vmem>>[vector<16xi32>, vector<16xi32>], vector<16xf32>,
            %parallel_loop3A_216 = arith.constant 64 : i32
            %parallel_loop3A_217 = vector.broadcast %parallel_loop3A_216 : i32 to vector<16xi32>
            %parallel_loop3A_218 = arith.addi %parallel_loop3A_217, %iota3A : vector<16xi32>
            %parallel_loop3A_219 = arith.mulf %parallel_loop3A_215, %parallel_loop3A_173 : vector<16xf32>
            tpu.vector_store_idx %arg17[%parallel_loop3A_176, %parallel_loop3A_218], %parallel_loop3A_219 {add = true} : memref<632x80xf32, #tpu.memory_space<vmem>>[vector<16xi32>, vector<16xi32>], vector<16xf32>,
          } {sc.loop_unroll_factor = 8 : i64, sc.parallel_access}
          %while3A_169 = arith.constant 0 : i32
          scf.yield %while3A_169 : i32
        }
        %scan3A_132 = arith.constant 0 : i32
        scf.yield %scan3A_132 : i32
      }
      %scan3A_71 = arith.constant 20 : i32
      "tpu.region"() ({
        %run_scoped3A = tpu.sem_alloc : memref<!tpu.dma_semaphore, #tpu.memory_space<semaphore_mem>>
        %dma_start3A = arith.constant 0 : i32
        %dma_start3A_73 = tpu.memref_slice %arg7[%add3A_64, %mul3A_0, %dma_start3A] : memref<10x10112x80xf32, #tpu.memory_space<hbm>> -> memref<1x632x80xf32, #tpu.memory_space<hbm>>
        %dma_start3A_74 = tpu.memref_squeeze %dma_start3A_73 : memref<1x632x80xf32, #tpu.memory_space<hbm>> -> memref<632x80xf32, #tpu.memory_space<hbm>>
        %dma_start3A_75 = arith.constant 0 : i32
        %dma_start3A_76 = tpu.memref_slice %arg7[%add3A_64, %mul3A_0, %dma_start3A_75] : memref<10x10112x80xf32, #tpu.memory_space<hbm>> -> memref<1x632x80xf32, #tpu.memory_space<hbm>>
        %dma_start3A_77 = tpu.memref_squeeze %dma_start3A_76 : memref<1x632x80xf32, #tpu.memory_space<hbm>> -> memref<632x80xf32, #tpu.memory_space<hbm>>
        tpu.enqueue_dma source(%arg17 : memref<632x80xf32, #tpu.memory_space<vmem>>) target(%dma_start3A_77 : memref<632x80xf32, #tpu.memory_space<hbm>>) target_semaphore(%run_scoped3A : memref<!tpu.dma_semaphore, #tpu.memory_space<semaphore_mem>>)
        %dma_wait3A = arith.constant 0 : i32
        %dma_wait3A_78 = tpu.memref_slice %arg7[%add3A_64, %mul3A_0, %dma_wait3A] : memref<10x10112x80xf32, #tpu.memory_space<hbm>> -> memref<1x632x80xf32, #tpu.memory_space<hbm>>
        %dma_wait3A_79 = tpu.memref_squeeze %dma_wait3A_78 : memref<1x632x80xf32, #tpu.memory_space<hbm>> -> memref<632x80xf32, #tpu.memory_space<hbm>>
        %dma_wait3A_80 = arith.constant 0 : i32
        %dma_wait3A_81 = tpu.memref_slice %arg7[%add3A_64, %mul3A_0, %dma_wait3A_80] : memref<10x10112x80xf32, #tpu.memory_space<hbm>> -> memref<1x632x80xf32, #tpu.memory_space<hbm>>
        %dma_wait3A_82 = tpu.memref_squeeze %dma_wait3A_81 : memref<1x632x80xf32, #tpu.memory_space<hbm>> -> memref<632x80xf32, #tpu.memory_space<hbm>>
        tpu.wait_dma2 semaphore(%run_scoped3A : memref<!tpu.dma_semaphore, #tpu.memory_space<semaphore_mem>>) src(%arg17 : memref<632x80xf32, #tpu.memory_space<vmem>>) dst(%dma_wait3A_82 : memref<632x80xf32, #tpu.memory_space<hbm>>)
        tpu.yield
      }) : () -> ()
      %scan3A_72 = arith.constant 0 : i32
      scf.yield %scan3A_72 : i32
    }
    %scan3A_59 = arith.constant 5 : i32
    return
  }
}

#map = affine_map<(d0, d1) -> (0)>
#map1 = affine_map<(d0, d1) -> (0, 0)>
#map2 = affine_map<(d0, d1) -> (0, 0, 0)>
module attributes {stable_mosaic.version = 14 : i64} {
  func.func @_conv2_body(%arg0: i32, %arg1: i32, %arg2: memref<196608xi32, #tpu.memory_space<hbm>>, %arg3: memref<512xi32, #tpu.memory_space<hbm>>, %arg4: memref<10112xf32, #tpu.memory_space<hbm>>, %arg5: memref<10240x144xf32, #tpu.memory_space<hbm>>, %arg6: memref<320x144xf32, #tpu.memory_space<hbm>>, %arg7: memref<2x10112x144xf32, #tpu.memory_space<hbm>>, %arg8: memref<2048xi32, #tpu.memory_space<vmem>>, %arg9: memref<512x144xf32, #tpu.memory_space<vmem>>, %arg10: memref<632xf32, #tpu.memory_space<vmem>>, %arg11: memref<320x144xf32, #tpu.memory_space<vmem>>, %arg12: memref<32xi32, #tpu.memory_space<vmem>>, %arg13: memref<!tpu.dma_semaphore, #tpu.memory_space<semaphore_mem>>) attributes {dimension_semantics = [#tpu.dimension_semantics<core_parallel>, #tpu.dimension_semantics<subcore_parallel>], iteration_bounds = array<i64: 2, 16>, scalar_prefetch = 0 : i64, scratch_operands = 6 : i64, tpu.core_type = #tpu.core_type<sc_vector_subcore>, window_params = [{transform_indices = #map}, {transform_indices = #map}, {transform_indices = #map}, {transform_indices = #map1}, {transform_indices = #map1}, {transform_indices = #map2}]} {
    %mul3A = arith.constant 632 : i32
    %mul3A_0 = arith.muli %arg1, %mul3A : i32
    %iota3A = tpu.iota {dimensions = array<i32: 0>} : vector<16xi32>
    %broadcast_in_dim3A = arith.constant 129 : i32
    %broadcast_in_dim3A_1 = vector.broadcast %broadcast_in_dim3A : i32 to vector<16xi32>
    %mul3A_2 = arith.constant 32 : i32
    %mul3A_3 = arith.muli %arg1, %mul3A_2 : i32
    "tpu.region"() ({
      %run_scoped3A = tpu.sem_alloc : memref<!tpu.dma_semaphore, #tpu.memory_space<semaphore_mem>>
      %dma_start3A = tpu.memref_slice %arg3[%mul3A_3] : memref<512xi32, #tpu.memory_space<hbm>> -> memref<32xi32, #tpu.memory_space<hbm>>
      %dma_start3A_19 = tpu.memref_slice %arg3[%mul3A_3] : memref<512xi32, #tpu.memory_space<hbm>> -> memref<32xi32, #tpu.memory_space<hbm>>
      tpu.enqueue_dma source(%dma_start3A_19 : memref<32xi32, #tpu.memory_space<hbm>>) target(%arg12 : memref<32xi32, #tpu.memory_space<vmem>>) target_semaphore(%run_scoped3A : memref<!tpu.dma_semaphore, #tpu.memory_space<semaphore_mem>>)
      %dma_wait3A = tpu.memref_slice %arg3[%mul3A_3] : memref<512xi32, #tpu.memory_space<hbm>> -> memref<32xi32, #tpu.memory_space<hbm>>
      %dma_wait3A_20 = tpu.memref_slice %arg3[%mul3A_3] : memref<512xi32, #tpu.memory_space<hbm>> -> memref<32xi32, #tpu.memory_space<hbm>>
      tpu.wait_dma2 semaphore(%run_scoped3A : memref<!tpu.dma_semaphore, #tpu.memory_space<semaphore_mem>>) src(%dma_wait3A_20 : memref<32xi32, #tpu.memory_space<hbm>>) dst(%arg12 : memref<32xi32, #tpu.memory_space<vmem>>)
      tpu.yield
    }) : () -> ()
    "tpu.region"() ({
      %run_scoped3A = tpu.sem_alloc : memref<!tpu.dma_semaphore, #tpu.memory_space<semaphore_mem>>
      tpu.enqueue_dma source(%arg6 : memref<320x144xf32, #tpu.memory_space<hbm>>) target(%arg11 : memref<320x144xf32, #tpu.memory_space<vmem>>) target_semaphore(%run_scoped3A : memref<!tpu.dma_semaphore, #tpu.memory_space<semaphore_mem>>)
      tpu.wait_dma2 semaphore(%run_scoped3A : memref<!tpu.dma_semaphore, #tpu.memory_space<semaphore_mem>>) src(%arg6 : memref<320x144xf32, #tpu.memory_space<hbm>>) dst(%arg11 : memref<320x144xf32, #tpu.memory_space<vmem>>)
      tpu.yield
    }) : () -> ()
    "tpu.region"() ({
      %run_scoped3A = tpu.sem_alloc : memref<!tpu.dma_semaphore, #tpu.memory_space<semaphore_mem>>
      %dma_start3A = tpu.memref_slice %arg4[%mul3A_0] : memref<10112xf32, #tpu.memory_space<hbm>> -> memref<632xf32, #tpu.memory_space<hbm>>
      %dma_start3A_19 = tpu.memref_slice %arg4[%mul3A_0] : memref<10112xf32, #tpu.memory_space<hbm>> -> memref<632xf32, #tpu.memory_space<hbm>>
      tpu.enqueue_dma source(%dma_start3A_19 : memref<632xf32, #tpu.memory_space<hbm>>) target(%arg10 : memref<632xf32, #tpu.memory_space<vmem>>) target_semaphore(%run_scoped3A : memref<!tpu.dma_semaphore, #tpu.memory_space<semaphore_mem>>)
      %dma_wait3A = tpu.memref_slice %arg4[%mul3A_0] : memref<10112xf32, #tpu.memory_space<hbm>> -> memref<632xf32, #tpu.memory_space<hbm>>
      %dma_wait3A_20 = tpu.memref_slice %arg4[%mul3A_0] : memref<10112xf32, #tpu.memory_space<hbm>> -> memref<632xf32, #tpu.memory_space<hbm>>
      tpu.wait_dma2 semaphore(%run_scoped3A : memref<!tpu.dma_semaphore, #tpu.memory_space<semaphore_mem>>) src(%dma_wait3A_20 : memref<632xf32, #tpu.memory_space<hbm>>) dst(%arg10 : memref<632xf32, #tpu.memory_space<vmem>>)
      tpu.yield
    }) : () -> ()
    %get3A = arith.constant 0 : index
    %get3A_4 = tpu.vector_load %arg12[%get3A] {strides = array<i32>} : memref<32xi32, #tpu.memory_space<vmem>>, vector<16xi32>,
    %get3A_5 = arith.constant 16 : index
    %get3A_6 = tpu.vector_load %arg12[%get3A_5] {strides = array<i32>} : memref<32xi32, #tpu.memory_space<vmem>>, vector<16xi32>,
    %mul3A_7 = arith.constant 8 : i32
    %mul3A_8 = arith.muli %arg0, %mul3A_7 : i32
    %mul3A_9 = arith.constant 312 : i32
    %mul3A_10 = arith.muli %arg0, %mul3A_9 : i32
    %scan3A = arith.constant 0 : i32
    %scan3A_11 = arith.constant 0 : i32
    %scan3A_12 = arith.constant 20 : i32
    %scan3A_13 = arith.addi %scan3A_11, %scan3A_12 : i32
    %scan3A_14 = arith.constant 1 : i32
    %scan3A_15 = scf.for %scan3A_19 = %scan3A_11 to %scan3A_13 step %scan3A_14 iter_args(%scan3A_20 = %scan3A) -> (i32)  : i32 {
      %mul3A_21 = arith.constant 512 : i32
      %mul3A_22 = arith.muli %scan3A_19, %mul3A_21 : i32
      %dma_start3A = arith.constant 0 : i32
      %dma_start3A_23 = tpu.memref_slice %arg5[%mul3A_22, %dma_start3A] : memref<10240x144xf32, #tpu.memory_space<hbm>> -> memref<512x144xf32, #tpu.memory_space<hbm>>
      %dma_start3A_24 = arith.constant 0 : i32
      %dma_start3A_25 = tpu.memref_slice %arg5[%mul3A_22, %dma_start3A_24] : memref<10240x144xf32, #tpu.memory_space<hbm>> -> memref<512x144xf32, #tpu.memory_space<hbm>>
      tpu.enqueue_dma source(%dma_start3A_25 : memref<512x144xf32, #tpu.memory_space<hbm>>) target(%arg9 : memref<512x144xf32, #tpu.memory_space<vmem>>) target_semaphore(%arg13 : memref<!tpu.dma_semaphore, #tpu.memory_space<semaphore_mem>>)
      %dma_wait3A = arith.constant 0 : i32
      %dma_wait3A_26 = tpu.memref_slice %arg5[%mul3A_22, %dma_wait3A] : memref<10240x144xf32, #tpu.memory_space<hbm>> -> memref<512x144xf32, #tpu.memory_space<hbm>>
      %dma_wait3A_27 = arith.constant 0 : i32
      %dma_wait3A_28 = tpu.memref_slice %arg5[%mul3A_22, %dma_wait3A_27] : memref<10240x144xf32, #tpu.memory_space<hbm>> -> memref<512x144xf32, #tpu.memory_space<hbm>>
      tpu.wait_dma2 semaphore(%arg13 : memref<!tpu.dma_semaphore, #tpu.memory_space<semaphore_mem>>) src(%dma_wait3A_28 : memref<512x144xf32, #tpu.memory_space<hbm>>) dst(%arg9 : memref<512x144xf32, #tpu.memory_space<vmem>>)
      %eq3A = vector.broadcast %scan3A_19 : i32 to vector<16xi32>
      %eq3A_29 = arith.cmpi eq, %iota3A, %eq3A : vector<16xi32>
      %jit3A = arith.constant 0 : i32
      %broadcast_in_dim3A_30 = vector.broadcast %jit3A : i32 to vector<16xi32>
      %select_n3A = arith.select %eq3A_29, %get3A_4, %broadcast_in_dim3A_30 : vector<16xi1>, vector<16xi32>
      %reduce_sum3A = arith.constant true
      %reduce_sum3A_31 = vector.broadcast %reduce_sum3A : i1 to vector<16xi1>
      %reduce_sum3A_32 = tpu.scan <sum>, %select_n3A masked %reduce_sum3A_31 : vector<16xi32>, vector<16xi1> -> vector<16xi32>
      %reduce_sum3A_33 = vector.extract %reduce_sum3A_32[15] : i32 from vector<16xi32>
      %sub3A = arith.constant 16 : i32
      %sub3A_34 = arith.subi %scan3A_19, %sub3A : i32
      %eq3A_35 = vector.broadcast %sub3A_34 : i32 to vector<16xi32>
      %eq3A_36 = arith.cmpi eq, %iota3A, %eq3A_35 : vector<16xi32>
      %jit3A_37 = arith.constant 0 : i32
      %broadcast_in_dim3A_38 = vector.broadcast %jit3A_37 : i32 to vector<16xi32>
      %select_n3A_39 = arith.select %eq3A_36, %get3A_6, %broadcast_in_dim3A_38 : vector<16xi1>, vector<16xi32>
      %reduce_sum3A_40 = arith.constant true
      %reduce_sum3A_41 = vector.broadcast %reduce_sum3A_40 : i1 to vector<16xi1>
      %reduce_sum3A_42 = tpu.scan <sum>, %select_n3A_39 masked %reduce_sum3A_41 : vector<16xi32>, vector<16xi1> -> vector<16xi32>
      %reduce_sum3A_43 = vector.extract %reduce_sum3A_42[15] : i32 from vector<16xi32>
      %lt3A = arith.constant 16 : i32
      %lt3A_44 = arith.cmpi slt, %scan3A_19, %lt3A : i32
      %select_n3A_45 = arith.select %lt3A_44, %reduce_sum3A_33, %reduce_sum3A_43 : i32
      %add3A_46 = arith.constant 1 : i32
      %add3A_47 = arith.addi %scan3A_19, %add3A_46 : i32
      %eq3A_48 = vector.broadcast %add3A_47 : i32 to vector<16xi32>
      %eq3A_49 = arith.cmpi eq, %iota3A, %eq3A_48 : vector<16xi32>
      %jit3A_50 = arith.constant 0 : i32
      %broadcast_in_dim3A_51 = vector.broadcast %jit3A_50 : i32 to vector<16xi32>
      %select_n3A_52 = arith.select %eq3A_49, %get3A_4, %broadcast_in_dim3A_51 : vector<16xi1>, vector<16xi32>
      %reduce_sum3A_53 = arith.constant true
      %reduce_sum3A_54 = vector.broadcast %reduce_sum3A_53 : i1 to vector<16xi1>
      %reduce_sum3A_55 = tpu.scan <sum>, %select_n3A_52 masked %reduce_sum3A_54 : vector<16xi32>, vector<16xi1> -> vector<16xi32>
      %reduce_sum3A_56 = vector.extract %reduce_sum3A_55[15] : i32 from vector<16xi32>
      %sub3A_57 = arith.constant 16 : i32
      %sub3A_58 = arith.subi %add3A_47, %sub3A_57 : i32
      %eq3A_59 = vector.broadcast %sub3A_58 : i32 to vector<16xi32>
      %eq3A_60 = arith.cmpi eq, %iota3A, %eq3A_59 : vector<16xi32>
      %jit3A_61 = arith.constant 0 : i32
      %broadcast_in_dim3A_62 = vector.broadcast %jit3A_61 : i32 to vector<16xi32>
      %select_n3A_63 = arith.select %eq3A_60, %get3A_6, %broadcast_in_dim3A_62 : vector<16xi1>, vector<16xi32>
      %reduce_sum3A_64 = arith.constant true
      %reduce_sum3A_65 = vector.broadcast %reduce_sum3A_64 : i1 to vector<16xi1>
      %reduce_sum3A_66 = tpu.scan <sum>, %select_n3A_63 masked %reduce_sum3A_65 : vector<16xi32>, vector<16xi1> -> vector<16xi32>
      %reduce_sum3A_67 = vector.extract %reduce_sum3A_66[15] : i32 from vector<16xi32>
      %lt3A_68 = arith.constant 16 : i32
      %lt3A_69 = arith.cmpi slt, %add3A_47, %lt3A_68 : i32
      %select_n3A_70 = arith.select %lt3A_69, %reduce_sum3A_56, %reduce_sum3A_67 : i32
      %sub3A_71 = arith.subi %select_n3A_70, %select_n3A_45 : i32
      %jit3A_72 = arith.constant 8 : i32
      %div3A = arith.divsi %select_n3A_45, %jit3A_72 : i32
      %sign3A = arith.constant 0 : i32
      %sign3A_73 = arith.cmpi sgt, %select_n3A_45, %sign3A : i32
      %sign3A_74 = arith.extui %sign3A_73 : i1 to i32
      %sign3A_75 = arith.constant 0 : i32
      %sign3A_76 = arith.cmpi slt, %select_n3A_45, %sign3A_75 : i32
      %sign3A_77 = arith.extui %sign3A_76 : i1 to i32
      %sign3A_78 = arith.subi %sign3A_74, %sign3A_77 : i32
      %sign3A_79 = arith.constant 0 : i32
      %sign3A_80 = arith.cmpi sgt, %jit3A_72, %sign3A_79 : i32
      %sign3A_81 = arith.extui %sign3A_80 : i1 to i32
      %sign3A_82 = arith.constant 0 : i32
      %sign3A_83 = arith.cmpi slt, %jit3A_72, %sign3A_82 : i32
      %sign3A_84 = arith.extui %sign3A_83 : i1 to i32
      %sign3A_85 = arith.subi %sign3A_81, %sign3A_84 : i32
      %ne3A = arith.cmpi ne, %sign3A_78, %sign3A_85 : i32
      %rem3A = arith.remsi %select_n3A_45, %jit3A_72 : i32
      %ne3A_86 = arith.constant 0 : i32
      %ne3A_87 = arith.cmpi ne, %rem3A, %ne3A_86 : i32
      %and3A = arith.andi %ne3A, %ne3A_87 : i1
      %sub3A_88 = arith.constant 1 : i32
      %sub3A_89 = arith.subi %div3A, %sub3A_88 : i32
      %select_n3A_90 = arith.select %and3A, %sub3A_89, %div3A : i32
      %mul3A_91 = arith.constant 8 : i32
      %mul3A_92 = arith.muli %select_n3A_90, %mul3A_91 : i32
      %min3A = arith.constant 10240 : i32
      %min3A_93 = arith.minsi %mul3A_92, %min3A : i32
      %mul3A_94 = arith.constant 12288 : i32
      %mul3A_95 = arith.muli %arg1, %mul3A_94 : i32
      %add3A_96 = arith.addi %mul3A_95, %min3A_93 : i32
      "tpu.region"() ({
        %run_scoped3A = tpu.sem_alloc : memref<!tpu.dma_semaphore, #tpu.memory_space<semaphore_mem>>
        %dma_start3A_140 = tpu.memref_slice %arg2[%add3A_96] : memref<196608xi32, #tpu.memory_space<hbm>> -> memref<2048xi32, #tpu.memory_space<hbm>>
        %dma_start3A_141 = tpu.memref_slice %arg2[%add3A_96] : memref<196608xi32, #tpu.memory_space<hbm>> -> memref<2048xi32, #tpu.memory_space<hbm>>
        tpu.enqueue_dma source(%dma_start3A_141 : memref<2048xi32, #tpu.memory_space<hbm>>) target(%arg8 : memref<2048xi32, #tpu.memory_space<vmem>>) target_semaphore(%run_scoped3A : memref<!tpu.dma_semaphore, #tpu.memory_space<semaphore_mem>>)
        %dma_wait3A_142 = tpu.memref_slice %arg2[%add3A_96] : memref<196608xi32, #tpu.memory_space<hbm>> -> memref<2048xi32, #tpu.memory_space<hbm>>
        %dma_wait3A_143 = tpu.memref_slice %arg2[%add3A_96] : memref<196608xi32, #tpu.memory_space<hbm>> -> memref<2048xi32, #tpu.memory_space<hbm>>
        tpu.wait_dma2 semaphore(%run_scoped3A : memref<!tpu.dma_semaphore, #tpu.memory_space<semaphore_mem>>) src(%dma_wait3A_143 : memref<2048xi32, #tpu.memory_space<hbm>>) dst(%arg8 : memref<2048xi32, #tpu.memory_space<vmem>>)
        tpu.yield
      }) : () -> ()
      %sub3A_97 = arith.subi %select_n3A_45, %min3A_93 : i32
      %mul3A_98 = arith.constant 512 : i32
      %mul3A_99 = arith.muli %scan3A_19, %mul3A_98 : i32
      %add3A_100 = arith.constant 15 : i32
      %add3A_101 = arith.addi %sub3A_71, %add3A_100 : i32
      %jit3A_102 = arith.constant 16 : i32
      %div3A_103 = arith.divsi %add3A_101, %jit3A_102 : i32
      %sign3A_104 = arith.constant 0 : i32
      %sign3A_105 = arith.cmpi sgt, %add3A_101, %sign3A_104 : i32
      %sign3A_106 = arith.extui %sign3A_105 : i1 to i32
      %sign3A_107 = arith.constant 0 : i32
      %sign3A_108 = arith.cmpi slt, %add3A_101, %sign3A_107 : i32
      %sign3A_109 = arith.extui %sign3A_108 : i1 to i32
      %sign3A_110 = arith.subi %sign3A_106, %sign3A_109 : i32
      %sign3A_111 = arith.constant 0 : i32
      %sign3A_112 = arith.cmpi sgt, %jit3A_102, %sign3A_111 : i32
      %sign3A_113 = arith.extui %sign3A_112 : i1 to i32
      %sign3A_114 = arith.constant 0 : i32
      %sign3A_115 = arith.cmpi slt, %jit3A_102, %sign3A_114 : i32
      %sign3A_116 = arith.extui %sign3A_115 : i1 to i32
      %sign3A_117 = arith.subi %sign3A_113, %sign3A_116 : i32
      %ne3A_118 = arith.cmpi ne, %sign3A_110, %sign3A_117 : i32
      %rem3A_119 = arith.remsi %add3A_101, %jit3A_102 : i32
      %ne3A_120 = arith.constant 0 : i32
      %ne3A_121 = arith.cmpi ne, %rem3A_119, %ne3A_120 : i32
      %and3A_122 = arith.andi %ne3A_118, %ne3A_121 : i1
      %sub3A_123 = arith.constant 1 : i32
      %sub3A_124 = arith.subi %div3A_103, %sub3A_123 : i32
      %select_n3A_125 = arith.select %and3A_122, %sub3A_124, %div3A_103 : i32
      %min3A_126 = arith.constant 127 : i32
      %min3A_127 = arith.minsi %select_n3A_125, %min3A_126 : i32
      %while3A = arith.constant 0 : i32
      %while3A_128 = arith.constant 0 : i32
      %while3A_129 = arith.subi %min3A_127, %while3A : i32
      %while3A_130 = arith.addi %while3A, %while3A_129 : i32
      %while3A_131 = arith.constant 1 : i32
      %while3A_132 = arith.divsi %while3A_129, %while3A_131 : i32
      %while3A_133 = arith.muli %while3A_132, %while3A_131 : i32
      %while3A_134 = arith.addi %while3A, %while3A_133 : i32
      %while3A_135 = arith.constant 1 : i32
      %while3A_136 = scf.for %while3A_140 = %while3A to %while3A_134 step %while3A_135 iter_args(%while3A_141 = %while3A_128) -> (i32)  : i32 {
        %mul3A_142 = arith.constant 16 : i32
        %mul3A_143 = arith.muli %while3A_140, %mul3A_142 : i32
        %add3A_144 = arith.addi %sub3A_97, %mul3A_143 : i32
        %get3A_145 = arith.index_cast %add3A_144 : i32 to index
        %get3A_146 = tpu.vector_load %arg8[%get3A_145] {strides = array<i32>} : memref<2048xi32, #tpu.memory_space<vmem>>, vector<16xi32>,
        %shift_right_logical3A = arith.constant 10 : i32
        %shift_right_logical3A_147 = vector.broadcast %shift_right_logical3A : i32 to vector<16xi32>
        %shift_right_logical3A_148 = arith.shrui %get3A_146, %shift_right_logical3A_147 : vector<16xi32>
        %sub3A_149 = vector.broadcast %mul3A_99 : i32 to vector<16xi32>
        %sub3A_150 = arith.subi %shift_right_logical3A_148, %sub3A_149 : vector<16xi32>
        %jit3A_151 = arith.constant 0 : i32
        %jit3A_152 = arith.constant 511 : i32
        %max3A = vector.broadcast %jit3A_151 : i32 to vector<16xi32>
        %max3A_153 = arith.maxsi %max3A, %sub3A_150 : vector<16xi32>
        %min3A_154 = vector.broadcast %jit3A_152 : i32 to vector<16xi32>
        %min3A_155 = arith.minsi %min3A_154, %max3A_153 : vector<16xi32>
        %and3A_156 = arith.constant 1023 : i32
        %and3A_157 = vector.broadcast %and3A_156 : i32 to vector<16xi32>
        %and3A_158 = arith.andi %get3A_146, %and3A_157 : vector<16xi32>
        %sub3A_159 = vector.broadcast %mul3A_10 : i32 to vector<16xi32>
        %sub3A_160 = arith.subi %and3A_158, %sub3A_159 : vector<16xi32>
        %mul3A_161 = arith.constant 16 : i32
        %mul3A_162 = arith.muli %while3A_140, %mul3A_161 : i32
        %add3A_163 = vector.broadcast %mul3A_162 : i32 to vector<16xi32>
        %add3A_164 = arith.addi %add3A_163, %iota3A : vector<16xi32>
        %lt3A_165 = vector.broadcast %sub3A_71 : i32 to vector<16xi32>
        %lt3A_166 = arith.cmpi slt, %add3A_164, %lt3A_165 : vector<16xi32>
        %ge3A = vector.broadcast %mul3A_8 : i32 to vector<16xi32>
        %ge3A_167 = arith.cmpi sge, %sub3A_160, %ge3A : vector<16xi32>
        %and3A_168 = arith.andi %lt3A_166, %ge3A_167 : vector<16xi1>
        %lt3A_169 = arith.constant 320 : i32
        %lt3A_170 = vector.broadcast %lt3A_169 : i32 to vector<16xi32>
        %lt3A_171 = arith.cmpi slt, %sub3A_160, %lt3A_170 : vector<16xi32>
        %and3A_172 = arith.andi %and3A_168, %lt3A_171 : vector<16xi1>
        %jit3A_173 = arith.constant 0 : i32
        %jit3A_174 = arith.constant 319 : i32
        %max3A_175 = vector.broadcast %jit3A_173 : i32 to vector<16xi32>
        %max3A_176 = arith.maxsi %max3A_175, %sub3A_160 : vector<16xi32>
        %min3A_177 = vector.broadcast %jit3A_174 : i32 to vector<16xi32>
        %min3A_178 = arith.minsi %min3A_177, %max3A_176 : vector<16xi32>
        %gather3A = tpu.vector_load_idx %arg9[%min3A_155, %broadcast_in_dim3A_1] : memref<512x144xf32, #tpu.memory_space<vmem>>[vector<16xi32>, vector<16xi32>], vector<16xf32>,
        %gather3A_179 = tpu.vector_load_idx %arg10[%and3A_158] : memref<632xf32, #tpu.memory_space<vmem>>[vector<16xi32>], vector<16xf32>,
        %add3A_180 = arith.addf %gather3A, %gather3A_179 : vector<16xf32>
        %ge3A_181 = arith.constant 0.000000e+00 : f32
        %ge3A_182 = vector.broadcast %ge3A_181 : f32 to vector<16xf32>
        %ge3A_183 = arith.cmpf oge, %add3A_180, %ge3A_182 : vector<16xf32>
        %mul3A_184 = arith.constant 2.000000e-01 : f32
        %mul3A_185 = vector.broadcast %mul3A_184 : f32 to vector<16xf32>
        %mul3A_186 = arith.mulf %mul3A_185, %add3A_180 : vector<16xf32>
        %select_n3A_187 = arith.select %ge3A_183, %add3A_180, %mul3A_186 : vector<16xi1>, vector<16xf32>
        %exp3A = math.exp %select_n3A_187 : vector<16xf32>
        %jit3A_188 = arith.constant 0.000000e+00 : f32
        %broadcast_in_dim3A_189 = vector.broadcast %jit3A_188 : f32 to vector<16xf32>
        %select_n3A_190 = arith.select %and3A_172, %exp3A, %broadcast_in_dim3A_189 : vector<16xi1>, vector<16xf32>
        %parallel_loop3A = arith.constant 0 : i32
        %parallel_loop3A_191 = arith.constant 16 : i32
        %parallel_loop3A_192 = arith.constant 1 : i32
        scf.for %parallel_loop3A_194 = %parallel_loop3A to %parallel_loop3A_191 step %parallel_loop3A_192  : i32 {
          %parallel_loop3A_195 = vector.broadcast %parallel_loop3A_194 : i32 to vector<16x1xi32>
          %parallel_loop3A_196 = vector.shape_cast %parallel_loop3A_195 : vector<16x1xi32> to vector<16xi32>
          %parallel_loop3A_197 = tpu.dynamic_gather %select_n3A_190[%parallel_loop3A_196] in [0] : vector<16xf32>, vector<16xi32> -> vector<16xf32>
          %parallel_loop3A_198 = vector.broadcast %parallel_loop3A_194 : i32 to vector<16x1xi32>
          %parallel_loop3A_199 = vector.shape_cast %parallel_loop3A_198 : vector<16x1xi32> to vector<16xi32>
          %parallel_loop3A_200 = tpu.dynamic_gather %min3A_178[%parallel_loop3A_199] in [0] : vector<16xi32>, vector<16xi32> -> vector<16xi32>
          %parallel_loop3A_201 = vector.broadcast %parallel_loop3A_194 : i32 to vector<16x1xi32>
          %parallel_loop3A_202 = vector.shape_cast %parallel_loop3A_201 : vector<16x1xi32> to vector<16xi32>
          %parallel_loop3A_203 = tpu.dynamic_gather %min3A_155[%parallel_loop3A_202] in [0] : vector<16xi32>, vector<16xi32> -> vector<16xi32>
          %parallel_loop3A_204 = arith.constant 0 : i32
          %parallel_loop3A_205 = vector.broadcast %parallel_loop3A_204 : i32 to vector<16xi32>
          %parallel_loop3A_206 = arith.addi %parallel_loop3A_205, %iota3A : vector<16xi32>
          %parallel_loop3A_207 = tpu.vector_load_idx %arg9[%parallel_loop3A_203, %parallel_loop3A_206] : memref<512x144xf32, #tpu.memory_space<vmem>>[vector<16xi32>, vector<16xi32>], vector<16xf32>,
          %parallel_loop3A_208 = arith.constant 0 : i32
          %parallel_loop3A_209 = vector.broadcast %parallel_loop3A_208 : i32 to vector<16xi32>
          %parallel_loop3A_210 = arith.addi %parallel_loop3A_209, %iota3A : vector<16xi32>
          %parallel_loop3A_211 = arith.mulf %parallel_loop3A_207, %parallel_loop3A_197 : vector<16xf32>
          tpu.vector_store_idx %arg11[%parallel_loop3A_200, %parallel_loop3A_210], %parallel_loop3A_211 {add = true} : memref<320x144xf32, #tpu.memory_space<vmem>>[vector<16xi32>, vector<16xi32>], vector<16xf32>,
          %parallel_loop3A_212 = arith.constant 16 : i32
          %parallel_loop3A_213 = vector.broadcast %parallel_loop3A_212 : i32 to vector<16xi32>
          %parallel_loop3A_214 = arith.addi %parallel_loop3A_213, %iota3A : vector<16xi32>
          %parallel_loop3A_215 = tpu.vector_load_idx %arg9[%parallel_loop3A_203, %parallel_loop3A_214] : memref<512x144xf32, #tpu.memory_space<vmem>>[vector<16xi32>, vector<16xi32>], vector<16xf32>,
          %parallel_loop3A_216 = arith.constant 16 : i32
          %parallel_loop3A_217 = vector.broadcast %parallel_loop3A_216 : i32 to vector<16xi32>
          %parallel_loop3A_218 = arith.addi %parallel_loop3A_217, %iota3A : vector<16xi32>
          %parallel_loop3A_219 = arith.mulf %parallel_loop3A_215, %parallel_loop3A_197 : vector<16xf32>
          tpu.vector_store_idx %arg11[%parallel_loop3A_200, %parallel_loop3A_218], %parallel_loop3A_219 {add = true} : memref<320x144xf32, #tpu.memory_space<vmem>>[vector<16xi32>, vector<16xi32>], vector<16xf32>,
          %parallel_loop3A_220 = arith.constant 32 : i32
          %parallel_loop3A_221 = vector.broadcast %parallel_loop3A_220 : i32 to vector<16xi32>
          %parallel_loop3A_222 = arith.addi %parallel_loop3A_221, %iota3A : vector<16xi32>
          %parallel_loop3A_223 = tpu.vector_load_idx %arg9[%parallel_loop3A_203, %parallel_loop3A_222] : memref<512x144xf32, #tpu.memory_space<vmem>>[vector<16xi32>, vector<16xi32>], vector<16xf32>,
          %parallel_loop3A_224 = arith.constant 32 : i32
          %parallel_loop3A_225 = vector.broadcast %parallel_loop3A_224 : i32 to vector<16xi32>
          %parallel_loop3A_226 = arith.addi %parallel_loop3A_225, %iota3A : vector<16xi32>
          %parallel_loop3A_227 = arith.mulf %parallel_loop3A_223, %parallel_loop3A_197 : vector<16xf32>
          tpu.vector_store_idx %arg11[%parallel_loop3A_200, %parallel_loop3A_226], %parallel_loop3A_227 {add = true} : memref<320x144xf32, #tpu.memory_space<vmem>>[vector<16xi32>, vector<16xi32>], vector<16xf32>,
          %parallel_loop3A_228 = arith.constant 48 : i32
          %parallel_loop3A_229 = vector.broadcast %parallel_loop3A_228 : i32 to vector<16xi32>
          %parallel_loop3A_230 = arith.addi %parallel_loop3A_229, %iota3A : vector<16xi32>
          %parallel_loop3A_231 = tpu.vector_load_idx %arg9[%parallel_loop3A_203, %parallel_loop3A_230] : memref<512x144xf32, #tpu.memory_space<vmem>>[vector<16xi32>, vector<16xi32>], vector<16xf32>,
          %parallel_loop3A_232 = arith.constant 48 : i32
          %parallel_loop3A_233 = vector.broadcast %parallel_loop3A_232 : i32 to vector<16xi32>
          %parallel_loop3A_234 = arith.addi %parallel_loop3A_233, %iota3A : vector<16xi32>
          %parallel_loop3A_235 = arith.mulf %parallel_loop3A_231, %parallel_loop3A_197 : vector<16xf32>
          tpu.vector_store_idx %arg11[%parallel_loop3A_200, %parallel_loop3A_234], %parallel_loop3A_235 {add = true} : memref<320x144xf32, #tpu.memory_space<vmem>>[vector<16xi32>, vector<16xi32>], vector<16xf32>,
          %parallel_loop3A_236 = arith.constant 64 : i32
          %parallel_loop3A_237 = vector.broadcast %parallel_loop3A_236 : i32 to vector<16xi32>
          %parallel_loop3A_238 = arith.addi %parallel_loop3A_237, %iota3A : vector<16xi32>
          %parallel_loop3A_239 = tpu.vector_load_idx %arg9[%parallel_loop3A_203, %parallel_loop3A_238] : memref<512x144xf32, #tpu.memory_space<vmem>>[vector<16xi32>, vector<16xi32>], vector<16xf32>,
          %parallel_loop3A_240 = arith.constant 64 : i32
          %parallel_loop3A_241 = vector.broadcast %parallel_loop3A_240 : i32 to vector<16xi32>
          %parallel_loop3A_242 = arith.addi %parallel_loop3A_241, %iota3A : vector<16xi32>
          %parallel_loop3A_243 = arith.mulf %parallel_loop3A_239, %parallel_loop3A_197 : vector<16xf32>
          tpu.vector_store_idx %arg11[%parallel_loop3A_200, %parallel_loop3A_242], %parallel_loop3A_243 {add = true} : memref<320x144xf32, #tpu.memory_space<vmem>>[vector<16xi32>, vector<16xi32>], vector<16xf32>,
          %parallel_loop3A_244 = arith.constant 80 : i32
          %parallel_loop3A_245 = vector.broadcast %parallel_loop3A_244 : i32 to vector<16xi32>
          %parallel_loop3A_246 = arith.addi %parallel_loop3A_245, %iota3A : vector<16xi32>
          %parallel_loop3A_247 = tpu.vector_load_idx %arg9[%parallel_loop3A_203, %parallel_loop3A_246] : memref<512x144xf32, #tpu.memory_space<vmem>>[vector<16xi32>, vector<16xi32>], vector<16xf32>,
          %parallel_loop3A_248 = arith.constant 80 : i32
          %parallel_loop3A_249 = vector.broadcast %parallel_loop3A_248 : i32 to vector<16xi32>
          %parallel_loop3A_250 = arith.addi %parallel_loop3A_249, %iota3A : vector<16xi32>
          %parallel_loop3A_251 = arith.mulf %parallel_loop3A_247, %parallel_loop3A_197 : vector<16xf32>
          tpu.vector_store_idx %arg11[%parallel_loop3A_200, %parallel_loop3A_250], %parallel_loop3A_251 {add = true} : memref<320x144xf32, #tpu.memory_space<vmem>>[vector<16xi32>, vector<16xi32>], vector<16xf32>,
          %parallel_loop3A_252 = arith.constant 96 : i32
          %parallel_loop3A_253 = vector.broadcast %parallel_loop3A_252 : i32 to vector<16xi32>
          %parallel_loop3A_254 = arith.addi %parallel_loop3A_253, %iota3A : vector<16xi32>
          %parallel_loop3A_255 = tpu.vector_load_idx %arg9[%parallel_loop3A_203, %parallel_loop3A_254] : memref<512x144xf32, #tpu.memory_space<vmem>>[vector<16xi32>, vector<16xi32>], vector<16xf32>,
          %parallel_loop3A_256 = arith.constant 96 : i32
          %parallel_loop3A_257 = vector.broadcast %parallel_loop3A_256 : i32 to vector<16xi32>
          %parallel_loop3A_258 = arith.addi %parallel_loop3A_257, %iota3A : vector<16xi32>
          %parallel_loop3A_259 = arith.mulf %parallel_loop3A_255, %parallel_loop3A_197 : vector<16xf32>
          tpu.vector_store_idx %arg11[%parallel_loop3A_200, %parallel_loop3A_258], %parallel_loop3A_259 {add = true} : memref<320x144xf32, #tpu.memory_space<vmem>>[vector<16xi32>, vector<16xi32>], vector<16xf32>,
          %parallel_loop3A_260 = arith.constant 112 : i32
          %parallel_loop3A_261 = vector.broadcast %parallel_loop3A_260 : i32 to vector<16xi32>
          %parallel_loop3A_262 = arith.addi %parallel_loop3A_261, %iota3A : vector<16xi32>
          %parallel_loop3A_263 = tpu.vector_load_idx %arg9[%parallel_loop3A_203, %parallel_loop3A_262] : memref<512x144xf32, #tpu.memory_space<vmem>>[vector<16xi32>, vector<16xi32>], vector<16xf32>,
          %parallel_loop3A_264 = arith.constant 112 : i32
          %parallel_loop3A_265 = vector.broadcast %parallel_loop3A_264 : i32 to vector<16xi32>
          %parallel_loop3A_266 = arith.addi %parallel_loop3A_265, %iota3A : vector<16xi32>
          %parallel_loop3A_267 = arith.mulf %parallel_loop3A_263, %parallel_loop3A_197 : vector<16xf32>
          tpu.vector_store_idx %arg11[%parallel_loop3A_200, %parallel_loop3A_266], %parallel_loop3A_267 {add = true} : memref<320x144xf32, #tpu.memory_space<vmem>>[vector<16xi32>, vector<16xi32>], vector<16xf32>,
          %parallel_loop3A_268 = arith.constant 128 : i32
          %parallel_loop3A_269 = vector.broadcast %parallel_loop3A_268 : i32 to vector<16xi32>
          %parallel_loop3A_270 = arith.addi %parallel_loop3A_269, %iota3A : vector<16xi32>
          %parallel_loop3A_271 = tpu.vector_load_idx %arg9[%parallel_loop3A_203, %parallel_loop3A_270] : memref<512x144xf32, #tpu.memory_space<vmem>>[vector<16xi32>, vector<16xi32>], vector<16xf32>,
          %parallel_loop3A_272 = arith.constant 128 : i32
          %parallel_loop3A_273 = vector.broadcast %parallel_loop3A_272 : i32 to vector<16xi32>
          %parallel_loop3A_274 = arith.addi %parallel_loop3A_273, %iota3A : vector<16xi32>
          %parallel_loop3A_275 = arith.mulf %parallel_loop3A_271, %parallel_loop3A_197 : vector<16xf32>
          tpu.vector_store_idx %arg11[%parallel_loop3A_200, %parallel_loop3A_274], %parallel_loop3A_275 {add = true} : memref<320x144xf32, #tpu.memory_space<vmem>>[vector<16xi32>, vector<16xi32>], vector<16xf32>,
        } {sc.loop_unroll_factor = 8 : i64, sc.parallel_access}
        %while3A_193 = arith.constant 0 : i32
        scf.yield %while3A_193 : i32
      }
      %while3A_137 = arith.constant 1 : i32
      %while3A_138 = scf.for %while3A_140 = %while3A_134 to %while3A_130 step %while3A_137 iter_args(%while3A_141 = %while3A_136) -> (i32)  : i32 {
        %mul3A_142 = arith.constant 16 : i32
        %mul3A_143 = arith.muli %while3A_140, %mul3A_142 : i32
        %add3A_144 = arith.addi %sub3A_97, %mul3A_143 : i32
        %get3A_145 = arith.index_cast %add3A_144 : i32 to index
        %get3A_146 = tpu.vector_load %arg8[%get3A_145] {strides = array<i32>} : memref<2048xi32, #tpu.memory_space<vmem>>, vector<16xi32>,
        %shift_right_logical3A = arith.constant 10 : i32
        %shift_right_logical3A_147 = vector.broadcast %shift_right_logical3A : i32 to vector<16xi32>
        %shift_right_logical3A_148 = arith.shrui %get3A_146, %shift_right_logical3A_147 : vector<16xi32>
        %sub3A_149 = vector.broadcast %mul3A_99 : i32 to vector<16xi32>
        %sub3A_150 = arith.subi %shift_right_logical3A_148, %sub3A_149 : vector<16xi32>
        %jit3A_151 = arith.constant 0 : i32
        %jit3A_152 = arith.constant 511 : i32
        %max3A = vector.broadcast %jit3A_151 : i32 to vector<16xi32>
        %max3A_153 = arith.maxsi %max3A, %sub3A_150 : vector<16xi32>
        %min3A_154 = vector.broadcast %jit3A_152 : i32 to vector<16xi32>
        %min3A_155 = arith.minsi %min3A_154, %max3A_153 : vector<16xi32>
        %and3A_156 = arith.constant 1023 : i32
        %and3A_157 = vector.broadcast %and3A_156 : i32 to vector<16xi32>
        %and3A_158 = arith.andi %get3A_146, %and3A_157 : vector<16xi32>
        %sub3A_159 = vector.broadcast %mul3A_10 : i32 to vector<16xi32>
        %sub3A_160 = arith.subi %and3A_158, %sub3A_159 : vector<16xi32>
        %mul3A_161 = arith.constant 16 : i32
        %mul3A_162 = arith.muli %while3A_140, %mul3A_161 : i32
        %add3A_163 = vector.broadcast %mul3A_162 : i32 to vector<16xi32>
        %add3A_164 = arith.addi %add3A_163, %iota3A : vector<16xi32>
        %lt3A_165 = vector.broadcast %sub3A_71 : i32 to vector<16xi32>
        %lt3A_166 = arith.cmpi slt, %add3A_164, %lt3A_165 : vector<16xi32>
        %ge3A = vector.broadcast %mul3A_8 : i32 to vector<16xi32>
        %ge3A_167 = arith.cmpi sge, %sub3A_160, %ge3A : vector<16xi32>
        %and3A_168 = arith.andi %lt3A_166, %ge3A_167 : vector<16xi1>
        %lt3A_169 = arith.constant 320 : i32
        %lt3A_170 = vector.broadcast %lt3A_169 : i32 to vector<16xi32>
        %lt3A_171 = arith.cmpi slt, %sub3A_160, %lt3A_170 : vector<16xi32>
        %and3A_172 = arith.andi %and3A_168, %lt3A_171 : vector<16xi1>
        %jit3A_173 = arith.constant 0 : i32
        %jit3A_174 = arith.constant 319 : i32
        %max3A_175 = vector.broadcast %jit3A_173 : i32 to vector<16xi32>
        %max3A_176 = arith.maxsi %max3A_175, %sub3A_160 : vector<16xi32>
        %min3A_177 = vector.broadcast %jit3A_174 : i32 to vector<16xi32>
        %min3A_178 = arith.minsi %min3A_177, %max3A_176 : vector<16xi32>
        %gather3A = tpu.vector_load_idx %arg9[%min3A_155, %broadcast_in_dim3A_1] : memref<512x144xf32, #tpu.memory_space<vmem>>[vector<16xi32>, vector<16xi32>], vector<16xf32>,
        %gather3A_179 = tpu.vector_load_idx %arg10[%and3A_158] : memref<632xf32, #tpu.memory_space<vmem>>[vector<16xi32>], vector<16xf32>,
        %add3A_180 = arith.addf %gather3A, %gather3A_179 : vector<16xf32>
        %ge3A_181 = arith.constant 0.000000e+00 : f32
        %ge3A_182 = vector.broadcast %ge3A_181 : f32 to vector<16xf32>
        %ge3A_183 = arith.cmpf oge, %add3A_180, %ge3A_182 : vector<16xf32>
        %mul3A_184 = arith.constant 2.000000e-01 : f32
        %mul3A_185 = vector.broadcast %mul3A_184 : f32 to vector<16xf32>
        %mul3A_186 = arith.mulf %mul3A_185, %add3A_180 : vector<16xf32>
        %select_n3A_187 = arith.select %ge3A_183, %add3A_180, %mul3A_186 : vector<16xi1>, vector<16xf32>
        %exp3A = math.exp %select_n3A_187 : vector<16xf32>
        %jit3A_188 = arith.constant 0.000000e+00 : f32
        %broadcast_in_dim3A_189 = vector.broadcast %jit3A_188 : f32 to vector<16xf32>
        %select_n3A_190 = arith.select %and3A_172, %exp3A, %broadcast_in_dim3A_189 : vector<16xi1>, vector<16xf32>
        %parallel_loop3A = arith.constant 0 : i32
        %parallel_loop3A_191 = arith.constant 16 : i32
        %parallel_loop3A_192 = arith.constant 1 : i32
        scf.for %parallel_loop3A_194 = %parallel_loop3A to %parallel_loop3A_191 step %parallel_loop3A_192  : i32 {
          %parallel_loop3A_195 = vector.broadcast %parallel_loop3A_194 : i32 to vector<16x1xi32>
          %parallel_loop3A_196 = vector.shape_cast %parallel_loop3A_195 : vector<16x1xi32> to vector<16xi32>
          %parallel_loop3A_197 = tpu.dynamic_gather %select_n3A_190[%parallel_loop3A_196] in [0] : vector<16xf32>, vector<16xi32> -> vector<16xf32>
          %parallel_loop3A_198 = vector.broadcast %parallel_loop3A_194 : i32 to vector<16x1xi32>
          %parallel_loop3A_199 = vector.shape_cast %parallel_loop3A_198 : vector<16x1xi32> to vector<16xi32>
          %parallel_loop3A_200 = tpu.dynamic_gather %min3A_178[%parallel_loop3A_199] in [0] : vector<16xi32>, vector<16xi32> -> vector<16xi32>
          %parallel_loop3A_201 = vector.broadcast %parallel_loop3A_194 : i32 to vector<16x1xi32>
          %parallel_loop3A_202 = vector.shape_cast %parallel_loop3A_201 : vector<16x1xi32> to vector<16xi32>
          %parallel_loop3A_203 = tpu.dynamic_gather %min3A_155[%parallel_loop3A_202] in [0] : vector<16xi32>, vector<16xi32> -> vector<16xi32>
          %parallel_loop3A_204 = arith.constant 0 : i32
          %parallel_loop3A_205 = vector.broadcast %parallel_loop3A_204 : i32 to vector<16xi32>
          %parallel_loop3A_206 = arith.addi %parallel_loop3A_205, %iota3A : vector<16xi32>
          %parallel_loop3A_207 = tpu.vector_load_idx %arg9[%parallel_loop3A_203, %parallel_loop3A_206] : memref<512x144xf32, #tpu.memory_space<vmem>>[vector<16xi32>, vector<16xi32>], vector<16xf32>,
          %parallel_loop3A_208 = arith.constant 0 : i32
          %parallel_loop3A_209 = vector.broadcast %parallel_loop3A_208 : i32 to vector<16xi32>
          %parallel_loop3A_210 = arith.addi %parallel_loop3A_209, %iota3A : vector<16xi32>
          %parallel_loop3A_211 = arith.mulf %parallel_loop3A_207, %parallel_loop3A_197 : vector<16xf32>
          tpu.vector_store_idx %arg11[%parallel_loop3A_200, %parallel_loop3A_210], %parallel_loop3A_211 {add = true} : memref<320x144xf32, #tpu.memory_space<vmem>>[vector<16xi32>, vector<16xi32>], vector<16xf32>,
          %parallel_loop3A_212 = arith.constant 16 : i32
          %parallel_loop3A_213 = vector.broadcast %parallel_loop3A_212 : i32 to vector<16xi32>
          %parallel_loop3A_214 = arith.addi %parallel_loop3A_213, %iota3A : vector<16xi32>
          %parallel_loop3A_215 = tpu.vector_load_idx %arg9[%parallel_loop3A_203, %parallel_loop3A_214] : memref<512x144xf32, #tpu.memory_space<vmem>>[vector<16xi32>, vector<16xi32>], vector<16xf32>,
          %parallel_loop3A_216 = arith.constant 16 : i32
          %parallel_loop3A_217 = vector.broadcast %parallel_loop3A_216 : i32 to vector<16xi32>
          %parallel_loop3A_218 = arith.addi %parallel_loop3A_217, %iota3A : vector<16xi32>
          %parallel_loop3A_219 = arith.mulf %parallel_loop3A_215, %parallel_loop3A_197 : vector<16xf32>
          tpu.vector_store_idx %arg11[%parallel_loop3A_200, %parallel_loop3A_218], %parallel_loop3A_219 {add = true} : memref<320x144xf32, #tpu.memory_space<vmem>>[vector<16xi32>, vector<16xi32>], vector<16xf32>,
          %parallel_loop3A_220 = arith.constant 32 : i32
          %parallel_loop3A_221 = vector.broadcast %parallel_loop3A_220 : i32 to vector<16xi32>
          %parallel_loop3A_222 = arith.addi %parallel_loop3A_221, %iota3A : vector<16xi32>
          %parallel_loop3A_223 = tpu.vector_load_idx %arg9[%parallel_loop3A_203, %parallel_loop3A_222] : memref<512x144xf32, #tpu.memory_space<vmem>>[vector<16xi32>, vector<16xi32>], vector<16xf32>,
          %parallel_loop3A_224 = arith.constant 32 : i32
          %parallel_loop3A_225 = vector.broadcast %parallel_loop3A_224 : i32 to vector<16xi32>
          %parallel_loop3A_226 = arith.addi %parallel_loop3A_225, %iota3A : vector<16xi32>
          %parallel_loop3A_227 = arith.mulf %parallel_loop3A_223, %parallel_loop3A_197 : vector<16xf32>
          tpu.vector_store_idx %arg11[%parallel_loop3A_200, %parallel_loop3A_226], %parallel_loop3A_227 {add = true} : memref<320x144xf32, #tpu.memory_space<vmem>>[vector<16xi32>, vector<16xi32>], vector<16xf32>,
          %parallel_loop3A_228 = arith.constant 48 : i32
          %parallel_loop3A_229 = vector.broadcast %parallel_loop3A_228 : i32 to vector<16xi32>
          %parallel_loop3A_230 = arith.addi %parallel_loop3A_229, %iota3A : vector<16xi32>
          %parallel_loop3A_231 = tpu.vector_load_idx %arg9[%parallel_loop3A_203, %parallel_loop3A_230] : memref<512x144xf32, #tpu.memory_space<vmem>>[vector<16xi32>, vector<16xi32>], vector<16xf32>,
          %parallel_loop3A_232 = arith.constant 48 : i32
          %parallel_loop3A_233 = vector.broadcast %parallel_loop3A_232 : i32 to vector<16xi32>
          %parallel_loop3A_234 = arith.addi %parallel_loop3A_233, %iota3A : vector<16xi32>
          %parallel_loop3A_235 = arith.mulf %parallel_loop3A_231, %parallel_loop3A_197 : vector<16xf32>
          tpu.vector_store_idx %arg11[%parallel_loop3A_200, %parallel_loop3A_234], %parallel_loop3A_235 {add = true} : memref<320x144xf32, #tpu.memory_space<vmem>>[vector<16xi32>, vector<16xi32>], vector<16xf32>,
          %parallel_loop3A_236 = arith.constant 64 : i32
          %parallel_loop3A_237 = vector.broadcast %parallel_loop3A_236 : i32 to vector<16xi32>
          %parallel_loop3A_238 = arith.addi %parallel_loop3A_237, %iota3A : vector<16xi32>
          %parallel_loop3A_239 = tpu.vector_load_idx %arg9[%parallel_loop3A_203, %parallel_loop3A_238] : memref<512x144xf32, #tpu.memory_space<vmem>>[vector<16xi32>, vector<16xi32>], vector<16xf32>,
          %parallel_loop3A_240 = arith.constant 64 : i32
          %parallel_loop3A_241 = vector.broadcast %parallel_loop3A_240 : i32 to vector<16xi32>
          %parallel_loop3A_242 = arith.addi %parallel_loop3A_241, %iota3A : vector<16xi32>
          %parallel_loop3A_243 = arith.mulf %parallel_loop3A_239, %parallel_loop3A_197 : vector<16xf32>
          tpu.vector_store_idx %arg11[%parallel_loop3A_200, %parallel_loop3A_242], %parallel_loop3A_243 {add = true} : memref<320x144xf32, #tpu.memory_space<vmem>>[vector<16xi32>, vector<16xi32>], vector<16xf32>,
          %parallel_loop3A_244 = arith.constant 80 : i32
          %parallel_loop3A_245 = vector.broadcast %parallel_loop3A_244 : i32 to vector<16xi32>
          %parallel_loop3A_246 = arith.addi %parallel_loop3A_245, %iota3A : vector<16xi32>
          %parallel_loop3A_247 = tpu.vector_load_idx %arg9[%parallel_loop3A_203, %parallel_loop3A_246] : memref<512x144xf32, #tpu.memory_space<vmem>>[vector<16xi32>, vector<16xi32>], vector<16xf32>,
          %parallel_loop3A_248 = arith.constant 80 : i32
          %parallel_loop3A_249 = vector.broadcast %parallel_loop3A_248 : i32 to vector<16xi32>
          %parallel_loop3A_250 = arith.addi %parallel_loop3A_249, %iota3A : vector<16xi32>
          %parallel_loop3A_251 = arith.mulf %parallel_loop3A_247, %parallel_loop3A_197 : vector<16xf32>
          tpu.vector_store_idx %arg11[%parallel_loop3A_200, %parallel_loop3A_250], %parallel_loop3A_251 {add = true} : memref<320x144xf32, #tpu.memory_space<vmem>>[vector<16xi32>, vector<16xi32>], vector<16xf32>,
          %parallel_loop3A_252 = arith.constant 96 : i32
          %parallel_loop3A_253 = vector.broadcast %parallel_loop3A_252 : i32 to vector<16xi32>
          %parallel_loop3A_254 = arith.addi %parallel_loop3A_253, %iota3A : vector<16xi32>
          %parallel_loop3A_255 = tpu.vector_load_idx %arg9[%parallel_loop3A_203, %parallel_loop3A_254] : memref<512x144xf32, #tpu.memory_space<vmem>>[vector<16xi32>, vector<16xi32>], vector<16xf32>,
          %parallel_loop3A_256 = arith.constant 96 : i32
          %parallel_loop3A_257 = vector.broadcast %parallel_loop3A_256 : i32 to vector<16xi32>
          %parallel_loop3A_258 = arith.addi %parallel_loop3A_257, %iota3A : vector<16xi32>
          %parallel_loop3A_259 = arith.mulf %parallel_loop3A_255, %parallel_loop3A_197 : vector<16xf32>
          tpu.vector_store_idx %arg11[%parallel_loop3A_200, %parallel_loop3A_258], %parallel_loop3A_259 {add = true} : memref<320x144xf32, #tpu.memory_space<vmem>>[vector<16xi32>, vector<16xi32>], vector<16xf32>,
          %parallel_loop3A_260 = arith.constant 112 : i32
          %parallel_loop3A_261 = vector.broadcast %parallel_loop3A_260 : i32 to vector<16xi32>
          %parallel_loop3A_262 = arith.addi %parallel_loop3A_261, %iota3A : vector<16xi32>
          %parallel_loop3A_263 = tpu.vector_load_idx %arg9[%parallel_loop3A_203, %parallel_loop3A_262] : memref<512x144xf32, #tpu.memory_space<vmem>>[vector<16xi32>, vector<16xi32>], vector<16xf32>,
          %parallel_loop3A_264 = arith.constant 112 : i32
          %parallel_loop3A_265 = vector.broadcast %parallel_loop3A_264 : i32 to vector<16xi32>
          %parallel_loop3A_266 = arith.addi %parallel_loop3A_265, %iota3A : vector<16xi32>
          %parallel_loop3A_267 = arith.mulf %parallel_loop3A_263, %parallel_loop3A_197 : vector<16xf32>
          tpu.vector_store_idx %arg11[%parallel_loop3A_200, %parallel_loop3A_266], %parallel_loop3A_267 {add = true} : memref<320x144xf32, #tpu.memory_space<vmem>>[vector<16xi32>, vector<16xi32>], vector<16xf32>,
          %parallel_loop3A_268 = arith.constant 128 : i32
          %parallel_loop3A_269 = vector.broadcast %parallel_loop3A_268 : i32 to vector<16xi32>
          %parallel_loop3A_270 = arith.addi %parallel_loop3A_269, %iota3A : vector<16xi32>
          %parallel_loop3A_271 = tpu.vector_load_idx %arg9[%parallel_loop3A_203, %parallel_loop3A_270] : memref<512x144xf32, #tpu.memory_space<vmem>>[vector<16xi32>, vector<16xi32>], vector<16xf32>,
          %parallel_loop3A_272 = arith.constant 128 : i32
          %parallel_loop3A_273 = vector.broadcast %parallel_loop3A_272 : i32 to vector<16xi32>
          %parallel_loop3A_274 = arith.addi %parallel_loop3A_273, %iota3A : vector<16xi32>
          %parallel_loop3A_275 = arith.mulf %parallel_loop3A_271, %parallel_loop3A_197 : vector<16xf32>
          tpu.vector_store_idx %arg11[%parallel_loop3A_200, %parallel_loop3A_274], %parallel_loop3A_275 {add = true} : memref<320x144xf32, #tpu.memory_space<vmem>>[vector<16xi32>, vector<16xi32>], vector<16xf32>,
        } {sc.loop_unroll_factor = 8 : i64, sc.parallel_access}
        %while3A_193 = arith.constant 0 : i32
        scf.yield %while3A_193 : i32
      }
      %scan3A_139 = arith.constant 0 : i32
      scf.yield %scan3A_139 : i32
    }
    %scan3A_16 = arith.constant 20 : i32
    %mul3A_17 = arith.constant 312 : i32
    %mul3A_18 = arith.muli %arg0, %mul3A_17 : i32
    %add3A = arith.addi %mul3A_0, %mul3A_18 : i32
    "tpu.region"() ({
      %run_scoped3A = tpu.sem_alloc : memref<!tpu.dma_semaphore, #tpu.memory_space<semaphore_mem>>
      %dma_start3A = arith.constant 0 : i32
      %dma_start3A_19 = tpu.memref_slice %arg7[%arg0, %add3A, %dma_start3A] : memref<2x10112x144xf32, #tpu.memory_space<hbm>> -> memref<1x320x144xf32, #tpu.memory_space<hbm>>
      %dma_start3A_20 = tpu.memref_squeeze %dma_start3A_19 : memref<1x320x144xf32, #tpu.memory_space<hbm>> -> memref<320x144xf32, #tpu.memory_space<hbm>>
      %dma_start3A_21 = arith.constant 0 : i32
      %dma_start3A_22 = tpu.memref_slice %arg7[%arg0, %add3A, %dma_start3A_21] : memref<2x10112x144xf32, #tpu.memory_space<hbm>> -> memref<1x320x144xf32, #tpu.memory_space<hbm>>
      %dma_start3A_23 = tpu.memref_squeeze %dma_start3A_22 : memref<1x320x144xf32, #tpu.memory_space<hbm>> -> memref<320x144xf32, #tpu.memory_space<hbm>>
      tpu.enqueue_dma source(%arg11 : memref<320x144xf32, #tpu.memory_space<vmem>>) target(%dma_start3A_23 : memref<320x144xf32, #tpu.memory_space<hbm>>) target_semaphore(%run_scoped3A : memref<!tpu.dma_semaphore, #tpu.memory_space<semaphore_mem>>)
      %dma_wait3A = arith.constant 0 : i32
      %dma_wait3A_24 = tpu.memref_slice %arg7[%arg0, %add3A, %dma_wait3A] : memref<2x10112x144xf32, #tpu.memory_space<hbm>> -> memref<1x320x144xf32, #tpu.memory_space<hbm>>
      %dma_wait3A_25 = tpu.memref_squeeze %dma_wait3A_24 : memref<1x320x144xf32, #tpu.memory_space<hbm>> -> memref<320x144xf32, #tpu.memory_space<hbm>>
      %dma_wait3A_26 = arith.constant 0 : i32
      %dma_wait3A_27 = tpu.memref_slice %arg7[%arg0, %add3A, %dma_wait3A_26] : memref<2x10112x144xf32, #tpu.memory_space<hbm>> -> memref<1x320x144xf32, #tpu.memory_space<hbm>>
      %dma_wait3A_28 = tpu.memref_squeeze %dma_wait3A_27 : memref<1x320x144xf32, #tpu.memory_space<hbm>> -> memref<320x144xf32, #tpu.memory_space<hbm>>
      tpu.wait_dma2 semaphore(%run_scoped3A : memref<!tpu.dma_semaphore, #tpu.memory_space<semaphore_mem>>) src(%arg11 : memref<320x144xf32, #tpu.memory_space<vmem>>) dst(%dma_wait3A_28 : memref<320x144xf32, #tpu.memory_space<hbm>>)
      tpu.yield
    }) : () -> ()
    return
  }
}

module attributes {stable_mosaic.version = 14 : i64} {
  func.func @_tail_body(%arg0: memref<256x128xf32, #tpu.memory_space<vmem>>, %arg1: memref<256x128xf32, #tpu.memory_space<vmem>>, %arg2: memref<256x1024xf32, #tpu.memory_space<vmem>>, %arg3: memref<1024xf32, #tpu.memory_space<vmem>>, %arg4: memref<1024x256xf32, #tpu.memory_space<vmem>>, %arg5: memref<256xf32, #tpu.memory_space<vmem>>, %arg6: memref<256x1xf32, #tpu.memory_space<vmem>>, %arg7: memref<1xf32, #tpu.memory_space<vmem>>, %arg8: memref<256x1xf32, #tpu.memory_space<vmem>>) attributes {dimension_semantics = [], scalar_prefetch = 0 : i64, scratch_operands = 0 : i64, tpu.core_type = #tpu.core_type<tc>} {
    %get3A = arith.constant 0 : index
    %get3A_0 = arith.constant 0 : index
    %get3A_1 = vector.load %arg0[%get3A, %get3A_0] : memref<256x128xf32, #tpu.memory_space<vmem>>, vector<256x128xf32>
    %get3A_2 = arith.constant 0 : index
    %get3A_3 = arith.constant 0 : index
    %get3A_4 = vector.load %arg1[%get3A_2, %get3A_3] : memref<256x128xf32, #tpu.memory_space<vmem>>, vector<256x128xf32>
    %concatenate3A = tpu.concatenate %get3A_1, %get3A_4 in 1 : vector<256x128xf32>, vector<256x128xf32> -> vector<256x256xf32>
    %get3A_5 = arith.constant 0 : index
    %get3A_6 = arith.constant 0 : index
    %get3A_7 = vector.load %arg2[%get3A_5, %get3A_6] : memref<256x1024xf32, #tpu.memory_space<vmem>>, vector<256x1024xf32>
    %dot_general3A = arith.constant dense<0.000000e+00> : vector<256x1024xf32>
    %dot_general3A_8 = tpu.matmul %concatenate3A, %get3A_7, %dot_general3A {dimension_numbers = #tpu.dot_dimension_numbers<[1], [0], [0], [1], [0, 0, 1, 1], [], []>, transpose_lhs_hint = false} : vector<256x256xf32>, vector<256x1024xf32>, vector<256x1024xf32> -> vector<256x1024xf32>
    %get3A_9 = arith.constant 0 : index
    %get3A_10 = vector.load %arg3[%get3A_9] : memref<1024xf32, #tpu.memory_space<vmem>>, vector<1024xf32>
    %broadcast_in_dim3A = vector.shape_cast %get3A_10 : vector<1024xf32> to vector<1x1024xf32>
    %add3A = vector.broadcast %broadcast_in_dim3A : vector<1x1024xf32> to vector<256x1024xf32>
    %add3A_11 = arith.addf %dot_general3A_8, %add3A : vector<256x1024xf32>
    %max3A = arith.constant 0.000000e+00 : f32
    %max3A_12 = vector.broadcast %max3A : f32 to vector<256x1024xf32>
    %max3A_13 = arith.maximumf %add3A_11, %max3A_12 : vector<256x1024xf32>
    %get3A_14 = arith.constant 0 : index
    %get3A_15 = arith.constant 0 : index
    %get3A_16 = vector.load %arg4[%get3A_14, %get3A_15] : memref<1024x256xf32, #tpu.memory_space<vmem>>, vector<1024x256xf32>
    %dot_general3A_17 = arith.constant dense<0.000000e+00> : vector<256x256xf32>
    %dot_general3A_18 = tpu.matmul %max3A_13, %get3A_16, %dot_general3A_17 {dimension_numbers = #tpu.dot_dimension_numbers<[1], [0], [0], [1], [0, 0, 1, 1], [], []>, transpose_lhs_hint = false} : vector<256x1024xf32>, vector<1024x256xf32>, vector<256x256xf32> -> vector<256x256xf32>
    %get3A_19 = arith.constant 0 : index
    %get3A_20 = vector.load %arg5[%get3A_19] : memref<256xf32, #tpu.memory_space<vmem>>, vector<256xf32>
    %broadcast_in_dim3A_21 = vector.shape_cast %get3A_20 : vector<256xf32> to vector<1x256xf32>
    %add3A_22 = vector.broadcast %broadcast_in_dim3A_21 : vector<1x256xf32> to vector<256x256xf32>
    %add3A_23 = arith.addf %dot_general3A_18, %add3A_22 : vector<256x256xf32>
    %max3A_24 = arith.constant 0.000000e+00 : f32
    %max3A_25 = vector.broadcast %max3A_24 : f32 to vector<256x256xf32>
    %max3A_26 = arith.maximumf %add3A_23, %max3A_25 : vector<256x256xf32>
    %get3A_27 = arith.constant 0 : index
    %get3A_28 = arith.constant 0 : index
    %get3A_29 = vector.load %arg6[%get3A_27, %get3A_28] : memref<256x1xf32, #tpu.memory_space<vmem>>, vector<256x1xf32>
    %dot_general3A_30 = arith.constant dense<0.000000e+00> : vector<256x1xf32>
    %dot_general3A_31 = tpu.matmul %max3A_26, %get3A_29, %dot_general3A_30 {dimension_numbers = #tpu.dot_dimension_numbers<[1], [0], [0], [1], [0, 0, 1, 1], [], []>, transpose_lhs_hint = false} : vector<256x256xf32>, vector<256x1xf32>, vector<256x1xf32> -> vector<256x1xf32>
    %get3A_32 = arith.constant 0 : index
    %get3A_33 = vector.load %arg7[%get3A_32] : memref<1xf32, #tpu.memory_space<vmem>>, vector<1xf32>
    %broadcast_in_dim3A_34 = vector.shape_cast %get3A_33 : vector<1xf32> to vector<1x1xf32>
    %add3A_35 = vector.broadcast %broadcast_in_dim3A_34 : vector<1x1xf32> to vector<256x1xf32>
    %add3A_36 = arith.addf %dot_general3A_31, %add3A_35 : vector<256x1xf32>
    %swap3A = arith.constant 0 : index
    %swap3A_37 = arith.constant 0 : index
    %swap3A_38 = vector.load %arg8[%swap3A, %swap3A_37] : memref<256x1xf32, #tpu.memory_space<vmem>>, vector<256x1xf32>
    tpu.vector_store %arg8[%swap3A, %swap3A_37], %add3A_36 {strides = array<i32>} : memref<256x1xf32, #tpu.memory_space<vmem>>, vector<256x1xf32>,
    return
  }
}

</mosaic_0001>

<sc_bundles>
// kernel: kernel.5.cloned.1.call-start
scs
__scs_entry_jumppad:
0x0: {  	(pc) =	sbr.rel $0x88, $3  }
0x1: {  	(tag) =	ssettag $0x0;
	lr =	simm.s32 $0x1  }
0x2: {  	[smem:$0x3F88] =	sst lr;
	_ =	strace $0xD0000000  }
0x3: {  	_ = 	snop  }
0x4: {  	_ = 	snop  }
0x5: {  	_ = 	snop  }
0x6: {  	_ = 	snop  }
0x7: {  	_ = 	snop  }
__scs_overlays_trampoline_lowered:
0x8: {  	[smem:$0x3F97] =	sst s0  }
0x9: {  	[smem:$0x3F98] =	sst s1  }
0xa: {  	[smem:$0x3F99] =	sst s2  }
0xb: {  	[smem:$0x3F9A] =	sst s3  }
0xc: {  	[smem:$0x3F9B] =	sst s4  }
0xd: {  	[smem:$0x3F9C] =	sst s5  }
0xe: {  	[smem:$0x3F9D] =	sst s6  }
0xf: {  	[smem:$0x3F9E] =	sst s7  }
0x10: {  	[smem:$0x3F9F] =	sst s8  }
0x11: {  	[smem:$0x3FA0] =	sst s9;
	s0 =	simm.s32 @!p0 $0x0  }
0x12: {  	s1 =	sld [smem:$0x3F86];
	s0 =	simm.s32 @p0 $0x1  }
0x13: {  	[smem:$0x3FA1] =	sst s0;
	s0 =	simm.s32 @!p1 $0x0  }
0x14: {  	s2 =	sld [smem:$0x3F85];
	s0 =	simm.s32 @p1 $0x1  }
0x15: {  	[smem:$0x3FA2] =	sst s0;
	s0 =	simm.s32 @!p2 $0x0  }
0x16: {  	s3 =	sld [smem:$0x3FDB];
	s0 =	simm.s32 @p2 $0x1  }
0x17: {  	s4 =	simm.s32 $0x1BF5;
	[smem:$0x3FA4] =	sst s0  }
0x18: {  	s0 =	sld [smem:$0x3F87];
	_ =	swait.ge [sflag:s4], $0x0  }
0x19: {  	s7 =	sld [smem:$0x3F88]  }
0x1a: {  	s8 =	sadd.s32 $0xFFFFE003, lr  }
0x1b: {  	s9 =	sadd.s32 $0xFFFFFEF7, lr;
	s5 =	simm.s32 $0xFFFFFFFF;
	p2 =	slt.u32 s8, $0xFFFFF086  }
0x1c: {  	p1 =	slt.u32 s9, $0xF7A;
	s5 =	simm.s32 @!p2 $0x0  }
0x1d: {  	s5 =	simm.s32 @p1 $0x1;
	p0 =	seq.s32 s7, s2  }
0x1e: {  	s7 =	smul.u32 @!p0 $0xF7A, s2;
	p2 =	seq.s32 @!p0 s5, $0x0  }
0x1f: {  	s9 =	smul.u32 $0xF7A, s1;
	s8 =	simm.s32 @!p0 $0x1BF5;
	p2 =	por !p2, p0  }
0x20: {  	[sflag:s8] =	ssyncset.s32 @!p0 $0xFFFFF086;
	s6 =	sadd.s32 @!p0 s3, s7;
	s7 =	simm.s32 @!p0 $0x108  }
0x21: {  	s3 =	sadd.s32 s3, s9;
	s6 =	sadd.s32 @!p0 $0x88, s6;
	s7 =	simm.s32 @p2 $0x1082  }
0x22: {  	[simem:s7], [sflag:s8] =	dma.local @!p0 [hbm:s6], $0xF7A  }
0x23: {  	s9 =	sor.u32 $0xD0000000, s2;
	s6 =	simm.s32 $0x108;
	_ =	swait.ge @!p0 [sflag:s8], $0x0  }
0x24: {  	s3 =	sadd.s32 $0x88, s3;
	s6 =	simm.s32 @!p1 $0x1082;
	[sflag:s4] =	ssyncset.s32 $0xFFFFF086  }
0x25: {  	[simem:s6], [sflag:s4] =	dma.local [hbm:s3], $0xF7A  }
0x26: {  	[smem:$0x3F88] =	sst s1;
	(tag) =	ssettag s2;
	_ =	strace s9  }
0x27: {  	s1 =	sld [smem:$0x3F98]  }
0x28: {  	s2 =	sld [smem:$0x3F99]  }
0x29: {  	s4 =	sld [smem:$0x3F9B]  }
0x2a: {  	p0 =	seq.s32 s5, $0x0;
	s5 =	sld [smem:$0x3F9C]  }
0x2b: {  	s6 =	sld [smem:$0x3F9D]  }
0x2c: {  	s7 =	sld [smem:$0x3F9E]  }
0x2d: {  	s3 =	simm.s32 $0x108;
	s8 =	sld [smem:$0x3F9F]  }
0x2e: {  	s3 =	simm.s32 @!p0 $0x1082;
	s9 =	sld [smem:$0x3FA0]  }
0x2f: {  	lr =	sadd.s32 s0, s3;
	s0 =	sld [smem:$0x3F97]  }
0x30: {  	s3 =	sld [smem:$0x3F9A]  }
0x31: {  	[smem:$0x3FA3] =	sst s10  }
0x32: {  	s10 =	sld [smem:$0x3FA1];
	_ =	sdelay $0x3  }
0x33: {  	p0 =	seq.s32 s10, $0x1;
	s10 =	sld [smem:$0x3FA3];
	_ =	sdelay $0x3  }
0x34: {  	[smem:$0x3FA3] =	sst s10  }
0x35: {  	s10 =	sld [smem:$0x3FA2];
	_ =	sdelay $0x3  }
0x36: {  	p1 =	seq.s32 s10, $0x1;
	s10 =	sld [smem:$0x3FA3];
	_ =	sdelay $0x3  }
0x37: {  	[smem:$0x3FA3] =	sst s10  }
0x38: {  	s10 =	sld [smem:$0x3FA4]  }
0x39: {  	_ = 	snop;
	(pc) =	sbr.ind lr, $3  }
0x3a: {  	_ = 	snop  }
0x3b: {  	_ = 	snop  }
0x3c: {  	p2 =	seq.s32 s10, $0x1;
	s10 =	sld [smem:$0x3FA3]  }
0x3d: {  	_ =	shalt  }
0x3e: {  	_ =	shalt  }
0x3f: {  	_ =	shalt  }
0x40: {  	_ =	shalt  }
0x41: {  	_ =	shalt  }
0x42: {  	_ =	shalt  }
0x43: {  	_ =	shalt  }
0x44: {  	_ =	shalt  }
0x45: {  	_ =	shalt  }
0x46: {  	_ =	shalt  }
0x47: {  	_ =	shalt  }
0x48: {  	_ =	shalt  }
0x49: {  	_ =	shalt  }
0x4a: {  	_ =	shalt  }
0x4b: {  	_ =	shalt  }
0x4c: {  	_ =	shalt  }
0x4d: {  	_ =	shalt  }
0x4e: {  	_ =	shalt  }
0x4f: {  	_ =	shalt  }
0x50: {  	_ =	shalt  }
0x51: {  	_ =	shalt  }
0x52: {  	_ =	shalt  }
0x53: {  	_ =	shalt  }
0x54: {  	_ =	shalt  }
0x55: {  	_ =	shalt  }
0x56: {  	_ =	shalt  }
0x57: {  	_ =	shalt  }
0x58: {  	_ =	shalt  }
0x59: {  	_ =	shalt  }
0x5a: {  	_ =	shalt  }
0x5b: {  	_ =	shalt  }
0x5c: {  	_ =	shalt  }
0x5d: {  	_ =	shalt  }
0x5e: {  	_ =	shalt  }
0x5f: {  	_ =	shalt  }
0x60: {  	_ =	shalt  }
0x61: {  	_ =	shalt  }
0x62: {  	_ =	shalt  }
0x63: {  	_ =	shalt  }
0x64: {  	_ =	shalt  }
0x65: {  	_ =	shalt  }
0x66: {  	_ =	shalt  }
0x67: {  	_ =	shalt  }
0x68: {  	_ =	shalt  }
0x69: {  	_ =	shalt  }
0x6a: {  	_ =	shalt  }
0x6b: {  	_ =	shalt  }
0x6c: {  	_ =	shalt  }
0x6d: {  	_ =	shalt  }
0x6e: {  	_ =	shalt  }
0x6f: {  	_ =	shalt  }
0x70: {  	_ =	shalt  }
0x71: {  	_ =	shalt  }
0x72: {  	_ =	shalt  }
0x73: {  	_ =	shalt  }
0x74: {  	_ =	shalt  }
0x75: {  	_ =	shalt  }
0x76: {  	_ =	shalt  }
0x77: {  	_ =	shalt  }
0x78: {  	_ =	shalt  }
0x79: {  	_ =	shalt  }
0x7a: {  	_ =	shalt  }
0x7b: {  	_ =	shalt  }
0x7c: {  	_ =	shalt  }
0x7d: {  	_ =	shalt  }
0x7e: {  	_ =	shalt  }
0x7f: {  	_ =	shalt  }
0x80: {  	_ =	shalt  }
0x81: {  	_ =	shalt  }
0x82: {  	_ =	shalt  }
0x83: {  	_ =	shalt  }
0x84: {  	_ =	shalt  }
0x85: {  	_ =	shalt  }
0x86: {  	_ =	shalt  }
0x87: {  	_ =	shalt  }
.Lfunc_end0:
.L_simem_size_0:
called_computation.2_lowered:
.L_overlay_start_0:
0x88: {  	s2 =	sld [smem:$0x3FD9]  }
0x89: {  	s3 =	sld [smem:$0x3FFE];
	_ =	sdelay $0x1  }
0x8a: {  	s1 =	srdreg.scid  }
0x8b: {  	s0 =	sand.u32 $0x1, s1  }
0x8c: {  	s17 =	sshll.u32 s0, $0xA;
	s2 =	sadd.s32 s3, s2  }
0x8d: {  	s2 =	sadd.s32 s2, s17  }
0x8e: {  	[smem:$0x3FAF] =	sst s2  }
0x8f: {  	_ = 	snop  }
0x90: {  	s2 =	sld [smem:$0x3FD0];
	(tm) =	ssettm $0x1  }
0x91: {  	s18 =	sld [smem:$0x3FFB];
	_ =	sdelay $0x3  }
0x92: {  	_ =	strace s18  }
0x93: {  	s3 =	sld [smem:$0x3FFC];
	_ =	sdelay $0x3  }
0x94: {  	_ =	strace s3  }
0x95: {  	s3 =	sld [smem:$0x3FFD];
	_ =	sdelay $0x3  }
0x96: {  	_ =	strace s3  }
0x97: {  	_ =	strace $0x8FFFFFFF  }
0x98: {  	s19 =	sld [smem:$0x3FDB];
	_ =	sdelay $0x1  }
0x99: {  	s4 =	simm.s32 $_scs_section_size  }
0x9a: {  	s5 =	simm.s32 $_size__tile_overlayer_lowered;
	s6 =	simm.s32 $_tile_overlayer_lowered  }
0x9b: {  	s22 =	simm.s32 $0x1BFF;
	s21 =	sshll.u32 s6, $0x1;
	s3 =	sadd.s32 s4, s19  }
0x9c: {  	s7 =	simm.s32 $0x0;
	s20 =	sshll.u32 s5, $0x1;
	s5 =	sadd.s32 s21, s3  }
0x9d: {  	[timem:s7], [sflag:s22] =	dma.local [hbm:s5], s20  }
0x9e: {  	_ =	swait.ge [sflag:s22], s20  }
0x9f: {  	s4 =	ssub.s32 $0x0, s20;
	[sflag:s22] =	ssyncset.done $0x0  }
0xa0: {  	[sflag:s22] =	ssyncadd.s32 s4;
	_ =	sdelay $0x1  }
0xa1: {  	s23 =	simm.s32 $0x1B8B  }
0xa2: {  	_ =	swait.ge [sflag:s23], $0x1  }
0xa3: {  	[sflag:s23] =	ssyncset.done $0x0  }
0xa4: {  	s25 =	simm.s32 $0x1B8E;
	s24 =	sld [smem:$0x3FFE];
	[sflag:s23] =	ssyncadd.s32 $0xFFFFFFFF  }
0xa5: {  	s26 =	simm.s32 $execute0_lowered;
	[smem:$0x3FD2] =	sst s25  }
0xa6: {  	s5 =	sshll.u32 s26, $0x1;
	_ =	strace $0x80000046;
	[dreg:$0x1] =	wrdreg $0xFFFFFFFF  }
0xa7: {  	s28 =	simm.s32 $_size_execute0_lowered;
	s3 =	sadd.s32 s3, s5;
	[dreg:$0x0] =	wrdreg $0x0  }
0xa8: {  	s5 =	sshll.u32 s28, $0x1;
	[dreg:$0x2] =	wrdreg s3  }
0xa9: {  	[dreg:$0x3] =	wrdreg s5  }
0xaa: {  	[dreg:$0x4] =	wrdreg $0xC0  }
0xab: {  	_ =	task [dreg:s7], $0x5FFFF  }
0xac: {  	[dreg:$0x1] =	wrdreg $0xFFFFFFFF  }
0xad: {  	[dreg:$0x0] =	wrdreg $0x60  }
0xae: {  	[dreg:$0x2] =	wrdreg s24  }
0xaf: {  	[dreg:$0x3] =	wrdreg s2  }
0xb0: {  	[dreg:$0x4] =	wrdreg $0x9  }
0xb1: {  	_ =	task.clear_ibuf [dreg:s7], $0x5FFFF;
	_ =	strace $0x90000046  }
0xb2: {  	s29 =	simm.s32 $0x9;
	_ =	strace $0x80000048  }
0xb3: {  	_ =	swait.ge [sflag:s29], $0x1  }
0xb4: {  	[sflag:s29] =	ssyncadd.s32 $0xFFFFFFFF  }
0xb5: {  	_ =	strace $0x90000048  }
0xb6: {  	_ =	sfence  }
0xb7: {  	s30 =	sld [smem:$0x0];
	_ =	sdelay $0x2  }
0xb8: {  	s31 =	sshll.u32 s1, $0xD;
	s1 =	sshrl.u32 s1, $0x2  }
0xb9: {  	s3 =	sand.u32 $0x4000, s31;
	s1 =	sadd.s32 s1, s30  }
0xba: {  	s0 =	sor.u32 s3, s0;
	s1 =	sshll.u32 s1, $0x11  }
0xbb: {  	s0 =	sor.u32 s1, s0  }
0xbc: {  	s0 =	sadd.s32 $0x8F2B, s0  }
0xbd: {  	[sflag:s0] =	ssyncadd.remote.s32 $0x1  }
0xbe: {  	_ =	sfence.sel $0xFFFF  }
0xbf: {  	[dreg:$0x0] =	wrdreg $0xFFFFFFFF;
	(pc) =	sbr.abs _section_cstart, $3  }
0xc0: {  	[dreg:$0x1] =	wrdreg $0xFFFFFFFF  }
0xc1: {  	_ =	task.clear_ibuf [dreg:s7], $0x2FFFF;
	_ =	strace $0x9FFFFFFF  }
0xc2: {  	(tm) =	ssettm $0x7FFFFFFF  }
0xc3: {  	_ =	shalt  }
tec
execute0_lowered:
.L_overlay_start_1:
0x0: {  	(tag) =	ssettag $0x1  }
0x1: {  	s0 =	rddreg [dreg:$0x0]  }
0x2: {  	s4 =	rddreg [dreg:$0x1];
	s1 =	simm.s32 $0x0;
	s8 =	srdreg.scid  }
0x3: {  	s14 =	stileid.u32;
	s16 =	simm.s32 $0x2;
	s18 =	simm.s32 $0x1000  }
0x4: {  	s19 =	simm.s32 $0x1;
	s20 =	simm.s32 $0x1D808;
	s22 =	simm.s32 $0x11278  }
0x5: {  	s23 =	simm.s32 $0x7000;
	s24 =	simm.s32 $0x0;
	[smem:$0x7FF] =	sst s1  }
0x6: {  	s2 =	sadd.s32 $0xE600, s0;
	s3 =	sadd.s32 $0x1400, s0;
	s5 =	sadd.s32 $0xB400, s0  }
0x7: {  	s6 =	sadd.s32 $0x19E600, s0;
	s7 =	sadd.s32 $0x6800, s0;
	s10 =	smul.u32 $0x600, s14  }
0x8: {  	s21 =	sand.u32 $0x1, s8;
	s8 =	sadd.s32 $0x13A00, s0;
	s9 =	smul.u32 $0x278, s14  }
0x9: {  	s12 =	sshll.u32 s14, $0x2;
	s31 =	sshll.u32 s14, $0x1;
	s14 =	smul.u32 $0xC580, s14  }
0xa: {  	_ =	strace $0x80000047;
	s11 =	ssub.s32 $0x2, s21;
	s4 =	sadd.s32 s4, s31  }
.Ltmp0:
0xb: {  	p0 =	sne.s32 s21, $0x0;
	s13 =	sshrl.u32 s11, $0x1;
	(pc) =	sbr.rel .LBB2_1-.Ltmp0, $4  }
0xc: {  	s10 =	sadd.s32 s10, s0;
	s0 =	sadd.s32 s12, s0;
	s17 =	sadd.s32 $0x278, s9  }
0xd: {  	v2 =	vlaneseq.u32;
	v3 =	vimm.s32 $0x0;
	v4 =	vimm.s32 $0x14;
	[dreg:$0x4] =	wrdreg s4;
	s15 =	ssub.s32 s11, s13;
	s10 =	sadd.s32 $0x10A800, s10  }
0xe: {  	v5 =	vor.u32 $0x10, v2;
	v6 =	vor.u32 $0x20, v2;
	s12 =	sadd.s32 $0x8200, s0;
	s13 =	smul.u32 $0x5, s21;
	v1 =	vmov s17;
	s17 =	simm.s32 $0x800  }
0xf: {  	v7 =	vor.u32 $0x30, v2;
	v8 =	vor.u32 $0x40, v2;
	v0 =	vmov s9;
	s21 =	simm.s32 $0x11000;
	[dreg:$0x3] =	wrdreg s10;
	s15 =	smax.u32 s15, $0x1  }
.LBB2_21:
0x10: {  	s24 =	sadd.s32 $0x1, s24  }
0x11: {  	p1 =	sne.s32 s24, s15  }
.Ltmp1:
0x12: {  	_ = 	snop;
	(pc) =	sbr.rel @!p1 .LBB2_22-.Ltmp1, $1  }
0x13: {  	_ =	sdelay $0x3  }
.LBB2_1:
0x14: {  	s0 =	simm.s32 $0x40;
	s4 =	simm.s32 $0x0  }
.LBB2_2:
0x15: {  	p1 =	sne.s32 s0, $0xBFC0;
	[tilespmem:s4+$0x1000] =	vst v3;
	s25 =	smov.u32 s0;
	s0 =	sadd.s32 $0x40, s0  }
.Ltmp2:
0x16: {  	[tilespmem:s4+$0x4000] =	vst v3;
	(pc) =	sbr.rel @p1 .LBB2_2-.Ltmp2, $2  }
0x17: {  	_ =	sdelay $0x2  }
0x18: {  	s4 =	sshra.s32 s25, $0x2  }
0x19: {  	[tilespmem:s4+$0x1000] =	vst v3  }
0x1a: {  	s0 =	simm.s32 $0x0;
	[tilespmem:s4+$0x4000] =	vst v3;
	s26 =	simm.s32 $0x0;
	s25 =	simm.s32 $0x0  }
.LBB2_4:
0x1b: {  	s4 =	sshll.u32 s25, $0x8  }
0x1c: {  	s28 =	sadd.s32 s2, s4  }
0x1d: {  	[tilespmem:s0], [sflag:$0x2] =	stream.linear.gather [hbm4b:s28+s0], $0x800, $0x38;
	[tilespmem:$0x1D828] =	vst v63  }
0x1e: {  	_ =	swait.ge [sflag:s16], $0x800  }
0x1f: {  	[sflag:s16] =	ssyncset.done $0x0  }
0x20: {  	s4 =	sadd.s32 s3, s4;
	[sflag:s16] =	ssyncadd.s32 $0xFFFFF800  }
0x21: {  	[tilespmem:s17], [sflag:$0x2] =	stream.linear.gather [hbm4b:s4+s0], $0x800, $0x38;
	[tilespmem:$0x1D828] =	vst v63  }
0x22: {  	_ =	swait.ge [sflag:s16], $0x800  }
0x23: {  	[sflag:s16] =	ssyncset.done $0x0  }
0x24: {  	s31 =	simm.s32 $0x0;
	[sflag:s16] =	ssyncadd.s32 $0xFFFFF800  }
0x25: {  	v9 =	vld [tilespmem:s31+$0x800];
	_ =	sdelay $0x4  }
0x26: {  	vm0 =	vge.s32 v9, v0;
	vm1 =	vlt.s32 v9, v1  }
0x27: {  	vm0 =	vmand vm0, vm1  }
0x28: {  	v10 =	vsel vm0, $0x1, v3  }
0x29: {  	(xrf0) =	vadd.scan.msk.s32 $0xffff, v10;
	_ =	sdelay $0x4  }
0x2a: {  	v10 =	vsel vm0, $0xFFFFFFFF, v3  }
0x2b: {  	v10 =	vadd.s32 s26, v10;
	v11, _, _ =	vpop (xrf0)  }
0x2c: {  	v12 =	vld [tilespmem:s31+$0x0];
	v10 =	vadd.s32 v11, v10;
	(v2sf) =	vpush v11, $0xF  }
0x2d: {  	vm15 =	vlt.s32 v10, $0x2FFF  }
0x2e: {  	v10 =	vnsel vm15, $0x2FFF, v10;
	_ =	sdelay $0x2  }
0x2f: {  	v9 =	vsub.s32 v9, v0;
	v12 =	vshll.u32 v12, $0xA  }
0x30: {  	v9 =	vadd.s32 v12, v9  }
0x31: {  	s28 =	simm.s32 $0x80;
	s4 =	simm.s32 $0x10;
	[tilespmem:v10+s18+$0x0] =	vst.idx.msk vm0, v9  }
.LBB2_5:
0x32: {  	p1 =	sne.s32 s28, $0x1FC0;
	v9 =	vld [tilespmem:s4+$0x800];
	_ =	sdelay $0x4  }
0x33: {  	vm0 =	vge.s32 v9, v0;
	vm1 =	vlt.s32 v9, v1;
	v9 =	vsub.s32 v9, v0  }
0x34: {  	vm0 =	vmand vm0, vm1  }
0x35: {  	v10 =	vsel vm0, $0xFFFFFFFF, v3;
	v11 =	vsel vm0, $0x1, v3;
	s29 =	spop (v2sf)  }
0x36: {  	(xrf0) =	vadd.scan.msk.s32 $0xffff, v11;
	s26 =	sadd.s32 s26, s29  }
0x37: {  	p2 =	slt.s32 s26, $0x2FF0  }
0x38: {  	s26 =	simm.s32 @!p2 $0x2FF0  }
0x39: {  	v10 =	vadd.s32 s26, v10;
	_ =	sdelay $0x2  }
0x3a: {  	v11, _, _ =	vpop (xrf0)  }
0x3b: {  	v12 =	vld [tilespmem:s4+$0x0];
	v10 =	vadd.s32 v11, v10;
	(v2sf) =	vpush v11, $0xF  }
0x3c: {  	vm1 =	vlt.s32 v10, $0x2FFF  }
0x3d: {  	v10 =	vnsel vm1, $0x2FFF, v10  }
.Ltmp3:
0x3e: {  	(pc) =	sbr.rel @p1 .LBB2_5-.Ltmp3, $4  }
0x3f: {  	_ = 	snop  }
0x40: {  	v11 =	vshll.u32 v12, $0xA  }
0x41: {  	v9 =	vadd.s32 v11, v9  }
0x42: {  	s4 =	sshra.s32 s28, $0x2;
	s28 =	sadd.s32 $0x40, s28;
	[tilespmem:v10+s18+$0x0] =	vst.idx.msk vm0, v9  }
0x43: {  	v9 =	vld [tilespmem:s4+$0x800];
	_ =	sdelay $0x4  }
0x44: {  	vm0 =	vge.s32 v9, v0;
	vm1 =	vlt.s32 v9, v1  }
0x45: {  	vm0 =	vmand vm0, vm1  }
0x46: {  	v10 =	vsel vm0, $0x1, v3  }
0x47: {  	(xrf0) =	vadd.scan.msk.s32 $0xffff, v10;
	_ =	sdelay $0x5  }
0x48: {  	v10, _, _ =	vpop (xrf0)  }
0x49: {  	(v2sf) =	vpush v10, $0xF;
	_ =	sdelay $0x5  }
0x4a: {  	s28 =	spop (v2sf)  }
0x4b: {  	s26 =	sadd.s32 s26, s28  }
0x4c: {  	p1 =	slt.s32 s26, $0x2FF0  }
0x4d: {  	v11 =	vsel vm0, $0xFFFFFFFF, v3;
	s26 =	simm.s32 @!p1 $0x2FF0  }
0x4e: {  	v11 =	vadd.s32 s26, v11  }
0x4f: {  	v12 =	vld [tilespmem:s4+$0x0];
	v10 =	vadd.s32 v10, v11  }
0x50: {  	s25 =	sadd.s32 $0x1, s25;
	vm15 =	vlt.s32 v10, $0x2FFF  }
0x51: {  	p2 =	sne.s32 s25, $0x54;
	v10 =	vnsel vm15, $0x2FFF, v10  }
.Ltmp4:
0x52: {  	_ = 	snop;
	(pc) =	sbr.rel @p2 .LBB2_4-.Ltmp4, $4  }
0x53: {  	s31 =	spop (v2sf)  }
0x54: {  	v9 =	vsub.s32 v9, v0;
	v11 =	vshll.u32 v12, $0xA;
	s4 =	sadd.s32 s26, s31  }
0x55: {  	v9 =	vadd.s32 v11, v9;
	p1 =	slt.s32 s4, $0x2FF0;
	s26 =	smov.u32 s4  }
0x56: {  	[tilespmem:v10+s18+$0x0] =	vst.idx.msk vm0, v9;
	s26 =	simm.s32 @!p1 $0x2FF0  }
0x57: {  	s0 =	sadd.s32 $0xF, s26  }
0x58: {  	s25 =	sand.u32 $0xF, s0  }
0x59: {  	p1 =	slt.s32 s4, $0xFFFFFFF2;
	s31 =	sshra.s32 s0, $0x1F;
	p2 =	sne.s32 s25, $0x0  }
.Ltmp5:
0x5a: {  	s4 =	sshrl.u32 s31, $0x1C;
	p1 =	por !p1, !p2;
	(pc) =	sbr.rel .LBB2_8-.Ltmp5, $4  }
0x5b: {  	s0 =	sadd.s32 s4, s0;
	s4 =	simm.s32 $0x1;
	p1 =	por !p1, !p1  }
0x5c: {  	s0 =	sshra.s32 s0, $0x4;
	s4 =	simm.s32 @!p1 $0x0  }
0x5d: {  	s28 =	simm.s32 $0x0;
	s0 =	ssub.s32 s0, s4  }
0x5e: {  	v9 =	vmov s26;
	s26 =	simm.s32 $0x0;
	s25 =	simm.s32 $0x0;
	p1 =	slt.s32 s0, $0x1  }
.LBB2_11:
0x5f: {  	s26 =	sadd.s32 $0x1, s26  }
0x60: {  	p2 =	sne.s32 s26, $0x14  }
.Ltmp6:
0x61: {  	_ = 	snop;
	(pc) =	sbr.rel @!p2 .LBB2_12-.Ltmp6, $1  }
0x62: {  	_ =	sdelay $0x3  }
.LBB2_8:
0x63: {  	v10 =	vmov s26  }
.Ltmp7:
0x64: {  	_ = 	snop;
	(pc) =	sbr.rel @p1 .LBB2_11-.Ltmp7, $3  }
0x65: {  	_ =	sdelay $0x1  }
0x66: {  	v11 =	vmov s28  }
0x67: {  	[smem:s26] =	sst s28;
	s4 =	simm.s32 $0x1000;
	[tilespmem:v10+s20+$0x0] =	vst.idx.msk $0x1, v11  }
0x68: {  	v11 =	vld [tilespmem:s4+$0x0];
	_ =	sdelay $0x4  }
0x69: {  	v12 =	vor.u32 s25, v2;
	v13 =	vshrl.u32 v11, $0x13  }
0x6a: {  	vm0 =	vlt.s32 v12, v9;
	vm1 =	veq.s32 v13, v10  }
0x6b: {  	vm0 =	vmand vm0, vm1  }
0x6c: {  	v63 =	vsel vm0, $0x1, v3  }
0x6d: {  	(xrf0) =	vadd.scan.msk.s32 $0xffff, v63;
	_ =	sdelay $0x5  }
0x6e: {  	v12, _, _ =	vpop (xrf0)  }
0x6f: {  	(v2sf) =	vpush v12, $0xF;
	_ =	sdelay $0xe  }
0x70: {  	s29 =	spop (v2sf)  }
0x71: {  	p2 =	slt.s32 s29, $0x1  }
0x72: {  	v13 =	vimm.s32 @!p2 $0x0  }
0x73: {  	v13 =	vsel @!p2 vm0, $0xFFFFFFFF, v13  }
0x74: {  	v13 =	vadd.s32 @!p2 s28, v13  }
0x75: {  	v12 =	vadd.s32 @!p2 v12, v13  }
0x76: {  	s4 =	sadd.s32 $0xFFFFFFFF, s0;
	vm1 =	vlt.s32 @!p2 v12, $0x2FFF  }
0x77: {  	p3 =	sne.s32 s4, $0x0;
	v12 =	vnsel @!p2 vm1, $0x2FFF, v12  }
.Ltmp8:
0x78: {  	_ = 	snop;
	(pc) =	sbr.rel @!p3 .LBB2_11-.Ltmp8, $3  }
0x79: {  	_ =	sdelay $0x1  }
0x7a: {  	s30 =	simm.s32 @!p2 $0x4000  }
0x7b: {  	s28 =	sadd.s32 s28, s29;
	s29 =	simm.s32 $0x1010;
	[tilespmem:v12+s30+$0x0] =	vst.idx.msk @!p2 vm0, v11;
	s30 =	simm.s32 $0x0  }
.LBB2_10:
0x7c: {  	v11 =	vld [tilespmem:s29+$0x0];
	s4 =	sadd.s32 $0xFFFFFFFF, s4;
	s31 =	smov.u32 s28  }
0x7d: {  	p2 =	sne.s32 s4, $0x0;
	_ =	sdelay $0x2  }
0x7e: {  	s30 =	sadd.s32 $0x10, s30  }
0x7f: {  	v12 =	vor.u32 s30, v2;
	v13 =	vshrl.u32 v11, $0x13  }
0x80: {  	vm0 =	vlt.s32 v12, v9;
	vm1 =	veq.s32 v13, v10  }
0x81: {  	vm0 =	vmand vm0, vm1  }
0x82: {  	v12 =	vsel vm0, $0x1, v3  }
0x83: {  	(xrf0) =	vadd.scan.msk.s32 $0xffff, v12;
	_ =	sdelay $0x5  }
0x84: {  	v12, _, _ =	vpop (xrf0)  }
0x85: {  	(v2sf) =	vpush v12, $0xF;
	_ =	sdelay $0xe  }
0x86: {  	s10 =	spop (v2sf)  }
0x87: {  	p3 =	slt.s32 s10, $0x1;
	s28 =	sadd.s32 s28, s10  }
0x88: {  	v13 =	vimm.s32 @!p3 $0x0  }
0x89: {  	v13 =	vsel @!p3 vm0, $0xFFFFFFFF, v13  }
0x8a: {  	v13 =	vadd.s32 @!p3 s31, v13  }
0x8b: {  	v12 =	vadd.s32 @!p3 v12, v13  }
0x8c: {  	vm1 =	vlt.s32 @!p3 v12, $0x2FFF  }
0x8d: {  	v12 =	vnsel @!p3 vm1, $0x2FFF, v12  }
.Ltmp9:
0x8e: {  	(pc) =	sbr.rel @p2 .LBB2_10-.Ltmp9, $3  }
0x8f: {  	_ =	sdelay $0x1  }
0x90: {  	s10 =	simm.s32 @!p3 $0x4000  }
0x91: {  	s29 =	sadd.s32 $0x10, s29;
	[tilespmem:v12+s10+$0x0] =	vst.idx.msk @!p3 vm0, v11  }
.Ltmp10:
0x92: {  	_ = 	snop;
	(pc) =	sbr.rel .LBB2_11-.Ltmp10, $1  }
0x93: {  	_ =	sdelay $0x3  }
.LBB2_12:
0x94: {  	_ =	sdelay $0x2  }
0x95: {  	v10 =	vmov s28  }
0x96: {  	[tilespmem:v4+s20+$0x0] =	vst.idx.msk $0x1, v10  }
0x97: {  	s0 =	simm.s32 @!p0 $0x0;
	s4 =	simm.s32 @!p0 $0x4000;
	s10 =	rddreg [dreg:$0x3];
	[tilespmem:$0x1D7F8] =	vst v9  }
0x98: {  	[hbm4b:s10+s0] =	stream.linear.scatter @!p0 [tilespmem:s4], [sflag:$0x2], $0x3000, $0x38;
	[tilespmem:$0x1D828] =	vst v63  }
0x99: {  	[smem:$0x14] =	sst s28;
	s4 =	simm.s32 @!p0 $0x2  }
0x9a: {  	_ =	swait.ge @!p0 [sflag:s4], $0x3000  }
0x9b: {  	[sflag:s4] =	ssyncset.done @!p0 $0x0  }
0x9c: {  	s10 =	simm.s32 @!p0 $0x1D7F8;
	s11 =	rddreg [dreg:$0x4];
	[sflag:s4] =	ssyncadd.s32 @!p0 $0xFFFFD000  }
0x9d: {  	[hbm4b:s11+s0] =	stream.linear.scatter @!p0 [tilespmem:s10], [sflag:$0x2], $0x10, $0x38;
	[tilespmem:$0x1D828] =	vst v63  }
0x9e: {  	_ =	swait.ge @!p0 [sflag:s4], $0x10  }
0x9f: {  	[sflag:s4] =	ssyncset.done @!p0 $0x0  }
.Ltmp11:
0xa0: {  	s10 =	simm.s32 @!p0 $0x1D808;
	[sflag:s4] =	ssyncadd.s32 @!p0 $0xFFFFFFF0;
	(pc) =	sbr.rel .LBB2_13-.Ltmp11, $4  }
0xa1: {  	[hbm4b:s12+s0] =	stream.linear.scatter @!p0 [tilespmem:s10], [sflag:$0x2], $0x20, $0x38;
	[tilespmem:$0x1D828] =	vst v63  }
0xa2: {  	_ =	swait.ge @!p0 [sflag:s4], $0x20  }
0xa3: {  	[sflag:s4] =	ssyncset.done @!p0 $0x0  }
0xa4: {  	s25 =	simm.s32 $0x0;
	s26 =	simm.s32 $0x0;
	[sflag:s4] =	ssyncadd.s32 @!p0 $0xFFFFFFE0  }
.LBB2_20:
0xa5: {  	s0 =	smul.u32 $0xC5800, s28;
	_ =	sdelay $0x1  }
0xa6: {  	s26 =	sadd.s32 $0x1, s26;
	s0 =	sadd.s32 s14, s0  }
0xa7: {  	p1 =	sne.s32 s26, $0x5;
	s0 =	sshrl.u32 s0, $0x3  }
.Ltmp12:
0xa8: {  	s0 =	sadd.s32 s8, s0;
	(pc) =	sbr.rel @!p1 .LBB2_21-.Ltmp12, $4  }
0xa9: {  	[hbm4b:s0+s1] =	stream.linear.scatter [tilespmem:s22], [sflag:$0x2], $0xC580, $0x38;
	[tilespmem:$0x1D828] =	vst v63  }
0xaa: {  	_ =	swait.ge [sflag:s16], $0xC580  }
0xab: {  	[sflag:s16] =	ssyncset.done $0x0  }
0xac: {  	[sflag:s16] =	ssyncadd.s32 $0xFFFF3A80  }
.LBB2_13:
0xad: {  	s28 =	sadd.s32 s13, s26  }
0xae: {  	s0 =	smul.u32 $0x2780, s28;
	_ =	sdelay $0x1  }
0xaf: {  	s0 =	sadd.s32 s9, s0  }
0xb0: {  	s0 =	sshrl.u32 s0, $0x3  }
0xb1: {  	s0 =	sadd.s32 s5, s0  }
0xb2: {  	[tilespmem:s21], [sflag:$0x2] =	stream.linear.gather [hbm4b:s0+s25], $0x278, $0x38;
	[tilespmem:$0x1D828] =	vst v63  }
0xb3: {  	_ =	swait.ge [sflag:s16], $0x278  }
0xb4: {  	[sflag:s16] =	ssyncset.done $0x0  }
.Ltmp13:
0xb5: {  	[sflag:s16] =	ssyncadd.s32 $0xFFFFFD88;
	(pc) =	sbr.rel .LBB2_15-.Ltmp13, $4  }
0xb6: {  	[tilespmem:s22], [sflag:$0x2] =	stream.linear.gather [hbm4b:s7+s25], $0xC580, $0x38;
	[tilespmem:$0x1D828] =	vst v63  }
0xb7: {  	_ =	swait.ge [sflag:s16], $0xC580  }
0xb8: {  	[sflag:s16] =	ssyncset.done $0x0  }
0xb9: {  	s30 =	simm.s32 $0x0;
	s29 =	smul.u32 $0xC8000, s28;
	[sflag:s16] =	ssyncadd.s32 $0xFFFF3A80  }
.LBB2_14:
0xba: {  	s30 =	sadd.s32 $0x1, s30  }
0xbb: {  	p1 =	seq.s32 s30, $0x14  }
.Ltmp14:
0xbc: {  	_ = 	snop;
	(pc) =	sbr.rel @p1 .LBB2_20-.Ltmp14, $1  }
0xbd: {  	_ =	sdelay $0x3  }
.LBB2_15:
0xbe: {  	s0 =	smul.u32 $0xA000, s30;
	_ =	sdelay $0x1  }
0xbf: {  	s0 =	sadd.s32 s29, s0  }
0xc0: {  	s0 =	sshrl.u32 s0, $0x3  }
0xc1: {  	s0 =	sadd.s32 s6, s0  }
0xc2: {  	[tilespmem:s23], [sflag:$0x1] =	stream.linear.gather [hbm4b:s0+s1], $0xA000, $0x38;
	[tilespmem:$0x1D828] =	vst v63  }
0xc3: {  	_ =	swait.ge [sflag:s19], $0xA000  }
0xc4: {  	[sflag:s19] =	ssyncset.done $0x0  }
0xc5: {  	[sflag:s19] =	ssyncadd.s32 $0xFFFF6000  }
0xc6: {  	s0 =	sld [smem:s30+$0x0]  }
0xc7: {  	s4 =	sld [smem:s30+$0x1];
	_ =	sdelay $0x2  }
0xc8: {  	s4 =	ssub.s32 s4, s0  }
0xc9: {  	s10 =	sadd.s32 $0xF, s4  }
0xca: {  	s31 =	sand.u32 $0xF, s10  }
0xcb: {  	p2 =	slt.s32 s10, $0x1;
	p1 =	sne.s32 s31, $0x0;
	s31 =	sshra.s32 s10, $0x1F  }
0xcc: {  	s31 =	sshrl.u32 s31, $0x1C;
	p1 =	por !p2, !p1  }
0xcd: {  	s10 =	sadd.s32 s31, s10;
	p1 =	por !p1, !p1;
	s31 =	simm.s32 $0x1  }
0xce: {  	s10 =	sshra.s32 s10, $0x4;
	s31 =	simm.s32 @!p1 $0x0  }
0xcf: {  	s31 =	ssub.s32 s10, s31  }
0xd0: {  	p1 =	slt.s32 s31, $0x1  }
.Ltmp15:
0xd1: {  	_ = 	snop;
	(pc) =	sbr.rel @p1 .LBB2_14-.Ltmp15, $1  }
0xd2: {  	_ =	sdelay $0x3  }
0xd3: {  	s10 =	sshll.u32 s30, $0x9;
	s11 =	sadd.s32 $0x4000, s0  }
0xd4: {  	v10 =	vmov s4;
	s0 =	simm.s32 $0x0;
	v9 =	vmov s10;
	v11 =	vmov s11  }
.LBB2_17:
0xd5: {  	_ =	sdelay $0x2  }
0xd6: {  	s4 =	sshll.u32 s0, $0x4  }
0xd7: {  	v13 =	vld.idx.msk [tilespmem:v11+s4+$0x0 ss:$0x1], $0xffff;
	_ =	sdelay $0x4  }
0xd8: {  	v12 =	vshrl.u32 v13, $0xA  }
0xd9: {  	v12 =	vsub.s32 v12, v9  }
0xda: {  	vm0 =	vgt.s32 v12, $0x0  }
0xdb: {  	v12 =	vnsel vm0, $0x0, v12  }
0xdc: {  	v12 =	vmin.u32 v12, $0x1FF  }
0xdd: {  	v14 =	vmul.u32 $0x50, v12  }
0xde: {  	v13 =	vand.u32 $0x3FF, v13  }
0xdf: {  	v14 =	vadd.s32 $0x4F, v14;
	_ =	sdelay $0x3  }
0xe0: {  	v15 =	vld.idx.msk [tilespmem:v13+s21+$0x0], $0xffff  }
0xe1: {  	v14 =	vld.idx.msk [tilespmem:v14+s23+$0x0], $0xffff;
	_ =	sdelay $0x4  }
0xe2: {  	v14 =	vadd.f32 v15, v14;
	_ =	sdelay $0x1  }
0xe3: {  	v15 =	vmul.f32 $2.000000030e-01, v14  }
0xe4: {  	vm14 =	vge.f32 v14, $0.0e+00  }
0xe5: {  	v14 =	vsel vm14, v14, v15  }
0xe6: {  	v14 =	vmul.f32 $1.442695020e+00, v14;
	_ =	sdelay $0x1  }
0xe7: {  	(erf) = vpow2.f32 v14;
	_ =	sdelay $0x7  }
0xe8: {  	v14 =	vor.u32 s4, v2  }
0xe9: {  	vm15 =	vlt.s32 v14, v10;
	v15 =	vpop (erf)  }
0xea: {  	p1 =	por $0x1, $0x1;
	s4 =	simm.s32 $0x0;
	v14 =	vnsel vm15, $0x0, v15  }
.LBB2_18:
0xeb: {  	v15 =	vmov s4  }
0xec: {  	v16 =	vperm.xlane v12, v15;
	_ =	sdelay $0x1  }
0xed: {  	v24 =	vmul.u32 $0x50, v16;
	_ =	sdelay $0x1  }
0xee: {  	v16 =	vor.u32 v2, v24;
	_ =	sdelay $0x2  }
0xef: {  	v17 =	vperm.xlane v13, v15;
	_ =	sdelay $0x1  }
0xf0: {  	v25 =	vmul.u32 $0x50, v17;
	v16 =	vld.idx.msk [tilespmem:v16+s23+$0x0], $0xffff;
	_ =	sdelay $0x1  }
0xf1: {  	v17 =	vor.u32 v2, v25  }
0xf2: {  	v26 =	vperm.xlane v14, v15;
	v15 =	vadd.s32 v5, v24;
	_ =	sdelay $0x1  }
0xf3: {  	v16 =	vmul.f32 v16, v26;
	_ =	sdelay $0x1  }
0xf4: {  	[tilespmem:v17+s22+$0x0] =	vst.idx.add.f32.msk $0xffff, v16  }
0xf5: {  	v15 =	vld.idx.msk [tilespmem:v15+s23+$0x0], $0xffff  }
0xf6: {  	s10 =	sor.u32 $0x1, s4  }
0xf7: {  	s11 =	sor.u32 $0x2, s4;
	v19 =	vmov s10;
	v42 =	vadd.s32 v5, v25  }
0xf8: {  	v22 =	vmov s11;
	v18 =	vperm.xlane v12, v19;
	v43 =	vadd.s32 v6, v24  }
0xf9: {  	v44 =	vperm.xlane v12, v22  }
0xfa: {  	v16 =	vmul.u32 $0x50, v18;
	v15 =	vmul.f32 v15, v26  }
0xfb: {  	s11 =	sor.u32 $0x3, s4;
	v18 =	vmul.u32 $0x50, v44  }
0xfc: {  	v27 =	vmov s11;
	v20 =	vor.u32 v2, v16;
	[tilespmem:v42+s22+$0x0] =	vst.idx.add.f32.msk $0xffff, v15  }
0xfd: {  	v45 =	vperm.xlane v12, v27;
	v30 =	vor.u32 v2, v18;
	v15 =	vld.idx.msk [tilespmem:v43+s23+$0x0], $0xffff;
	_ =	sdelay $0x1  }
0xfe: {  	v29 =	vperm.xlane v13, v19;
	v23 =	vadd.s32 v6, v25;
	v21 =	vmul.u32 $0x50, v45  }
0xff: {  	v47 =	vperm.xlane v13, v22  }
0x100: {  	v46 =	vor.u32 v2, v21;
	v17 =	vmul.u32 $0x50, v29;
	v31 =	vld.idx.msk [tilespmem:v20+s23+$0x0], $0xffff  }
0x101: {  	v28 =	vadd.s32 v7, v24;
	v30 =	vld.idx.msk [tilespmem:v30+s23+$0x0], $0xffff;
	v20 =	vmul.u32 $0x50, v47;
	v15 =	vmul.f32 v15, v26  }
0x102: {  	v48 =	vperm.xlane v13, v27;
	v32 =	vor.u32 v2, v17  }
0x103: {  	v35 =	vor.u32 v2, v20;
	[tilespmem:v23+s22+$0x0] =	vst.idx.add.f32.msk $0xffff, v15;
	v15 =	vperm.xlane v14, v19  }
0x104: {  	v33 =	vadd.s32 v5, v16;
	v19 =	vperm.xlane v14, v22  }
0x105: {  	v29 =	vld.idx.msk [tilespmem:v46+s23+$0x0], $0xffff;
	v36 =	vadd.s32 v5, v18;
	v23 =	vmul.u32 $0x50, v48;
	v31 =	vmul.f32 v31, v15  }
0x106: {  	v28 =	vld.idx.msk [tilespmem:v28+s23+$0x0], $0xffff;
	v30 =	vmul.f32 v30, v19  }
0x107: {  	v49 =	vor.u32 v2, v23;
	[tilespmem:v32+s22+$0x0] =	vst.idx.add.f32.msk $0xffff, v31  }
0x108: {  	v34 =	vadd.s32 v7, v25;
	v22 =	vperm.xlane v14, v27;
	[tilespmem:v35+s22+$0x0] =	vst.idx.add.f32.msk $0xffff, v30  }
0x109: {  	v50 =	vadd.s32 v5, v21;
	v32 =	vld.idx.msk [tilespmem:v33+s23+$0x0], $0xffff  }
0x10a: {  	v24 =	vadd.s32 v8, v24;
	v29 =	vmul.f32 v29, v22;
	v53 =	vld.idx.msk [tilespmem:v36+s23+$0x0], $0xffff  }
0x10b: {  	v51 =	vadd.s32 v5, v17;
	v28 =	vmul.f32 v28, v26  }
0x10c: {  	v55 =	vadd.s32 v5, v20;
	[tilespmem:v49+s22+$0x0] =	vst.idx.add.f32.msk $0xffff, v29  }
0x10d: {  	s11 =	sor.u32 $0x4, s4;
	v52 =	vadd.s32 v6, v16;
	[tilespmem:v34+s22+$0x0] =	vst.idx.add.f32.msk $0xffff, v28  }
0x10e: {  	v58 =	vmov s11;
	v57 =	vadd.s32 v6, v18;
	v27 =	vld.idx.msk [tilespmem:v50+s23+$0x0], $0xffff;
	v54 =	vmul.f32 v32, v15  }
0x10f: {  	v60 =	vperm.xlane v12, v58;
	v56 =	vld.idx.msk [tilespmem:v24+s23+$0x0], $0xffff;
	v61 =	vmul.f32 v53, v19  }
0x110: {  	s11 =	sor.u32 $0x5, s4;
	v59 =	vadd.s32 v5, v23;
	[tilespmem:v51+s22+$0x0] =	vst.idx.add.f32.msk $0xffff, v54  }
0x111: {  	v63 =	vmov s11;
	v62 =	vadd.s32 v6, v21;
	v24 =	vmul.u32 $0x50, v60;
	[tilespmem:v55+s22+$0x0] =	vst.idx.add.f32.msk $0xffff, v61  }
0x112: {  	s11 =	sor.u32 $0x6, s4;
	v25 =	vadd.s32 v8, v25;
	v47 =	vperm.xlane v12, v63;
	v29 =	vld.idx.msk [tilespmem:v52+s23+$0x0], $0xffff  }
0x113: {  	v50 =	vmov s11;
	s11 =	sor.u32 $0x7, s4;
	v48 =	vor.u32 v2, v24;
	v27 =	vmul.f32 v27, v22;
	v31 =	vld.idx.msk [tilespmem:v57+s23+$0x0], $0xffff  }
0x114: {  	v49 =	vadd.s32 v6, v17;
	v37 =	vperm.xlane v12, v50;
	v40 =	vmov s11  }
0x115: {  	v51 =	vadd.s32 v6, v20;
	v26 =	vmul.f32 v56, v26;
	[tilespmem:v59+s22+$0x0] =	vst.idx.add.f32.msk $0xffff, v27;
	v27 =	vmul.u32 $0x50, v47  }
0x116: {  	v38 =	vperm.xlane v13, v58;
	v53 =	vperm.xlane v12, v40;
	v52 =	vadd.s32 v7, v16;
	v33 =	vld.idx.msk [tilespmem:v62+s23+$0x0], $0xffff  }
0x117: {  	[tilespmem:v25+s22+$0x0] =	vst.idx.add.f32.msk $0xffff, v26;
	v26 =	vmul.u32 $0x50, v37;
	v39 =	vor.u32 v2, v27;
	v29 =	vmul.f32 v29, v15  }
0x118: {  	v41 =	vadd.s32 v6, v23;
	v32 =	vld.idx.msk [tilespmem:v48+s23+$0x0], $0xffff;
	v37 =	vmul.u32 $0x50, v53;
	v31 =	vmul.f32 v31, v19  }
0x119: {  	v55 =	vor.u32 v2, v26;
	[tilespmem:v49+s22+$0x0] =	vst.idx.add.f32.msk $0xffff, v29  }
0x11a: {  	v38 =	vmul.u32 $0x50, v38;
	v54 =	vperm.xlane v13, v63;
	v59 =	vor.u32 v2, v37;
	[tilespmem:v51+s22+$0x0] =	vst.idx.add.f32.msk $0xffff, v31  }
0x11b: {  	v42 =	vadd.s32 v7, v18;
	v44 =	vperm.xlane v13, v50;
	v56 =	vmul.f32 v33, v22;
	v25 =	vld.idx.msk [tilespmem:v52+s23+$0x0], $0xffff  }
0x11c: {  	v57 =	vor.u32 v2, v38;
	v29 =	vmul.u32 $0x50, v54;
	v33 =	vperm.xlane v14, v58;
	v58 =	vld.idx.msk [tilespmem:v39+s23+$0x0], $0xffff  }
0x11d: {  	v43 =	vadd.s32 v5, v24;
	v62 =	vperm.xlane v13, v40;
	[tilespmem:v41+s22+$0x0] =	vst.idx.add.f32.msk $0xffff, v56  }
0x11e: {  	v36 =	vperm.xlane v14, v63;
	v61 =	vor.u32 v2, v29;
	v34 =	vld.idx.msk [tilespmem:v55+s23+$0x0], $0xffff;
	v41 =	vmul.u32 $0x50, v44  }
0x11f: {  	v63 =	vadd.s32 v5, v27;
	v60 =	vmul.f32 v32, v33;
	v39 =	vld.idx.msk [tilespmem:v59+s23+$0x0], $0xffff;
	v44 =	vmul.u32 $0x50, v62  }
0x120: {  	v28 =	vperm.xlane v14, v50;
	v32 =	vld.idx.msk [tilespmem:v42+s23+$0x0], $0xffff;
	v49 =	vor.u32 v2, v41  }
0x121: {  	[tilespmem:v57+s22+$0x0] =	vst.idx.add.f32.msk $0xffff, v60;
	v50 =	vor.u32 v2, v44;
	v48 =	vmul.f32 v58, v36  }
0x122: {  	v40 =	vperm.xlane v14, v40;
	v45 =	vadd.s32 v5, v26;
	v43 =	vld.idx.msk [tilespmem:v43+s23+$0x0], $0xffff  }
0x123: {  	v51 =	vadd.s32 v5, v37;
	v34 =	vmul.f32 v34, v28;
	[tilespmem:v61+s22+$0x0] =	vst.idx.add.f32.msk $0xffff, v48  }
0x124: {  	v46 =	vadd.s32 v5, v38;
	v52 =	vmul.f32 v39, v40;
	v30 =	vld.idx.msk [tilespmem:v63+s23+$0x0], $0xffff  }
0x125: {  	v47 =	vadd.s32 v6, v24;
	[tilespmem:v49+s22+$0x0] =	vst.idx.add.f32.msk $0xffff, v34  }
0x126: {  	v61 =	vadd.s32 v7, v21;
	[tilespmem:v50+s22+$0x0] =	vst.idx.add.f32.msk $0xffff, v52  }
0x127: {  	v53 =	vadd.s32 v5, v29;
	v54 =	vld.idx.msk [tilespmem:v45+s23+$0x0], $0xffff;
	v43 =	vmul.f32 v43, v33  }
0x128: {  	v55 =	vadd.s32 v6, v27;
	v34 =	vld.idx.msk [tilespmem:v51+s23+$0x0], $0xffff  }
0x129: {  	v56 =	vadd.s32 v5, v41;
	[tilespmem:v46+s22+$0x0] =	vst.idx.add.f32.msk $0xffff, v43  }
0x12a: {  	v58 =	vadd.s32 v5, v44;
	v43 =	vld.idx.msk [tilespmem:v47+s23+$0x0], $0xffff;
	v30 =	vmul.f32 v30, v36  }
0x12b: {  	v60 =	vadd.s32 v6, v37;
	v39 =	vld.idx.msk [tilespmem:v61+s23+$0x0], $0xffff  }
0x12c: {  	v57 =	vadd.s32 v6, v26;
	v59 =	vmul.f32 v54, v28;
	[tilespmem:v53+s22+$0x0] =	vst.idx.add.f32.msk $0xffff, v30  }
0x12d: {  	v62 =	vadd.s32 v6, v38;
	v63 =	vmul.f32 v34, v40;
	v45 =	vld.idx.msk [tilespmem:v55+s23+$0x0], $0xffff  }
0x12e: {  	v48 =	vadd.s32 v7, v24;
	[tilespmem:v56+s22+$0x0] =	vst.idx.add.f32.msk $0xffff, v59  }
0x12f: {  	[tilespmem:v58+s22+$0x0] =	vst.idx.add.f32.msk $0xffff, v63;
	v58 =	vadd.s32 v7, v17  }
0x130: {  	v51 =	vmul.f32 v43, v33;
	v35 =	vld.idx.msk [tilespmem:v60+s23+$0x0], $0xffff;
	v60 =	vadd.s32 v7, v20  }
0x131: {  	v16 =	vadd.s32 v8, v16;
	v49 =	vld.idx.msk [tilespmem:v57+s23+$0x0], $0xffff  }
0x132: {  	v25 =	vmul.f32 v25, v15;
	v50 =	vadd.s32 v6, v29;
	[tilespmem:v62+s22+$0x0] =	vst.idx.add.f32.msk $0xffff, v51  }
0x133: {  	v18 =	vadd.s32 v8, v18;
	v32 =	vmul.f32 v32, v19;
	v31 =	vld.idx.msk [tilespmem:v48+s23+$0x0], $0xffff  }
0x134: {  	v52 =	vadd.s32 v6, v41;
	[tilespmem:v58+s22+$0x0] =	vst.idx.add.f32.msk $0xffff, v25  }
0x135: {  	v53 =	vadd.s32 v7, v27;
	v54 =	vmul.f32 v45, v36;
	[tilespmem:v60+s22+$0x0] =	vst.idx.add.f32.msk $0xffff, v32  }
0x136: {  	v55 =	vadd.s32 v6, v44;
	v16 =	vld.idx.msk [tilespmem:v16+s23+$0x0], $0xffff  }
0x137: {  	v56 =	vadd.s32 v7, v26;
	v34 =	vmul.f32 v49, v28;
	[tilespmem:v50+s22+$0x0] =	vst.idx.add.f32.msk $0xffff, v54  }
0x138: {  	v57 =	vadd.s32 v7, v37;
	v18 =	vld.idx.msk [tilespmem:v18+s23+$0x0], $0xffff  }
0x139: {  	v62 =	vadd.s32 v7, v23;
	v59 =	vmul.f32 v35, v40;
	[tilespmem:v52+s22+$0x0] =	vst.idx.add.f32.msk $0xffff, v34  }
0x13a: {  	v21 =	vadd.s32 v8, v21;
	v61 =	vld.idx.msk [tilespmem:v53+s23+$0x0], $0xffff  }
0x13b: {  	v63 =	vadd.s32 v7, v38;
	[tilespmem:v55+s22+$0x0] =	vst.idx.add.f32.msk $0xffff, v59  }
0x13c: {  	v24 =	vadd.s32 v8, v24;
	v50 =	vmul.f32 v39, v22;
	v48 =	vld.idx.msk [tilespmem:v56+s23+$0x0], $0xffff  }
0x13d: {  	v49 =	vadd.s32 v7, v29;
	v30 =	vld.idx.msk [tilespmem:v57+s23+$0x0], $0xffff  }
0x13e: {  	v51 =	vadd.s32 v7, v41;
	v31 =	vmul.f32 v31, v33;
	[tilespmem:v62+s22+$0x0] =	vst.idx.add.f32.msk $0xffff, v50  }
0x13f: {  	v52 =	vadd.s32 v7, v44;
	v21 =	vld.idx.msk [tilespmem:v21+s23+$0x0], $0xffff  }
0x140: {  	v56 =	vadd.s32 v8, v27;
	[tilespmem:v63+s22+$0x0] =	vst.idx.add.f32.msk $0xffff, v31;
	v53 =	vmul.f32 v61, v36  }
0x141: {  	v26 =	vadd.s32 v8, v26;
	v24 =	vld.idx.msk [tilespmem:v24+s23+$0x0], $0xffff;
	v54 =	vmul.f32 v48, v28  }
0x142: {  	v57 =	vadd.s32 v8, v37;
	v55 =	vmul.f32 v30, v40;
	[tilespmem:v49+s22+$0x0] =	vst.idx.add.f32.msk $0xffff, v53  }
0x143: {  	v17 =	vadd.s32 v8, v17;
	[tilespmem:v51+s22+$0x0] =	vst.idx.add.f32.msk $0xffff, v54  }
0x144: {  	v20 =	vadd.s32 v8, v20;
	[tilespmem:v52+s22+$0x0] =	vst.idx.add.f32.msk $0xffff, v55  }
0x145: {  	v23 =	vadd.s32 v8, v23;
	v25 =	vld.idx.msk [tilespmem:v56+s23+$0x0], $0xffff  }
0x146: {  	v58 =	vadd.s32 v8, v38;
	v15 =	vmul.f32 v16, v15;
	v26 =	vld.idx.msk [tilespmem:v26+s23+$0x0], $0xffff  }
0x147: {  	v59 =	vadd.s32 v8, v29;
	v18 =	vmul.f32 v18, v19;
	v27 =	vld.idx.msk [tilespmem:v57+s23+$0x0], $0xffff  }
0x148: {  	v60 =	vadd.s32 v8, v41;
	[tilespmem:v17+s22+$0x0] =	vst.idx.add.f32.msk $0xffff, v15;
	v15 =	vmul.f32 v21, v22  }
0x149: {  	p2 =	por p1, p1;
	v62 =	vadd.s32 v8, v44;
	[tilespmem:v20+s22+$0x0] =	vst.idx.add.f32.msk $0xffff, v18;
	v61 =	vmul.f32 v24, v33  }
.Ltmp16:
0x14a: {  	[tilespmem:v23+s22+$0x0] =	vst.idx.add.f32.msk $0xffff, v15;
	v15 =	vmul.f32 v25, v36;
	(pc) =	sbr.rel @p2 .LBB2_18-.Ltmp16, $4  }
0x14b: {  	[tilespmem:v58+s22+$0x0] =	vst.idx.add.f32.msk $0xffff, v61;
	v63 =	vmul.f32 v26, v28  }
0x14c: {  	[tilespmem:v59+s22+$0x0] =	vst.idx.add.f32.msk $0xffff, v15;
	v15 =	vmul.f32 v27, v40  }
0x14d: {  	[tilespmem:v60+s22+$0x0] =	vst.idx.add.f32.msk $0xffff, v63  }
0x14e: {  	p1 =	por $0x0, $0x0;
	s4 =	simm.s32 $0x8;
	[tilespmem:v62+s22+$0x0] =	vst.idx.add.f32.msk $0xffff, v15  }
0x14f: {  	s0 =	sadd.s32 $0x1, s0  }
0x150: {  	p1 =	seq.s32 s0, s31  }
.Ltmp17:
0x151: {  	_ = 	snop;
	(pc) =	sbr.rel @!p1 .LBB2_17-.Ltmp17, $4  }
.Ltmp18:
0x152: {  	_ = 	snop;
	(pc) =	sbr.rel @p1 .LBB2_14-.Ltmp18, $4  }
0x153: {  	_ = 	snop  }
0x154: {  	_ = 	snop  }
0x155: {  	_ = 	snop  }
0x156: {  	_ = 	snop  }
.LBB2_22:
0x157: {  	_ =	sfence.sel $0x180000  }
0x158: {  	[bflag:$0x0] =	sbarrier.arrive $0xFFFF  }
0x159: {  	_ =	strace $0x90000047  }
0x15a: {  	s0 =	stileid.u32;
	[bflag:$0x2] =	sbarrier.arrive $0xFFFF  }
0x15b: {  	p0 =	sne.s32 s0, $0x0;
	s0 =	rddreg [dreg:$0x2]  }
0x15c: {  	s0 =	sadd.s32 @!p0 $0x100000, s0  }
0x15d: {  	[sflag:s0] =	ssyncadd.tile.s32 @!p0 $0x1;
	_ =	shalt  }
.Lfunc_end2:
_tile_overlayer_lowered:
.L_overlay_start_2:
0x15e: {  	(tag) =	ssettag $0x2  }
0x15f: {  	s0 =	rddreg [dreg:$0x0];
	s2 =	stileid.u32  }
0x160: {  	s1 =	rddreg [dreg:$0x1];
	p0 =	sne.s32 s2, $0x0  }
0x161: {  	s3 =	rddreg [dreg:$0x2];
	[bflag:$0x3] =	sbarrier.arrive $0xFFFF;
	s2 =	simm.s32 @!p0 $0x1C02  }
0x162: {  	[timem:s3], [sflag:s2] =	dma.local @!p0 [hbm:s0], s1  }
0x163: {  	s0 =	simm.s32 @!p0 $0x2  }
0x164: {  	_ =	swait.ge @!p0 [sflag:s0], s1  }
0x165: {  	s1 =	ssub.s32 @!p0 $0x0, s1;
	[sflag:s0] =	ssyncset.done @!p0 $0x0  }
0x166: {  	[sflag:s0] =	ssyncadd.s32 @!p0 s1  }
0x167: {  	[bflag:$0x3] =	sbarrier.arrive $0xFFFF  }
0x168: {  	_ =	shalt  }

// kernel: kernel.8.cloned.1.call-start
scs
__scs_entry_jumppad:
0x0: {  	(pc) =	sbr.rel $0x88, $3  }
0x1: {  	(tag) =	ssettag $0x0;
	lr =	simm.s32 $0x1  }
0x2: {  	[smem:$0x3F88] =	sst lr;
	_ =	strace $0xD0000000  }
0x3: {  	_ = 	snop  }
0x4: {  	_ = 	snop  }
0x5: {  	_ = 	snop  }
0x6: {  	_ = 	snop  }
0x7: {  	_ = 	snop  }
__scs_overlays_trampoline_lowered:
0x8: {  	[smem:$0x3F97] =	sst s0  }
0x9: {  	[smem:$0x3F98] =	sst s1  }
0xa: {  	[smem:$0x3F99] =	sst s2  }
0xb: {  	[smem:$0x3F9A] =	sst s3  }
0xc: {  	[smem:$0x3F9B] =	sst s4  }
0xd: {  	[smem:$0x3F9C] =	sst s5  }
0xe: {  	[smem:$0x3F9D] =	sst s6  }
0xf: {  	[smem:$0x3F9E] =	sst s7  }
0x10: {  	[smem:$0x3F9F] =	sst s8  }
0x11: {  	[smem:$0x3FA0] =	sst s9;
	s0 =	simm.s32 @!p0 $0x0  }
0x12: {  	s1 =	sld [smem:$0x3F86];
	s0 =	simm.s32 @p0 $0x1  }
0x13: {  	[smem:$0x3FA1] =	sst s0;
	s0 =	simm.s32 @!p1 $0x0  }
0x14: {  	s2 =	sld [smem:$0x3F85];
	s0 =	simm.s32 @p1 $0x1  }
0x15: {  	[smem:$0x3FA2] =	sst s0;
	s0 =	simm.s32 @!p2 $0x0  }
0x16: {  	s3 =	sld [smem:$0x3FDB];
	s0 =	simm.s32 @p2 $0x1  }
0x17: {  	s4 =	simm.s32 $0x1BF5;
	[smem:$0x3FA4] =	sst s0  }
0x18: {  	s0 =	sld [smem:$0x3F87];
	_ =	swait.ge [sflag:s4], $0x0  }
0x19: {  	s7 =	sld [smem:$0x3F88]  }
0x1a: {  	s8 =	sadd.s32 $0xFFFFE003, lr  }
0x1b: {  	s9 =	sadd.s32 $0xFFFFFEF7, lr;
	s5 =	simm.s32 $0xFFFFFFFF;
	p2 =	slt.u32 s8, $0xFFFFF086  }
0x1c: {  	p1 =	slt.u32 s9, $0xF7A;
	s5 =	simm.s32 @!p2 $0x0  }
0x1d: {  	s5 =	simm.s32 @p1 $0x1;
	p0 =	seq.s32 s7, s2  }
0x1e: {  	s7 =	smul.u32 @!p0 $0xF7A, s2;
	p2 =	seq.s32 @!p0 s5, $0x0  }
0x1f: {  	s9 =	smul.u32 $0xF7A, s1;
	s8 =	simm.s32 @!p0 $0x1BF5;
	p2 =	por !p2, p0  }
0x20: {  	[sflag:s8] =	ssyncset.s32 @!p0 $0xFFFFF086;
	s6 =	sadd.s32 @!p0 s3, s7;
	s7 =	simm.s32 @!p0 $0x108  }
0x21: {  	s3 =	sadd.s32 s3, s9;
	s6 =	sadd.s32 @!p0 $0x88, s6;
	s7 =	simm.s32 @p2 $0x1082  }
0x22: {  	[simem:s7], [sflag:s8] =	dma.local @!p0 [hbm:s6], $0xF7A  }
0x23: {  	s9 =	sor.u32 $0xD0000000, s2;
	s6 =	simm.s32 $0x108;
	_ =	swait.ge @!p0 [sflag:s8], $0x0  }
0x24: {  	s3 =	sadd.s32 $0x88, s3;
	s6 =	simm.s32 @!p1 $0x1082;
	[sflag:s4] =	ssyncset.s32 $0xFFFFF086  }
0x25: {  	[simem:s6], [sflag:s4] =	dma.local [hbm:s3], $0xF7A  }
0x26: {  	[smem:$0x3F88] =	sst s1;
	(tag) =	ssettag s2;
	_ =	strace s9  }
0x27: {  	s1 =	sld [smem:$0x3F98]  }
0x28: {  	s2 =	sld [smem:$0x3F99]  }
0x29: {  	s4 =	sld [smem:$0x3F9B]  }
0x2a: {  	p0 =	seq.s32 s5, $0x0;
	s5 =	sld [smem:$0x3F9C]  }
0x2b: {  	s6 =	sld [smem:$0x3F9D]  }
0x2c: {  	s7 =	sld [smem:$0x3F9E]  }
0x2d: {  	s3 =	simm.s32 $0x108;
	s8 =	sld [smem:$0x3F9F]  }
0x2e: {  	s3 =	simm.s32 @!p0 $0x1082;
	s9 =	sld [smem:$0x3FA0]  }
0x2f: {  	lr =	sadd.s32 s0, s3;
	s0 =	sld [smem:$0x3F97]  }
0x30: {  	s3 =	sld [smem:$0x3F9A]  }
0x31: {  	[smem:$0x3FA3] =	sst s10  }
0x32: {  	s10 =	sld [smem:$0x3FA1];
	_ =	sdelay $0x3  }
0x33: {  	p0 =	seq.s32 s10, $0x1;
	s10 =	sld [smem:$0x3FA3];
	_ =	sdelay $0x3  }
0x34: {  	[smem:$0x3FA3] =	sst s10  }
0x35: {  	s10 =	sld [smem:$0x3FA2];
	_ =	sdelay $0x3  }
0x36: {  	p1 =	seq.s32 s10, $0x1;
	s10 =	sld [smem:$0x3FA3];
	_ =	sdelay $0x3  }
0x37: {  	[smem:$0x3FA3] =	sst s10  }
0x38: {  	s10 =	sld [smem:$0x3FA4]  }
0x39: {  	_ = 	snop;
	(pc) =	sbr.ind lr, $3  }
0x3a: {  	_ = 	snop  }
0x3b: {  	_ = 	snop  }
0x3c: {  	p2 =	seq.s32 s10, $0x1;
	s10 =	sld [smem:$0x3FA3]  }
0x3d: {  	_ =	shalt  }
0x3e: {  	_ =	shalt  }
0x3f: {  	_ =	shalt  }
0x40: {  	_ =	shalt  }
0x41: {  	_ =	shalt  }
0x42: {  	_ =	shalt  }
0x43: {  	_ =	shalt  }
0x44: {  	_ =	shalt  }
0x45: {  	_ =	shalt  }
0x46: {  	_ =	shalt  }
0x47: {  	_ =	shalt  }
0x48: {  	_ =	shalt  }
0x49: {  	_ =	shalt  }
0x4a: {  	_ =	shalt  }
0x4b: {  	_ =	shalt  }
0x4c: {  	_ =	shalt  }
0x4d: {  	_ =	shalt  }
0x4e: {  	_ =	shalt  }
0x4f: {  	_ =	shalt  }
0x50: {  	_ =	shalt  }
0x51: {  	_ =	shalt  }
0x52: {  	_ =	shalt  }
0x53: {  	_ =	shalt  }
0x54: {  	_ =	shalt  }
0x55: {  	_ =	shalt  }
0x56: {  	_ =	shalt  }
0x57: {  	_ =	shalt  }
0x58: {  	_ =	shalt  }
0x59: {  	_ =	shalt  }
0x5a: {  	_ =	shalt  }
0x5b: {  	_ =	shalt  }
0x5c: {  	_ =	shalt  }
0x5d: {  	_ =	shalt  }
0x5e: {  	_ =	shalt  }
0x5f: {  	_ =	shalt  }
0x60: {  	_ =	shalt  }
0x61: {  	_ =	shalt  }
0x62: {  	_ =	shalt  }
0x63: {  	_ =	shalt  }
0x64: {  	_ =	shalt  }
0x65: {  	_ =	shalt  }
0x66: {  	_ =	shalt  }
0x67: {  	_ =	shalt  }
0x68: {  	_ =	shalt  }
0x69: {  	_ =	shalt  }
0x6a: {  	_ =	shalt  }
0x6b: {  	_ =	shalt  }
0x6c: {  	_ =	shalt  }
0x6d: {  	_ =	shalt  }
0x6e: {  	_ =	shalt  }
0x6f: {  	_ =	shalt  }
0x70: {  	_ =	shalt  }
0x71: {  	_ =	shalt  }
0x72: {  	_ =	shalt  }
0x73: {  	_ =	shalt  }
0x74: {  	_ =	shalt  }
0x75: {  	_ =	shalt  }
0x76: {  	_ =	shalt  }
0x77: {  	_ =	shalt  }
0x78: {  	_ =	shalt  }
0x79: {  	_ =	shalt  }
0x7a: {  	_ =	shalt  }
0x7b: {  	_ =	shalt  }
0x7c: {  	_ =	shalt  }
0x7d: {  	_ =	shalt  }
0x7e: {  	_ =	shalt  }
0x7f: {  	_ =	shalt  }
0x80: {  	_ =	shalt  }
0x81: {  	_ =	shalt  }
0x82: {  	_ =	shalt  }
0x83: {  	_ =	shalt  }
0x84: {  	_ =	shalt  }
0x85: {  	_ =	shalt  }
0x86: {  	_ =	shalt  }
0x87: {  	_ =	shalt  }
.Lfunc_end0:
.L_simem_size_0:
called_computation.3_lowered:
.L_overlay_start_0:
0x88: {  	s2 =	sld [smem:$0x3FD9]  }
0x89: {  	s3 =	sld [smem:$0x3FFE];
	_ =	sdelay $0x1  }
0x8a: {  	s1 =	srdreg.scid  }
0x8b: {  	s0 =	sand.u32 $0x1, s1  }
0x8c: {  	s16 =	sshll.u32 s0, $0xA;
	s2 =	sadd.s32 s3, s2  }
0x8d: {  	s2 =	sadd.s32 s2, s16  }
0x8e: {  	[smem:$0x3FAF] =	sst s2  }
0x8f: {  	_ = 	snop  }
0x90: {  	(tm) =	ssettm $0x1  }
0x91: {  	s17 =	sld [smem:$0x3FFB];
	_ =	sdelay $0x3  }
0x92: {  	_ =	strace s17  }
0x93: {  	s2 =	sld [smem:$0x3FFC];
	_ =	sdelay $0x3  }
0x94: {  	_ =	strace s2  }
0x95: {  	s2 =	sld [smem:$0x3FFD];
	_ =	sdelay $0x3  }
0x96: {  	_ =	strace s2  }
0x97: {  	_ =	strace $0x8FFFFFFF  }
0x98: {  	s18 =	sld [smem:$0x3FDB];
	_ =	sdelay $0x1  }
0x99: {  	s19 =	simm.s32 $_scs_section_size  }
0x9a: {  	s4 =	simm.s32 $_size__tile_overlayer_lowered;
	s5 =	simm.s32 $_tile_overlayer_lowered  }
0x9b: {  	s22 =	simm.s32 $0x1BFF;
	s21 =	sshll.u32 s5, $0x1;
	s2 =	sadd.s32 s19, s18  }
0x9c: {  	s6 =	simm.s32 $0x0;
	s20 =	sshll.u32 s4, $0x1;
	s4 =	sadd.s32 s21, s2  }
0x9d: {  	[timem:s6], [sflag:s22] =	dma.local [hbm:s4], s20  }
0x9e: {  	_ =	swait.ge [sflag:s22], s20  }
0x9f: {  	s3 =	ssub.s32 $0x0, s20;
	[sflag:s22] =	ssyncset.done $0x0  }
0xa0: {  	[sflag:s22] =	ssyncadd.s32 s3;
	_ =	sdelay $0x1  }
0xa1: {  	s23 =	simm.s32 $0x1B8B  }
0xa2: {  	_ =	swait.ge [sflag:s23], $0x1  }
0xa3: {  	[sflag:s23] =	ssyncset.done $0x0  }
0xa4: {  	s25 =	simm.s32 $0x1B8E;
	s24 =	sld [smem:$0x3FFE];
	[sflag:s23] =	ssyncadd.s32 $0xFFFFFFFF  }
0xa5: {  	s26 =	simm.s32 $execute0_lowered;
	[smem:$0x3FD2] =	sst s25  }
0xa6: {  	s4 =	sshll.u32 s26, $0x1;
	_ =	strace $0x80000049;
	[dreg:$0x1] =	wrdreg $0xFFFFFFFF  }
0xa7: {  	s28 =	simm.s32 $_size_execute0_lowered;
	s2 =	sadd.s32 s2, s4;
	[dreg:$0x0] =	wrdreg $0x0  }
0xa8: {  	s4 =	sshll.u32 s28, $0x1;
	[dreg:$0x2] =	wrdreg s2  }
0xa9: {  	[dreg:$0x3] =	wrdreg s4  }
0xaa: {  	[dreg:$0x4] =	wrdreg $0xC0  }
0xab: {  	_ =	task [dreg:s6], $0x5FFFF  }
0xac: {  	[dreg:$0x1] =	wrdreg $0xFFFFFFFF  }
0xad: {  	[dreg:$0x0] =	wrdreg $0x60  }
0xae: {  	[dreg:$0x2] =	wrdreg s24  }
0xaf: {  	[dreg:$0x3] =	wrdreg $0xA  }
0xb0: {  	_ =	task.clear_ibuf [dreg:s6], $0x4FFFF;
	_ =	strace $0x90000049  }
0xb1: {  	s29 =	simm.s32 $0xA;
	_ =	strace $0x8000004B  }
0xb2: {  	_ =	swait.ge [sflag:s29], $0x1  }
0xb3: {  	[sflag:s29] =	ssyncadd.s32 $0xFFFFFFFF  }
0xb4: {  	_ =	strace $0x9000004B  }
0xb5: {  	_ =	sfence  }
0xb6: {  	s30 =	sld [smem:$0x0];
	_ =	sdelay $0x2  }
0xb7: {  	s31 =	sshll.u32 s1, $0xD;
	s1 =	sshrl.u32 s1, $0x2  }
0xb8: {  	s3 =	sand.u32 $0x4000, s31;
	s1 =	sadd.s32 s1, s30  }
0xb9: {  	s0 =	sor.u32 s3, s0;
	s1 =	sshll.u32 s1, $0x11  }
0xba: {  	s0 =	sor.u32 s1, s0  }
0xbb: {  	s0 =	sadd.s32 $0x8F2B, s0  }
0xbc: {  	[sflag:s0] =	ssyncadd.remote.s32 $0x1  }
0xbd: {  	_ =	sfence.sel $0xFFFF  }
0xbe: {  	[dreg:$0x0] =	wrdreg $0xFFFFFFFF;
	(pc) =	sbr.abs _section_cstart, $3  }
0xbf: {  	[dreg:$0x1] =	wrdreg $0xFFFFFFFF  }
0xc0: {  	_ =	task.clear_ibuf [dreg:s6], $0x2FFFF;
	_ =	strace $0x9FFFFFFF  }
0xc1: {  	(tm) =	ssettm $0x7FFFFFFF  }
tec
execute0_lowered:
.L_overlay_start_1:
0x0: {  	(tag) =	ssettag $0x1  }
0x1: {  	s0 =	stileid.u32  }
0x2: {  	s1 =	srdreg.scid;
	s6 =	rddreg [dreg:$0x0];
	s2 =	simm.s32 $0x0  }
0x3: {  	s14 =	simm.s32 $0x12800;
	s15 =	simm.s32 $0x800;
	s16 =	simm.s32 $0x1  }
0x4: {  	s3 =	smul.u32 $0x278, s0;
	s8 =	sand.u32 $0x1, s1;
	s1 =	rddreg [dreg:$0x1]  }
0x5: {  	s17 =	simm.s32 $0x0;
	[smem:$0x7FF] =	sst s2;
	s9 =	smul.u32 $0x138, s8  }
0x6: {  	s7 =	sshll.u32 s0, $0x2;
	s5 =	smul.u32 $0x163800, s8;
	s12 =	ssub.s32 $0x2, s8  }
0x7: {  	s31 =	sshll.u32 s8, $0x3;
	s8 =	smul.u32 $0x3000, s0;
	s4 =	sadd.s32 s9, s3  }
0x8: {  	_ =	strace $0x8000004A;
	s7 =	sadd.s32 s7, s6;
	s11 =	smul.u32 $0x90, s4  }
0x9: {  	s10 =	sshrl.u32 s3, $0x3;
	s13 =	sshrl.u32 s12, $0x1;
	s3 =	sadd.s32 $0x10A800, s6  }
.Ltmp0:
0xa: {  	v1 =	vlaneseq.u32;
	s10 =	sadd.s32 s10, s6;
	s11 =	sadd.s32 s5, s11;
	(pc) =	sbr.rel .LBB2_1-.Ltmp0, $4  }
0xb: {  	v3 =	vor.u32 $0x10, v1;
	s12 =	ssub.s32 s12, s13;
	s13 =	simm.s32 $0x12A78;
	s11 =	sshrl.u32 s11, $0x3  }
0xc: {  	v4 =	vor.u32 $0x20, v1;
	v5 =	vor.u32 $0x30, v1;
	v6 =	vor.u32 $0x40, v1;
	s4 =	sadd.s32 $0x8400, s6;
	s5 =	sadd.s32 $0x1A00, s6;
	s11 =	sadd.s32 s11, s6  }
0xd: {  	v7 =	vor.u32 $0x50, v1;
	v8 =	vor.u32 $0x60, v1;
	v9 =	vor.u32 $0x70, v1;
	s6 =	sadd.s32 $0x8200, s7;
	s7 =	sadd.s32 $0x1400, s10;
	s10 =	smax.u32 s12, $0x1  }
0xe: {  	v10 =	vor.u32 $0x80, v1;
	v2 =	vmov s31;
	v0 =	vmov s9;
	s12 =	simm.s32 $0x2;
	s9 =	sadd.s32 $0x35400, s11;
	s11 =	simm.s32 $0x1DE78  }
.LBB2_8:
0xf: {  	s17 =	sadd.s32 $0x1, s17  }
0x10: {  	p0 =	sne.s32 s17, s10  }
.Ltmp1:
0x11: {  	_ = 	snop;
	(pc) =	sbr.rel @!p0 .LBB2_9-.Ltmp1, $4  }
0x12: {  	[hbm4b:s9+s2] =	stream.linear.scatter [tilespmem:s13], [sflag:$0x2], $0xB400, $0x38;
	[tilespmem:$0x1DE98] =	vst v63  }
0x13: {  	_ =	swait.ge [sflag:s12], $0xB400  }
0x14: {  	[sflag:s12] =	ssyncset.done $0x0  }
0x15: {  	[sflag:s12] =	ssyncadd.s32 $0xFFFF4C00  }
.LBB2_1:
0x16: {  	[tilespmem:s11], [sflag:$0x2] =	stream.linear.gather [hbm4b:s6+s2], $0x20, $0x38;
	[tilespmem:$0x1DE98] =	vst v63  }
0x17: {  	_ =	swait.ge [sflag:s12], $0x20  }
0x18: {  	[sflag:s12] =	ssyncset.done $0x0  }
0x19: {  	[sflag:s12] =	ssyncadd.s32 $0xFFFFFFE0  }
0x1a: {  	[tilespmem:s13], [sflag:$0x2] =	stream.linear.gather [hbm4b:s5+s2], $0xB400, $0x38;
	[tilespmem:$0x1DE98] =	vst v63  }
0x1b: {  	_ =	swait.ge [sflag:s12], $0xB400  }
0x1c: {  	[sflag:s12] =	ssyncset.done $0x0  }
0x1d: {  	[sflag:s12] =	ssyncadd.s32 $0xFFFF4C00  }
0x1e: {  	[tilespmem:s14], [sflag:$0x2] =	stream.linear.gather [hbm4b:s7+s2], $0x278, $0x38;
	[tilespmem:$0x1DE98] =	vst v63  }
.Ltmp2:
0x1f: {  	_ =	swait.ge [sflag:s12], $0x278;
	(pc) =	sbr.rel .LBB2_3-.Ltmp2, $4  }
0x20: {  	[sflag:s12] =	ssyncset.done $0x0  }
0x21: {  	[sflag:s12] =	ssyncadd.s32 $0xFFFFFD88  }
0x22: {  	v11 =	vld [tilespmem:$0x1DE78]  }
0x23: {  	s18 =	simm.s32 $0x0;
	v12 =	vld [tilespmem:$0x1DE88]  }
.LBB2_2:
0x24: {  	p0 =	seq.s32 s18, $0x14  }
.Ltmp3:
0x25: {  	_ = 	snop;
	(pc) =	sbr.rel @p0 .LBB2_8-.Ltmp3, $1  }
0x26: {  	_ =	sdelay $0x3  }
.LBB2_3:
0x27: {  	s25 =	smul.u32 $0x2400, s18  }
0x28: {  	s20 =	smov.u32 s18  }
0x29: {  	v13 =	vmov s20;
	s19 =	sadd.s32 $0xFFFFFFF0, s20;
	s18 =	sadd.s32 s4, s25  }
0x2a: {  	vm0 =	veq.s32 v13, v1;
	v13 =	vmov s19;
	[tilespmem:s15], [sflag:$0x1] =	stream.linear.gather [hbm4b:s18+s2], $0x12000, $0x38;
	[tilespmem:$0x1DE98] =	vst v63  }
0x2b: {  	v14 =	vnsel vm0, $0x0, v11;
	vm13 =	veq.s32 v13, v1;
	_ =	swait.ge [sflag:s16], $0x12000  }
0x2c: {  	v13 =	vnsel vm13, $0x0, v12;
	(xrf0) =	vadd.scan.msk.s32 $0xffff, v14  }
0x2d: {  	(xrf0) =	vadd.scan.msk.s32 $0xffff, v13;
	_ =	sdelay $0x4  }
0x2e: {  	v13, _, _ =	vpop (xrf0)  }
0x2f: {  	s18 =	sadd.s32 $0x1, s20;
	(v2sf) =	vpush v13, $0xF;
	v13, _, _ =	vpop (xrf0)  }
0x30: {  	s26 =	sadd.s32 $0xFFFFFFF1, s20;
	(v2sf) =	vpush v13, $0xF;
	v13 =	vmov s18  }
0x31: {  	vm14 =	veq.s32 v13, v1;
	v13 =	vmov s26  }
0x32: {  	v14 =	vnsel vm14, $0x0, v11;
	vm15 =	veq.s32 v13, v1  }
0x33: {  	(xrf0) =	vadd.scan.msk.s32 $0xffff, v14;
	v13 =	vnsel vm15, $0x0, v12  }
0x34: {  	(xrf0) =	vadd.scan.msk.s32 $0xffff, v13;
	_ =	sdelay $0x4  }
0x35: {  	v13, _, _ =	vpop (xrf0)  }
0x36: {  	(v2sf) =	vpush v13, $0xF;
	v13, _, _ =	vpop (xrf0)  }
0x37: {  	(v2sf) =	vpush v13, $0xF;
	_ =	sdelay $0x3  }
0x38: {  	s19 =	spop (v2sf)  }
0x39: {  	p0 =	slt.u32 s20, $0x10;
	s21 =	spop (v2sf)  }
0x3a: {  	s21 =	smov.u32 @p0 s19  }
0x3b: {  	s19 =	sand.u32 $0x7, s21  }
0x3c: {  	s22 =	sshra.s32 s21, $0x1F;
	p0 =	slt.s32 s21, $0x1;
	p1 =	sne.s32 s19, $0x0  }
0x3d: {  	s22 =	sshrl.u32 s22, $0x1D;
	p0 =	por !p0, !p1  }
0x3e: {  	s23 =	simm.s32 $0x1;
	s22 =	sadd.s32 s22, s21;
	p0 =	por !p0, !p0  }
0x3f: {  	s22 =	sshrl.u32 s22, $0x3;
	s23 =	simm.s32 @!p0 $0x0  }
0x40: {  	s22 =	ssub.s32 s22, s23  }
0x41: {  	s22 =	sshll.u32 s22, $0x3  }
0x42: {  	p0 =	slt.s32 s22, $0x2800;
	s23 =	spop (v2sf)  }
0x43: {  	s22 =	simm.s32 @!p0 $0x2800;
	p0 =	slt.u32 s20, $0xF;
	s24 =	spop (v2sf)  }
0x44: {  	s24 =	smov.u32 @p0 s23  }
0x45: {  	s23 =	ssub.s32 s24, s21  }
0x46: {  	s25 =	sadd.s32 s8, s22;
	s29 =	sadd.s32 $0xF, s23  }
0x47: {  	s25 =	sshrl.u32 s25, $0x3;
	s30 =	sand.u32 $0xF, s29  }
0x48: {  	s31 =	sshra.s32 s29, $0x1F;
	p6 =	slt.s32 s29, $0x1;
	p5 =	sne.s32 s30, $0x0  }
0x49: {  	s28 =	sadd.s32 s3, s25;
	s25 =	sshrl.u32 s31, $0x1C;
	p0 =	por !p6, !p5  }
0x4a: {  	s24 =	sadd.s32 s25, s29;
	s25 =	simm.s32 $0x1;
	p0 =	por !p0, !p0  }
0x4b: {  	s24 =	sshra.s32 s24, $0x4;
	s25 =	simm.s32 @!p0 $0x0  }
0x4c: {  	s24 =	ssub.s32 s24, s25  }
0x4d: {  	[sflag:s16] =	ssyncset.done $0x0;
	p0 =	slt.s32 s24, $0x1  }
.Ltmp4:
0x4e: {  	[sflag:s16] =	ssyncadd.s32 $0xFFFEE000;
	(pc) =	sbr.rel @p0 .LBB2_2-.Ltmp4, $4  }
0x4f: {  	[tilespmem:s2], [sflag:$0x2] =	stream.linear.gather [hbm4b:s28+s2], $0x800, $0x38;
	[tilespmem:$0x1DE98] =	vst v63  }
0x50: {  	_ =	swait.ge [sflag:s12], $0x800  }
0x51: {  	[sflag:s12] =	ssyncset.done $0x0  }
0x52: {  	[sflag:s12] =	ssyncadd.s32 $0xFFFFF800  }
0x53: {  	s25 =	sshll.u32 s20, $0x9  }
0x54: {  	s20 =	ssub.s32 s21, s22;
	s21 =	smin.u32 s24, $0x7F;
	v14 =	vmov s23;
	s22 =	simm.s32 $0x0;
	v13 =	vmov s25  }
.LBB2_5:
0x55: {  	s23 =	sshll.u32 s22, $0x4  }
0x56: {  	s24 =	sadd.s32 s23, s20  }
0x57: {  	s24 =	sand.u32 $0xFFFFFFF8, s24  }
0x58: {  	s24 =	sor.u32 s24, s19  }
0x59: {  	v16 =	vld [tilespmem:s24+$0x0];
	_ =	sdelay $0x4  }
0x5a: {  	v15 =	vshrl.u32 v16, $0xA  }
0x5b: {  	v15 =	vsub.s32 v15, v13  }
0x5c: {  	vm0 =	vgt.s32 v15, $0x0  }
0x5d: {  	v15 =	vnsel vm0, $0x0, v15  }
0x5e: {  	v15 =	vmin.u32 v15, $0x1FF  }
0x5f: {  	v17 =	vmul.u32 $0x90, v15  }
0x60: {  	v16 =	vand.u32 $0x3FF, v16  }
0x61: {  	v17 =	vadd.s32 $0x81, v17;
	_ =	sdelay $0x3  }
0x62: {  	v18 =	vld.idx.msk [tilespmem:v16+s14+$0x0], $0xffff  }
0x63: {  	v17 =	vld.idx.msk [tilespmem:v17+s15+$0x0], $0xffff;
	_ =	sdelay $0x4  }
0x64: {  	v17 =	vadd.f32 v18, v17;
	_ =	sdelay $0x1  }
0x65: {  	v18 =	vmul.f32 $2.000000030e-01, v17  }
0x66: {  	vm13 =	vge.f32 v17, $0.0e+00  }
0x67: {  	v17 =	vsel vm13, v17, v18  }
0x68: {  	v17 =	vmul.f32 $1.442695020e+00, v17;
	_ =	sdelay $0x1  }
0x69: {  	(erf) = vpow2.f32 v17;
	_ =	sdelay $0x5  }
0x6a: {  	v16 =	vsub.s32 v16, v0;
	v17 =	vor.u32 s23, v1  }
0x6b: {  	vm1 =	vlt.s32 v16, $0x140;
	vm14 =	vlt.s32 v17, v14  }
0x6c: {  	vm2 =	vge.s32 v16, v2;
	vm15 =	vgt.s32 v16, $0x0;
	vm0 =	vmand vm14, vm1  }
0x6d: {  	v16 =	vnsel vm15, $0x0, v16;
	vm0 =	vmand vm0, vm2;
	v17 =	vpop (erf)  }
0x6e: {  	p0 =	por $0x1, $0x1;
	v16 =	vmin.u32 v16, $0x13F;
	s23 =	simm.s32 $0x0;
	v17 =	vnsel vm0, $0x0, v17  }
.LBB2_6:
0x6f: {  	v18 =	vmov s23  }
0x70: {  	v19 =	vperm.xlane v15, v18;
	_ =	sdelay $0x1  }
0x71: {  	v29 =	vmul.u32 $0x90, v19;
	_ =	sdelay $0x1  }
0x72: {  	v19 =	vor.u32 v1, v29;
	_ =	sdelay $0x2  }
0x73: {  	v20 =	vperm.xlane v16, v18;
	_ =	sdelay $0x1  }
0x74: {  	v27 =	vmul.u32 $0x90, v20;
	v19 =	vld.idx.msk [tilespmem:v19+s15+$0x0], $0xffff;
	_ =	sdelay $0x1  }
0x75: {  	v20 =	vor.u32 v1, v27  }
0x76: {  	v28 =	vperm.xlane v17, v18;
	v18 =	vadd.s32 v3, v29;
	_ =	sdelay $0x1  }
0x77: {  	v19 =	vmul.f32 v19, v28;
	_ =	sdelay $0x1  }
0x78: {  	[tilespmem:v20+s13+$0x0] =	vst.idx.add.f32.msk $0xffff, v19  }
0x79: {  	v18 =	vld.idx.msk [tilespmem:v18+s15+$0x0], $0xffff;
	_ =	sdelay $0x1  }
0x7a: {  	v19 =	vadd.s32 v3, v27  }
0x7b: {  	v48 =	vadd.s32 v4, v29;
	_ =	sdelay $0x1  }
0x7c: {  	v18 =	vmul.f32 v18, v28;
	_ =	sdelay $0x1  }
0x7d: {  	[tilespmem:v19+s13+$0x0] =	vst.idx.add.f32.msk $0xffff, v18  }
0x7e: {  	v18 =	vld.idx.msk [tilespmem:v48+s15+$0x0], $0xffff;
	_ =	sdelay $0x1  }
0x7f: {  	v19 =	vadd.s32 v4, v27  }
0x80: {  	s25 =	sor.u32 $0x2, s23;
	v49 =	vadd.s32 v5, v29  }
0x81: {  	v24 =	vmov s25  }
0x82: {  	v21 =	vperm.xlane v15, v24;
	v18 =	vmul.f32 v18, v28  }
0x83: {  	s24 =	sor.u32 $0x1, s23  }
0x84: {  	v21 =	vmul.u32 $0x90, v21;
	[tilespmem:v19+s13+$0x0] =	vst.idx.add.f32.msk $0xffff, v18;
	v18 =	vmov s24  }
0x85: {  	v20 =	vld.idx.msk [tilespmem:v49+s15+$0x0], $0xffff;
	v19 =	vperm.xlane v15, v18  }
0x86: {  	v51 =	vor.u32 v1, v21  }
0x87: {  	s26 =	sor.u32 $0x3, s23;
	v22 =	vadd.s32 v5, v27;
	v19 =	vmul.u32 $0x90, v19  }
0x88: {  	v30 =	vmov s26;
	v25 =	vadd.s32 v6, v29  }
0x89: {  	v23 =	vperm.xlane v15, v30;
	v26 =	vor.u32 v1, v19  }
0x8a: {  	v33 =	vperm.xlane v16, v24;
	v20 =	vmul.f32 v20, v28  }
0x8b: {  	v23 =	vmul.u32 $0x90, v23;
	v36 =	vld.idx.msk [tilespmem:v51+s15+$0x0], $0xffff  }
0x8c: {  	[tilespmem:v22+s13+$0x0] =	vst.idx.add.f32.msk $0xffff, v20;
	v22 =	vmul.u32 $0x90, v33  }
0x8d: {  	v31 =	vor.u32 v1, v23;
	v50 =	vperm.xlane v16, v18;
	v25 =	vld.idx.msk [tilespmem:v25+s15+$0x0], $0xffff  }
0x8e: {  	v26 =	vld.idx.msk [tilespmem:v26+s15+$0x0], $0xffff;
	v39 =	vor.u32 v1, v22  }
0x8f: {  	v24 =	vperm.xlane v17, v24;
	v32 =	vadd.s32 v6, v27;
	v20 =	vmul.u32 $0x90, v50  }
0x90: {  	v52 =	vperm.xlane v16, v30;
	v53 =	vadd.s32 v3, v21  }
0x91: {  	v54 =	vmul.f32 v36, v24;
	v18 =	vperm.xlane v17, v18;
	v34 =	vor.u32 v1, v20  }
0x92: {  	v31 =	vld.idx.msk [tilespmem:v31+s15+$0x0], $0xffff;
	v35 =	vadd.s32 v3, v19;
	v25 =	vmul.f32 v25, v28  }
0x93: {  	v38 =	vmul.f32 v26, v18;
	v26 =	vmul.u32 $0x90, v52;
	[tilespmem:v39+s13+$0x0] =	vst.idx.add.f32.msk $0xffff, v54  }
0x94: {  	v37 =	vadd.s32 v7, v29;
	[tilespmem:v32+s13+$0x0] =	vst.idx.add.f32.msk $0xffff, v25  }
0x95: {  	v32 =	vld.idx.msk [tilespmem:v53+s15+$0x0], $0xffff;
	v33 =	vor.u32 v1, v26  }
0x96: {  	v55 =	vadd.s32 v3, v23;
	v25 =	vperm.xlane v17, v30;
	[tilespmem:v34+s13+$0x0] =	vst.idx.add.f32.msk $0xffff, v38  }
0x97: {  	v61 =	vadd.s32 v3, v22;
	v34 =	vld.idx.msk [tilespmem:v35+s15+$0x0], $0xffff  }
0x98: {  	v62 =	vadd.s32 v4, v21;
	v31 =	vmul.f32 v31, v25  }
0x99: {  	v57 =	vadd.s32 v3, v20;
	v56 =	vld.idx.msk [tilespmem:v37+s15+$0x0], $0xffff  }
0x9a: {  	v58 =	vadd.s32 v4, v19;
	v32 =	vmul.f32 v32, v24;
	[tilespmem:v33+s13+$0x0] =	vst.idx.add.f32.msk $0xffff, v31  }
0x9b: {  	v59 =	vadd.s32 v7, v27;
	v30 =	vld.idx.msk [tilespmem:v55+s15+$0x0], $0xffff  }
0x9c: {  	v41 =	vadd.s32 v8, v29;
	v60 =	vmul.f32 v34, v18;
	[tilespmem:v61+s13+$0x0] =	vst.idx.add.f32.msk $0xffff, v32  }
0x9d: {  	v63 =	vadd.s32 v3, v26;
	v33 =	vld.idx.msk [tilespmem:v62+s15+$0x0], $0xffff  }
0x9e: {  	v40 =	vadd.s32 v4, v23;
	v36 =	vmul.f32 v56, v28;
	[tilespmem:v57+s13+$0x0] =	vst.idx.add.f32.msk $0xffff, v60  }
0x9f: {  	v45 =	vadd.s32 v4, v22;
	v35 =	vld.idx.msk [tilespmem:v58+s15+$0x0], $0xffff  }
0xa0: {  	v48 =	vadd.s32 v5, v21;
	[tilespmem:v59+s13+$0x0] =	vst.idx.add.f32.msk $0xffff, v36;
	v30 =	vmul.f32 v30, v25  }
0xa1: {  	v42 =	vadd.s32 v4, v20;
	v47 =	vld.idx.msk [tilespmem:v41+s15+$0x0], $0xffff  }
0xa2: {  	v43 =	vadd.s32 v5, v19;
	v33 =	vmul.f32 v33, v24;
	[tilespmem:v63+s13+$0x0] =	vst.idx.add.f32.msk $0xffff, v30  }
0xa3: {  	v51 =	vadd.s32 v8, v27;
	v46 =	vld.idx.msk [tilespmem:v40+s15+$0x0], $0xffff  }
0xa4: {  	v56 =	vadd.s32 v9, v29;
	v44 =	vmul.f32 v35, v18;
	[tilespmem:v45+s13+$0x0] =	vst.idx.add.f32.msk $0xffff, v33  }
0xa5: {  	v49 =	vadd.s32 v4, v26;
	v55 =	vld.idx.msk [tilespmem:v48+s15+$0x0], $0xffff  }
0xa6: {  	v50 =	vadd.s32 v5, v23;
	v35 =	vmul.f32 v47, v28;
	[tilespmem:v42+s13+$0x0] =	vst.idx.add.f32.msk $0xffff, v44  }
0xa7: {  	v58 =	vadd.s32 v5, v22;
	v32 =	vld.idx.msk [tilespmem:v43+s15+$0x0], $0xffff  }
0xa8: {  	v60 =	vadd.s32 v6, v21;
	[tilespmem:v51+s13+$0x0] =	vst.idx.add.f32.msk $0xffff, v35;
	v53 =	vmul.f32 v46, v25  }
0xa9: {  	v52 =	vadd.s32 v5, v20;
	v36 =	vld.idx.msk [tilespmem:v56+s15+$0x0], $0xffff  }
0xaa: {  	v54 =	vadd.s32 v6, v19;
	v34 =	vmul.f32 v55, v24;
	[tilespmem:v49+s13+$0x0] =	vst.idx.add.f32.msk $0xffff, v53  }
0xab: {  	v41 =	vadd.s32 v9, v27;
	v59 =	vld.idx.msk [tilespmem:v50+s15+$0x0], $0xffff  }
0xac: {  	v29 =	vadd.s32 v10, v29;
	v57 =	vmul.f32 v32, v18;
	[tilespmem:v58+s13+$0x0] =	vst.idx.add.f32.msk $0xffff, v34  }
0xad: {  	v61 =	vadd.s32 v5, v26;
	v34 =	vld.idx.msk [tilespmem:v60+s15+$0x0], $0xffff  }
0xae: {  	v62 =	vadd.s32 v6, v23;
	v36 =	vmul.f32 v36, v28;
	[tilespmem:v52+s13+$0x0] =	vst.idx.add.f32.msk $0xffff, v57  }
0xaf: {  	v43 =	vadd.s32 v6, v22;
	v33 =	vld.idx.msk [tilespmem:v54+s15+$0x0], $0xffff  }
0xb0: {  	s28 =	sor.u32 $0x4, s23;
	v45 =	vadd.s32 v7, v21;
	[tilespmem:v41+s13+$0x0] =	vst.idx.add.f32.msk $0xffff, v36;
	v39 =	vmul.f32 v59, v25  }
0xb1: {  	v63 =	vadd.s32 v6, v20;
	v55 =	vmov s28;
	v29 =	vld.idx.msk [tilespmem:v29+s15+$0x0], $0xffff  }
0xb2: {  	v57 =	vperm.xlane v15, v55;
	v34 =	vmul.f32 v34, v24;
	[tilespmem:v61+s13+$0x0] =	vst.idx.add.f32.msk $0xffff, v39  }
0xb3: {  	v40 =	vadd.s32 v7, v19;
	v44 =	vld.idx.msk [tilespmem:v62+s15+$0x0], $0xffff  }
0xb4: {  	v59 =	vadd.s32 v10, v27;
	v27 =	vmul.u32 $0x90, v57;
	v42 =	vmul.f32 v33, v18;
	[tilespmem:v43+s13+$0x0] =	vst.idx.add.f32.msk $0xffff, v34  }
0xb5: {  	v46 =	vadd.s32 v6, v26;
	v34 =	vld.idx.msk [tilespmem:v45+s15+$0x0], $0xffff  }
0xb6: {  	[tilespmem:v63+s13+$0x0] =	vst.idx.add.f32.msk $0xffff, v42;
	v63 =	vor.u32 v1, v27  }
0xb7: {  	s29 =	sor.u32 $0x5, s23;
	v47 =	vadd.s32 v7, v23;
	v29 =	vmul.f32 v29, v28  }
0xb8: {  	v60 =	vmov s29;
	v52 =	vadd.s32 v7, v22;
	v32 =	vld.idx.msk [tilespmem:v40+s15+$0x0], $0xffff;
	v49 =	vmul.f32 v44, v25  }
0xb9: {  	v54 =	vadd.s32 v8, v21;
	v62 =	vperm.xlane v15, v60;
	[tilespmem:v59+s13+$0x0] =	vst.idx.add.f32.msk $0xffff, v29  }
0xba: {  	v48 =	vadd.s32 v7, v20;
	v42 =	vperm.xlane v16, v55;
	[tilespmem:v46+s13+$0x0] =	vst.idx.add.f32.msk $0xffff, v49  }
0xbb: {  	v50 =	vadd.s32 v8, v19;
	v28 =	vmul.u32 $0x90, v62;
	v34 =	vmul.f32 v34, v24;
	v36 =	vld.idx.msk [tilespmem:v63+s15+$0x0], $0xffff  }
0xbc: {  	v30 =	vmul.u32 $0x90, v42;
	v53 =	vld.idx.msk [tilespmem:v47+s15+$0x0], $0xffff  }
0xbd: {  	v43 =	vor.u32 v1, v28;
	v51 =	vmul.f32 v32, v18;
	[tilespmem:v52+s13+$0x0] =	vst.idx.add.f32.msk $0xffff, v34  }
0xbe: {  	s30 =	sor.u32 $0x6, s23;
	v42 =	vor.u32 v1, v30;
	v34 =	vld.idx.msk [tilespmem:v54+s15+$0x0], $0xffff  }
0xbf: {  	v56 =	vadd.s32 v7, v26;
	v41 =	vmov s30;
	v29 =	vperm.xlane v17, v55;
	[tilespmem:v48+s13+$0x0] =	vst.idx.add.f32.msk $0xffff, v51  }
0xc0: {  	s31 =	sor.u32 $0x7, s23;
	v58 =	vadd.s32 v8, v23;
	v47 =	vadd.s32 v3, v27;
	v33 =	vld.idx.msk [tilespmem:v50+s15+$0x0], $0xffff;
	v50 =	vperm.xlane v15, v41  }
0xc1: {  	v40 =	vadd.s32 v8, v20;
	v44 =	vmov s31;
	v36 =	vmul.f32 v36, v29  }
0xc2: {  	v52 =	vperm.xlane v15, v44;
	v55 =	vld.idx.msk [tilespmem:v43+s15+$0x0], $0xffff;
	v61 =	vmul.f32 v53, v25;
	v31 =	vmul.u32 $0x90, v50  }
0xc3: {  	v49 =	vadd.s32 v8, v22;
	[tilespmem:v42+s13+$0x0] =	vst.idx.add.f32.msk $0xffff, v36  }
0xc4: {  	v45 =	vmul.f32 v34, v24;
	v34 =	vmul.u32 $0x90, v52;
	[tilespmem:v56+s13+$0x0] =	vst.idx.add.f32.msk $0xffff, v61;
	v54 =	vor.u32 v1, v31  }
0xc5: {  	v57 =	vadd.s32 v9, v21;
	v53 =	vperm.xlane v16, v60;
	v47 =	vld.idx.msk [tilespmem:v47+s15+$0x0], $0xffff;
	v48 =	vmul.f32 v33, v18  }
0xc6: {  	v38 =	vld.idx.msk [tilespmem:v58+s15+$0x0], $0xffff;
	v56 =	vor.u32 v1, v34  }
0xc7: {  	v51 =	vadd.s32 v9, v19;
	v33 =	vmul.u32 $0x90, v53;
	[tilespmem:v40+s13+$0x0] =	vst.idx.add.f32.msk $0xffff, v48;
	v48 =	vperm.xlane v16, v41  }
0xc8: {  	v46 =	vadd.s32 v8, v26;
	v32 =	vperm.xlane v17, v60;
	[tilespmem:v49+s13+$0x0] =	vst.idx.add.f32.msk $0xffff, v45  }
0xc9: {  	v60 =	vperm.xlane v16, v44;
	v58 =	vor.u32 v1, v33;
	v59 =	vld.idx.msk [tilespmem:v54+s15+$0x0], $0xffff;
	v35 =	vmul.u32 $0x90, v48  }
0xca: {  	v61 =	vadd.s32 v3, v28;
	v40 =	vld.idx.msk [tilespmem:v57+s15+$0x0], $0xffff  }
0xcb: {  	v37 =	vmul.u32 $0x90, v60;
	v38 =	vmul.f32 v38, v25;
	v43 =	vld.idx.msk [tilespmem:v56+s15+$0x0], $0xffff;
	v49 =	vor.u32 v1, v35  }
0xcc: {  	v62 =	vmul.f32 v55, v32;
	v36 =	vperm.xlane v17, v41;
	v63 =	vadd.s32 v3, v31;
	v39 =	vld.idx.msk [tilespmem:v51+s15+$0x0], $0xffff  }
0xcd: {  	v52 =	vor.u32 v1, v37;
	v54 =	vadd.s32 v3, v34;
	[tilespmem:v46+s13+$0x0] =	vst.idx.add.f32.msk $0xffff, v38  }
0xce: {  	[tilespmem:v58+s13+$0x0] =	vst.idx.add.f32.msk $0xffff, v62;
	v38 =	vperm.xlane v17, v44;
	v53 =	vmul.f32 v59, v36  }
0xcf: {  	v55 =	vadd.s32 v3, v30;
	v42 =	vld.idx.msk [tilespmem:v61+s15+$0x0], $0xffff  }
0xd0: {  	v50 =	vadd.s32 v4, v27;
	v43 =	vmul.f32 v43, v38;
	[tilespmem:v49+s13+$0x0] =	vst.idx.add.f32.msk $0xffff, v53  }
0xd1: {  	v56 =	vadd.s32 v3, v33;
	v41 =	vld.idx.msk [tilespmem:v63+s15+$0x0], $0xffff  }
0xd2: {  	v57 =	vadd.s32 v4, v28;
	v47 =	vmul.f32 v47, v29;
	[tilespmem:v52+s13+$0x0] =	vst.idx.add.f32.msk $0xffff, v43  }
0xd3: {  	v58 =	vadd.s32 v3, v35;
	v44 =	vld.idx.msk [tilespmem:v54+s15+$0x0], $0xffff  }
0xd4: {  	[tilespmem:v55+s13+$0x0] =	vst.idx.add.f32.msk $0xffff, v47;
	v59 =	vadd.s32 v4, v31;
	v42 =	vmul.f32 v42, v32  }
0xd5: {  	v60 =	vadd.s32 v3, v37;
	v47 =	vld.idx.msk [tilespmem:v50+s15+$0x0], $0xffff  }
0xd6: {  	v61 =	vadd.s32 v4, v34;
	[tilespmem:v56+s13+$0x0] =	vst.idx.add.f32.msk $0xffff, v42;
	v41 =	vmul.f32 v41, v36  }
0xd7: {  	v62 =	vadd.s32 v4, v30;
	v49 =	vld.idx.msk [tilespmem:v57+s15+$0x0], $0xffff  }
0xd8: {  	v63 =	vadd.s32 v5, v27;
	v51 =	vmul.f32 v44, v38;
	[tilespmem:v58+s13+$0x0] =	vst.idx.add.f32.msk $0xffff, v41  }
0xd9: {  	v52 =	vadd.s32 v4, v33;
	v53 =	vld.idx.msk [tilespmem:v59+s15+$0x0], $0xffff  }
0xda: {  	v55 =	vadd.s32 v5, v28;
	v54 =	vmul.f32 v47, v29;
	[tilespmem:v60+s13+$0x0] =	vst.idx.add.f32.msk $0xffff, v51  }
0xdb: {  	v56 =	vadd.s32 v4, v35;
	v42 =	vld.idx.msk [tilespmem:v61+s15+$0x0], $0xffff  }
0xdc: {  	[tilespmem:v62+s13+$0x0] =	vst.idx.add.f32.msk $0xffff, v54;
	v58 =	vadd.s32 v5, v31;
	v57 =	vmul.f32 v49, v32  }
0xdd: {  	v59 =	vld.idx.msk [tilespmem:v63+s15+$0x0], $0xffff;
	v60 =	vadd.s32 v4, v37  }
0xde: {  	v62 =	vadd.s32 v5, v34;
	[tilespmem:v52+s13+$0x0] =	vst.idx.add.f32.msk $0xffff, v57;
	v61 =	vmul.f32 v53, v36  }
0xdf: {  	v63 =	vadd.s32 v5, v30;
	v47 =	vld.idx.msk [tilespmem:v55+s15+$0x0], $0xffff  }
0xe0: {  	v52 =	vadd.s32 v6, v27;
	v53 =	vmul.f32 v42, v38;
	[tilespmem:v56+s13+$0x0] =	vst.idx.add.f32.msk $0xffff, v61  }
0xe1: {  	v54 =	vadd.s32 v5, v33;
	v43 =	vld.idx.msk [tilespmem:v58+s15+$0x0], $0xffff  }
0xe2: {  	v55 =	vmul.f32 v59, v29;
	v56 =	vadd.s32 v6, v28;
	[tilespmem:v60+s13+$0x0] =	vst.idx.add.f32.msk $0xffff, v53  }
0xe3: {  	v57 =	vadd.s32 v5, v35;
	v44 =	vld.idx.msk [tilespmem:v62+s15+$0x0], $0xffff  }
0xe4: {  	v59 =	vadd.s32 v6, v31;
	[tilespmem:v63+s13+$0x0] =	vst.idx.add.f32.msk $0xffff, v55;
	v58 =	vmul.f32 v47, v32  }
0xe5: {  	v61 =	vadd.s32 v5, v37;
	v60 =	vld.idx.msk [tilespmem:v52+s15+$0x0], $0xffff  }
0xe6: {  	v63 =	vadd.s32 v6, v34;
	[tilespmem:v54+s13+$0x0] =	vst.idx.add.f32.msk $0xffff, v58;
	v62 =	vmul.f32 v43, v36  }
0xe7: {  	v52 =	vadd.s32 v6, v30;
	v48 =	vld.idx.msk [tilespmem:v56+s15+$0x0], $0xffff  }
0xe8: {  	v53 =	vadd.s32 v7, v27;
	v54 =	vmul.f32 v44, v38;
	[tilespmem:v57+s13+$0x0] =	vst.idx.add.f32.msk $0xffff, v62  }
0xe9: {  	v55 =	vadd.s32 v6, v33;
	v56 =	vld.idx.msk [tilespmem:v59+s15+$0x0], $0xffff  }
0xea: {  	v58 =	vadd.s32 v7, v28;
	v57 =	vmul.f32 v60, v29;
	[tilespmem:v61+s13+$0x0] =	vst.idx.add.f32.msk $0xffff, v54  }
0xeb: {  	v59 =	vadd.s32 v6, v35;
	v43 =	vld.idx.msk [tilespmem:v63+s15+$0x0], $0xffff  }
0xec: {  	v61 =	vadd.s32 v7, v31;
	[tilespmem:v52+s13+$0x0] =	vst.idx.add.f32.msk $0xffff, v57;
	v60 =	vmul.f32 v48, v32  }
0xed: {  	v63 =	vadd.s32 v6, v37;
	v62 =	vld.idx.msk [tilespmem:v53+s15+$0x0], $0xffff  }
0xee: {  	v53 =	vadd.s32 v7, v34;
	[tilespmem:v55+s13+$0x0] =	vst.idx.add.f32.msk $0xffff, v60;
	v52 =	vmul.f32 v56, v36  }
0xef: {  	v54 =	vadd.s32 v7, v30;
	v47 =	vld.idx.msk [tilespmem:v58+s15+$0x0], $0xffff  }
0xf0: {  	v55 =	vadd.s32 v8, v27;
	v56 =	vmul.f32 v43, v38;
	[tilespmem:v59+s13+$0x0] =	vst.idx.add.f32.msk $0xffff, v52  }
0xf1: {  	v57 =	vadd.s32 v7, v33;
	v58 =	vld.idx.msk [tilespmem:v61+s15+$0x0], $0xffff  }
0xf2: {  	v60 =	vadd.s32 v8, v28;
	v59 =	vmul.f32 v62, v29;
	[tilespmem:v63+s13+$0x0] =	vst.idx.add.f32.msk $0xffff, v56  }
0xf3: {  	v56 =	vadd.s32 v9, v23;
	v44 =	vld.idx.msk [tilespmem:v53+s15+$0x0], $0xffff  }
0xf4: {  	v61 =	vadd.s32 v7, v35;
	[tilespmem:v54+s13+$0x0] =	vst.idx.add.f32.msk $0xffff, v59;
	v62 =	vmul.f32 v47, v32  }
0xf5: {  	v63 =	vadd.s32 v8, v31;
	v52 =	vld.idx.msk [tilespmem:v55+s15+$0x0], $0xffff  }
0xf6: {  	v53 =	vadd.s32 v7, v37;
	[tilespmem:v57+s13+$0x0] =	vst.idx.add.f32.msk $0xffff, v62  }
0xf7: {  	v55 =	vadd.s32 v8, v34;
	v48 =	vld.idx.msk [tilespmem:v60+s15+$0x0], $0xffff;
	v54 =	vmul.f32 v58, v36  }
0xf8: {  	v57 =	vadd.s32 v8, v30;
	v45 =	vld.idx.msk [tilespmem:v56+s15+$0x0], $0xffff  }
0xf9: {  	v59 =	vadd.s32 v9, v27;
	v58 =	vmul.f32 v44, v38;
	[tilespmem:v61+s13+$0x0] =	vst.idx.add.f32.msk $0xffff, v54  }
0xfa: {  	v61 =	vadd.s32 v8, v33;
	v60 =	vld.idx.msk [tilespmem:v63+s15+$0x0], $0xffff  }
0xfb: {  	v62 =	vmul.f32 v52, v29;
	v52 =	vadd.s32 v9, v28;
	[tilespmem:v53+s13+$0x0] =	vst.idx.add.f32.msk $0xffff, v58  }
0xfc: {  	v58 =	vadd.s32 v9, v22;
	v43 =	vld.idx.msk [tilespmem:v55+s15+$0x0], $0xffff  }
0xfd: {  	[tilespmem:v57+s13+$0x0] =	vst.idx.add.f32.msk $0xffff, v62;
	v53 =	vmul.f32 v48, v32;
	v57 =	vadd.s32 v9, v20  }
0xfe: {  	v21 =	vadd.s32 v10, v21;
	v42 =	vld.idx.msk [tilespmem:v59+s15+$0x0], $0xffff  }
0xff: {  	v40 =	vmul.f32 v40, v24;
	v63 =	vadd.s32 v8, v35;
	[tilespmem:v61+s13+$0x0] =	vst.idx.add.f32.msk $0xffff, v53  }
0x100: {  	v19 =	vadd.s32 v10, v19;
	v39 =	vmul.f32 v39, v18;
	v59 =	vld.idx.msk [tilespmem:v52+s15+$0x0], $0xffff  }
0x101: {  	v54 =	vadd.s32 v8, v37;
	[tilespmem:v58+s13+$0x0] =	vst.idx.add.f32.msk $0xffff, v40  }
0x102: {  	v55 =	vadd.s32 v9, v31;
	v44 =	vmul.f32 v60, v36;
	[tilespmem:v57+s13+$0x0] =	vst.idx.add.f32.msk $0xffff, v39  }
0x103: {  	v56 =	vadd.s32 v9, v34;
	v21 =	vld.idx.msk [tilespmem:v21+s15+$0x0], $0xffff  }
0x104: {  	v61 =	vadd.s32 v9, v30;
	v43 =	vmul.f32 v43, v38;
	[tilespmem:v63+s13+$0x0] =	vst.idx.add.f32.msk $0xffff, v44  }
0x105: {  	v60 =	vadd.s32 v9, v26;
	v19 =	vld.idx.msk [tilespmem:v19+s15+$0x0], $0xffff  }
0x106: {  	v27 =	vadd.s32 v10, v27;
	[tilespmem:v54+s13+$0x0] =	vst.idx.add.f32.msk $0xffff, v43  }
0x107: {  	v23 =	vadd.s32 v10, v23;
	v53 =	vmul.f32 v42, v29;
	v62 =	vld.idx.msk [tilespmem:v55+s15+$0x0], $0xffff  }
0x108: {  	v51 =	vmul.f32 v45, v25;
	v63 =	vadd.s32 v9, v33;
	v41 =	vld.idx.msk [tilespmem:v56+s15+$0x0], $0xffff  }
0x109: {  	v28 =	vadd.s32 v10, v28;
	[tilespmem:v61+s13+$0x0] =	vst.idx.add.f32.msk $0xffff, v53  }
0x10a: {  	v52 =	vadd.s32 v9, v35;
	[tilespmem:v60+s13+$0x0] =	vst.idx.add.f32.msk $0xffff, v51  }
0x10b: {  	v54 =	vadd.s32 v9, v37;
	v55 =	vmul.f32 v59, v32;
	v27 =	vld.idx.msk [tilespmem:v27+s15+$0x0], $0xffff  }
0x10c: {  	v31 =	vadd.s32 v10, v31;
	v23 =	vld.idx.msk [tilespmem:v23+s15+$0x0], $0xffff  }
0x10d: {  	v34 =	vadd.s32 v10, v34;
	[tilespmem:v63+s13+$0x0] =	vst.idx.add.f32.msk $0xffff, v55;
	v56 =	vmul.f32 v62, v36  }
0x10e: {  	v20 =	vadd.s32 v10, v20;
	v28 =	vld.idx.msk [tilespmem:v28+s15+$0x0], $0xffff;
	v57 =	vmul.f32 v41, v38  }
0x10f: {  	v22 =	vadd.s32 v10, v22;
	[tilespmem:v52+s13+$0x0] =	vst.idx.add.f32.msk $0xffff, v56  }
0x110: {  	v26 =	vadd.s32 v10, v26;
	[tilespmem:v54+s13+$0x0] =	vst.idx.add.f32.msk $0xffff, v57  }
0x111: {  	v18 =	vmul.f32 v19, v18;
	v19 =	vadd.s32 v10, v30;
	v58 =	vld.idx.msk [tilespmem:v31+s15+$0x0], $0xffff  }
0x112: {  	v59 =	vadd.s32 v10, v33;
	v21 =	vmul.f32 v21, v24;
	v60 =	vld.idx.msk [tilespmem:v34+s15+$0x0], $0xffff  }
0x113: {  	v61 =	vadd.s32 v10, v35;
	[tilespmem:v20+s13+$0x0] =	vst.idx.add.f32.msk $0xffff, v18;
	v18 =	vmul.f32 v23, v25  }
0x114: {  	p1 =	por p0, p0;
	v63 =	vadd.s32 v10, v37;
	[tilespmem:v22+s13+$0x0] =	vst.idx.add.f32.msk $0xffff, v21;
	v62 =	vmul.f32 v27, v29  }
.Ltmp5:
0x115: {  	[tilespmem:v26+s13+$0x0] =	vst.idx.add.f32.msk $0xffff, v18;
	v18 =	vmul.f32 v28, v32;
	(pc) =	sbr.rel @p1 .LBB2_6-.Ltmp5, $4  }
0x116: {  	[tilespmem:v19+s13+$0x0] =	vst.idx.add.f32.msk $0xffff, v62;
	v19 =	vmul.f32 v58, v36  }
0x117: {  	[tilespmem:v59+s13+$0x0] =	vst.idx.add.f32.msk $0xffff, v18;
	v18 =	vmul.f32 v60, v38  }
0x118: {  	[tilespmem:v61+s13+$0x0] =	vst.idx.add.f32.msk $0xffff, v19  }
0x119: {  	s23 =	simm.s32 $0x8;
	p0 =	por $0x0, $0x0;
	[tilespmem:v63+s13+$0x0] =	vst.idx.add.f32.msk $0xffff, v18  }
0x11a: {  	s22 =	sadd.s32 $0x1, s22  }
0x11b: {  	p0 =	seq.s32 s22, s21  }
.Ltmp6:
0x11c: {  	_ = 	snop;
	(pc) =	sbr.rel @!p0 .LBB2_5-.Ltmp6, $4  }
.Ltmp7:
0x11d: {  	_ = 	snop;
	(pc) =	sbr.rel @p0 .LBB2_2-.Ltmp7, $4  }
0x11e: {  	_ = 	snop  }
0x11f: {  	_ = 	snop  }
0x120: {  	_ = 	snop  }
0x121: {  	_ = 	snop  }
.LBB2_9:
0x122: {  	_ =	sfence.sel $0x180000  }
0x123: {  	[bflag:$0x0] =	sbarrier.arrive $0xFFFF  }
0x124: {  	p0 =	sne.s32 s0, $0x0;
	_ =	strace $0x9000004A  }
0x125: {  	s0 =	sadd.s32 @!p0 $0x100000, s1;
	[bflag:$0x2] =	sbarrier.arrive $0xFFFF  }
0x126: {  	[sflag:s0] =	ssyncadd.tile.s32 @!p0 $0x1;
	_ =	shalt  }
.Lfunc_end2:
_tile_overlayer_lowered:
.L_overlay_start_2:
0x127: {  	(tag) =	ssettag $0x2  }
0x128: {  	s0 =	rddreg [dreg:$0x0];
	s2 =	stileid.u32  }
0x129: {  	s1 =	rddreg [dreg:$0x1];
	p0 =	sne.s32 s2, $0x0  }
0x12a: {  	s3 =	rddreg [dreg:$0x2];
	[bflag:$0x3] =	sbarrier.arrive $0xFFFF;
	s2 =	simm.s32 @!p0 $0x1C02  }
0x12b: {  	[timem:s3], [sflag:s2] =	dma.local @!p0 [hbm:s0], s1  }
0x12c: {  	s0 =	simm.s32 @!p0 $0x2  }
0x12d: {  	_ =	swait.ge @!p0 [sflag:s0], s1  }
0x12e: {  	s1 =	ssub.s32 @!p0 $0x0, s1;
	[sflag:s0] =	ssyncset.done @!p0 $0x0  }
0x12f: {  	[sflag:s0] =	ssyncadd.s32 @!p0 s1  }
0x130: {  	[bflag:$0x3] =	sbarrier.arrive $0xFFFF  }
0x131: {  	_ =	shalt  }

// kernel: scatter_offload_async_start
scs
__scs_entry_jumppad:
0x0: {  	(pc) =	sbr.rel $0x88, $3  }
0x1: {  	(tag) =	ssettag $0x0;
	lr =	simm.s32 $0x1  }
0x2: {  	[smem:$0x3F88] =	sst lr;
	_ =	strace $0xD0000000  }
0x3: {  	_ = 	snop  }
0x4: {  	_ = 	snop  }
0x5: {  	_ = 	snop  }
0x6: {  	_ = 	snop  }
0x7: {  	_ = 	snop  }
__scs_overlays_trampoline_lowered:
0x8: {  	[smem:$0x3F97] =	sst s0  }
0x9: {  	[smem:$0x3F98] =	sst s1  }
0xa: {  	[smem:$0x3F99] =	sst s2  }
0xb: {  	[smem:$0x3F9A] =	sst s3  }
0xc: {  	[smem:$0x3F9B] =	sst s4  }
0xd: {  	[smem:$0x3F9C] =	sst s5  }
0xe: {  	[smem:$0x3F9D] =	sst s6  }
0xf: {  	[smem:$0x3F9E] =	sst s7  }
0x10: {  	[smem:$0x3F9F] =	sst s8  }
0x11: {  	[smem:$0x3FA0] =	sst s9;
	s0 =	simm.s32 @!p0 $0x0  }
0x12: {  	s1 =	sld [smem:$0x3F86];
	s0 =	simm.s32 @p0 $0x1  }
0x13: {  	[smem:$0x3FA1] =	sst s0;
	s0 =	simm.s32 @!p1 $0x0  }
0x14: {  	s2 =	sld [smem:$0x3F85];
	s0 =	simm.s32 @p1 $0x1  }
0x15: {  	[smem:$0x3FA2] =	sst s0;
	s0 =	simm.s32 @!p2 $0x0  }
0x16: {  	s3 =	sld [smem:$0x3FDB];
	s0 =	simm.s32 @p2 $0x1  }
0x17: {  	s4 =	simm.s32 $0x1BF5;
	[smem:$0x3FA4] =	sst s0  }
0x18: {  	s0 =	sld [smem:$0x3F87];
	_ =	swait.ge [sflag:s4], $0x0  }
0x19: {  	s7 =	sld [smem:$0x3F88]  }
0x1a: {  	s8 =	sadd.s32 $0xFFFFE003, lr  }
0x1b: {  	s9 =	sadd.s32 $0xFFFFFEF7, lr;
	s5 =	simm.s32 $0xFFFFFFFF;
	p2 =	slt.u32 s8, $0xFFFFF086  }
0x1c: {  	p1 =	slt.u32 s9, $0xF7A;
	s5 =	simm.s32 @!p2 $0x0  }
0x1d: {  	s5 =	simm.s32 @p1 $0x1;
	p0 =	seq.s32 s7, s2  }
0x1e: {  	s7 =	smul.u32 @!p0 $0xF7A, s2;
	p2 =	seq.s32 @!p0 s5, $0x0  }
0x1f: {  	s9 =	smul.u32 $0xF7A, s1;
	s8 =	simm.s32 @!p0 $0x1BF5;
	p2 =	por !p2, p0  }
0x20: {  	[sflag:s8] =	ssyncset.s32 @!p0 $0xFFFFF086;
	s6 =	sadd.s32 @!p0 s3, s7;
	s7 =	simm.s32 @!p0 $0x108  }
0x21: {  	s3 =	sadd.s32 s3, s9;
	s6 =	sadd.s32 @!p0 $0x88, s6;
	s7 =	simm.s32 @p2 $0x1082  }
0x22: {  	[simem:s7], [sflag:s8] =	dma.local @!p0 [hbm:s6], $0xF7A  }
0x23: {  	s9 =	sor.u32 $0xD0000000, s2;
	s6 =	simm.s32 $0x108;
	_ =	swait.ge @!p0 [sflag:s8], $0x0  }
0x24: {  	s3 =	sadd.s32 $0x88, s3;
	s6 =	simm.s32 @!p1 $0x1082;
	[sflag:s4] =	ssyncset.s32 $0xFFFFF086  }
0x25: {  	[simem:s6], [sflag:s4] =	dma.local [hbm:s3], $0xF7A  }
0x26: {  	[smem:$0x3F88] =	sst s1;
	(tag) =	ssettag s2;
	_ =	strace s9  }
0x27: {  	s1 =	sld [smem:$0x3F98]  }
0x28: {  	s2 =	sld [smem:$0x3F99]  }
0x29: {  	s4 =	sld [smem:$0x3F9B]  }
0x2a: {  	p0 =	seq.s32 s5, $0x0;
	s5 =	sld [smem:$0x3F9C]  }
0x2b: {  	s6 =	sld [smem:$0x3F9D]  }
0x2c: {  	s7 =	sld [smem:$0x3F9E]  }
0x2d: {  	s3 =	simm.s32 $0x108;
	s8 =	sld [smem:$0x3F9F]  }
0x2e: {  	s3 =	simm.s32 @!p0 $0x1082;
	s9 =	sld [smem:$0x3FA0]  }
0x2f: {  	lr =	sadd.s32 s0, s3;
	s0 =	sld [smem:$0x3F97]  }
0x30: {  	s3 =	sld [smem:$0x3F9A]  }
0x31: {  	[smem:$0x3FA3] =	sst s10  }
0x32: {  	s10 =	sld [smem:$0x3FA1];
	_ =	sdelay $0x3  }
0x33: {  	p0 =	seq.s32 s10, $0x1;
	s10 =	sld [smem:$0x3FA3];
	_ =	sdelay $0x3  }
0x34: {  	[smem:$0x3FA3] =	sst s10  }
0x35: {  	s10 =	sld [smem:$0x3FA2];
	_ =	sdelay $0x3  }
0x36: {  	p1 =	seq.s32 s10, $0x1;
	s10 =	sld [smem:$0x3FA3];
	_ =	sdelay $0x3  }
0x37: {  	[smem:$0x3FA3] =	sst s10  }
0x38: {  	s10 =	sld [smem:$0x3FA4]  }
0x39: {  	_ = 	snop;
	(pc) =	sbr.ind lr, $3  }
0x3a: {  	_ = 	snop  }
0x3b: {  	_ = 	snop  }
0x3c: {  	p2 =	seq.s32 s10, $0x1;
	s10 =	sld [smem:$0x3FA3]  }
0x3d: {  	_ =	shalt  }
0x3e: {  	_ =	shalt  }
0x3f: {  	_ =	shalt  }
0x40: {  	_ =	shalt  }
0x41: {  	_ =	shalt  }
0x42: {  	_ =	shalt  }
0x43: {  	_ =	shalt  }
0x44: {  	_ =	shalt  }
0x45: {  	_ =	shalt  }
0x46: {  	_ =	shalt  }
0x47: {  	_ =	shalt  }
0x48: {  	_ =	shalt  }
0x49: {  	_ =	shalt  }
0x4a: {  	_ =	shalt  }
0x4b: {  	_ =	shalt  }
0x4c: {  	_ =	shalt  }
0x4d: {  	_ =	shalt  }
0x4e: {  	_ =	shalt  }
0x4f: {  	_ =	shalt  }
0x50: {  	_ =	shalt  }
0x51: {  	_ =	shalt  }
0x52: {  	_ =	shalt  }
0x53: {  	_ =	shalt  }
0x54: {  	_ =	shalt  }
0x55: {  	_ =	shalt  }
0x56: {  	_ =	shalt  }
0x57: {  	_ =	shalt  }
0x58: {  	_ =	shalt  }
0x59: {  	_ =	shalt  }
0x5a: {  	_ =	shalt  }
0x5b: {  	_ =	shalt  }
0x5c: {  	_ =	shalt  }
0x5d: {  	_ =	shalt  }
0x5e: {  	_ =	shalt  }
0x5f: {  	_ =	shalt  }
0x60: {  	_ =	shalt  }
0x61: {  	_ =	shalt  }
0x62: {  	_ =	shalt  }
0x63: {  	_ =	shalt  }
0x64: {  	_ =	shalt  }
0x65: {  	_ =	shalt  }
0x66: {  	_ =	shalt  }
0x67: {  	_ =	shalt  }
0x68: {  	_ =	shalt  }
0x69: {  	_ =	shalt  }
0x6a: {  	_ =	shalt  }
0x6b: {  	_ =	shalt  }
0x6c: {  	_ =	shalt  }
0x6d: {  	_ =	shalt  }
0x6e: {  	_ =	shalt  }
0x6f: {  	_ =	shalt  }
0x70: {  	_ =	shalt  }
0x71: {  	_ =	shalt  }
0x72: {  	_ =	shalt  }
0x73: {  	_ =	shalt  }
0x74: {  	_ =	shalt  }
0x75: {  	_ =	shalt  }
0x76: {  	_ =	shalt  }
0x77: {  	_ =	shalt  }
0x78: {  	_ =	shalt  }
0x79: {  	_ =	shalt  }
0x7a: {  	_ =	shalt  }
0x7b: {  	_ =	shalt  }
0x7c: {  	_ =	shalt  }
0x7d: {  	_ =	shalt  }
0x7e: {  	_ =	shalt  }
0x7f: {  	_ =	shalt  }
0x80: {  	_ =	shalt  }
0x81: {  	_ =	shalt  }
0x82: {  	_ =	shalt  }
0x83: {  	_ =	shalt  }
0x84: {  	_ =	shalt  }
0x85: {  	_ =	shalt  }
0x86: {  	_ =	shalt  }
0x87: {  	_ =	shalt  }
.Lfunc_end0:
.L_simem_size_0:
called_computation_lowered:
.L_overlay_start_0:
0x88: {  	s0 =	sld [smem:$0x3FD9]  }
0x89: {  	s1 =	sld [smem:$0x3FFE];
	_ =	sdelay $0x3  }
0x8a: {  	s0 =	sadd.s32 s1, s0  }
0x8b: {  	[smem:$0x3FAF] =	sst s0  }
0x8c: {  	_ = 	snop  }
0x8d: {  	(tm) =	ssettm $0x1  }
0x8e: {  	s15 =	sld [smem:$0x3FFB];
	_ =	sdelay $0x3  }
0x8f: {  	_ =	strace s15  }
0x90: {  	s0 =	sld [smem:$0x3FFC];
	_ =	sdelay $0x3  }
0x91: {  	_ =	strace s0  }
0x92: {  	s0 =	sld [smem:$0x3FFD];
	_ =	sdelay $0x3  }
0x93: {  	_ =	strace s0  }
0x94: {  	_ =	strace $0x8FFFFFFF  }
0x95: {  	s16 =	sld [smem:$0x3FDB];
	_ =	sdelay $0x1  }
0x96: {  	s17 =	simm.s32 $_scs_section_size  }
0x97: {  	s2 =	simm.s32 $_size__tile_overlayer_lowered;
	s3 =	simm.s32 $_tile_overlayer_lowered  }
0x98: {  	s20 =	simm.s32 $0x1BFF;
	s19 =	sshll.u32 s3, $0x1;
	s0 =	sadd.s32 s17, s16  }
0x99: {  	s4 =	simm.s32 $0x0;
	s18 =	sshll.u32 s2, $0x1;
	s2 =	sadd.s32 s19, s0  }
0x9a: {  	[timem:s4], [sflag:s20] =	dma.local [hbm:s2], s18  }
0x9b: {  	_ =	swait.ge [sflag:s20], s18  }
0x9c: {  	s1 =	ssub.s32 $0x0, s18;
	[sflag:s20] =	ssyncset.done $0x0  }
0x9d: {  	[sflag:s20] =	ssyncadd.s32 s1;
	_ =	sdelay $0x1  }
0x9e: {  	s21 =	simm.s32 $0x1B8B  }
0x9f: {  	_ =	swait.ge [sflag:s21], $0x1  }
0xa0: {  	[sflag:s21] =	ssyncset.done $0x0  }
0xa1: {  	s23 =	simm.s32 $0x1B8E;
	s22 =	sld [smem:$0x3FFE];
	[sflag:s21] =	ssyncadd.s32 $0xFFFFFFFF  }
0xa2: {  	s24 =	simm.s32 $execute0_lowered;
	[smem:$0x3FD2] =	sst s23  }
0xa3: {  	s2 =	sshll.u32 s24, $0x1;
	_ =	strace $0x8000004F;
	[dreg:$0x1] =	wrdreg $0xFFFFFFFF  }
0xa4: {  	s25 =	simm.s32 $_size_execute0_lowered;
	s0 =	sadd.s32 s0, s2;
	[dreg:$0x0] =	wrdreg $0x0  }
0xa5: {  	s2 =	sshll.u32 s25, $0x1;
	[dreg:$0x2] =	wrdreg s0  }
0xa6: {  	[dreg:$0x3] =	wrdreg s2  }
0xa7: {  	[dreg:$0x4] =	wrdreg $0xC0  }
0xa8: {  	_ =	task [dreg:s4], $0x5FFFF  }
0xa9: {  	[dreg:$0x1] =	wrdreg $0xFFFFFFFF  }
0xaa: {  	[dreg:$0x0] =	wrdreg $0x60  }
0xab: {  	[dreg:$0x2] =	wrdreg s22  }
0xac: {  	[dreg:$0x3] =	wrdreg $0xA  }
0xad: {  	_ =	task.clear_ibuf [dreg:s4], $0x4FFFF;
	_ =	strace $0x9000004F  }
0xae: {  	s26 =	simm.s32 $0xA;
	_ =	strace $0x80000051  }
0xaf: {  	_ =	swait.ge [sflag:s26], $0x1  }
0xb0: {  	[sflag:s26] =	ssyncadd.s32 $0xFFFFFFFF  }
0xb1: {  	_ =	strace $0x90000051  }
0xb2: {  	_ =	sfence  }
0xb3: {  	s28 =	sld [smem:$0x0];
	_ =	sdelay $0x1  }
0xb4: {  	s29 =	srdreg.scid  }
0xb5: {  	s30 =	sshll.u32 s29, $0xD;
	s31 =	sshrl.u32 s29, $0x2  }
0xb6: {  	s1 =	sand.u32 $0x1, s29;
	s2 =	sand.u32 $0x4000, s30;
	s0 =	sadd.s32 s31, s28  }
0xb7: {  	s1 =	sor.u32 s2, s1;
	s0 =	sshll.u32 s0, $0x11  }
0xb8: {  	s0 =	sor.u32 s0, s1  }
0xb9: {  	s0 =	sadd.s32 $0x8F2B, s0  }
0xba: {  	[sflag:s0] =	ssyncadd.remote.s32 $0x1  }
0xbb: {  	_ =	sfence.sel $0xFFFF  }
0xbc: {  	[dreg:$0x0] =	wrdreg $0xFFFFFFFF;
	(pc) =	sbr.abs _section_cstart, $3  }
0xbd: {  	[dreg:$0x1] =	wrdreg $0xFFFFFFFF  }
0xbe: {  	_ =	task.clear_ibuf [dreg:s4], $0x2FFFF;
	_ =	strace $0x9FFFFFFF  }
0xbf: {  	(tm) =	ssettm $0x7FFFFFFF  }
tec
execute0_lowered:
.L_overlay_start_1:
0x0: {  	(tag) =	ssettag $0x1  }
0x1: {  	s0 =	rddreg [dreg:$0x0];
	_ =	strace $0x80000050;
	s1 =	simm.s32 $0x1  }
0x2: {  	s9 =	simm.s32 $0x108;
	v0 =	vimm.s32 $0x0;
	[sflag:s1] =	ssyncpa.u1 $0x0  }
0x3: {  	[tilespmem:s9+$0x70] =	vst v0  }
0x4: {  	[tilespmem:s9+$0x60] =	vst v0  }
0x5: {  	[tilespmem:s9+$0x50] =	vst v0  }
0x6: {  	[tilespmem:s9+$0x40] =	vst v0  }
0x7: {  	[tilespmem:s9+$0x30] =	vst v0  }
0x8: {  	s1 =	sadd.s32 $0x1400, s0;
	s4 =	sadd.s32 $0x3200, s0;
	[tilespmem:s9+$0x20] =	vst v0  }
0x9: {  	s5 =	sadd.s32 $0x3E00, s0;
	s6 =	sadd.s32 $0x3800, s0;
	s0 =	simm.s32 $0x40;
	[tilespmem:s9+$0x10] =	vst v0  }
.LBB2_1:
0xa: {  	s0 =	sadd.s32 $0x40, s0;
	[tilespmem:s9+$0x0] =	vst v0;
	s9 =	sadd.s32 $0x80, s9  }
0xb: {  	p0 =	slt.u32 s0, $0x3C40;
	[tilespmem:s9+$0x70] =	vst v0  }
0xc: {  	[tilespmem:s9+$0x60] =	vst v0  }
.Ltmp0:
0xd: {  	[tilespmem:s9+$0x50] =	vst v0;
	(pc) =	sbr.rel @p0 .LBB2_1-.Ltmp0, $4  }
0xe: {  	[tilespmem:s9+$0x40] =	vst v0  }
0xf: {  	[tilespmem:s9+$0x30] =	vst v0  }
0x10: {  	[tilespmem:s9+$0x20] =	vst v0  }
0x11: {  	[tilespmem:s9+$0x10] =	vst v0  }
0x12: {  	s14 =	stileid.u32  }
0x13: {  	s2 =	sshll.u32 s14, $0x1;
	s0 =	smin.u32 s14, $0xA  }
0x14: {  	s0 =	sadd.s32 s0, s2  }
0x15: {  	p0 =	slt.u32 s14, $0xA;
	s7 =	smul.u32 $0xF0, s0;
	s0 =	simm.s32 $0x2D0  }
0x16: {  	s0 =	simm.s32 @!p0 $0x1E0  }
0x17: {  	s0 =	sadd.s32 s0, s7  }
0x18: {  	s8 =	smin.u32 s0, $0x2710  }
0x19: {  	s0 =	ssub.s32 s8, s7  }
0x1a: {  	p0 =	sgt.s32 s0, $0x0  }
0x1b: {  	s0 =	simm.s32 @!p0 $0x0  }
0x1c: {  	s3 =	simm.s32 $0x2;
	s30 =	smul.u32 $0x8889, s0  }
0x1d: {  	s10 =	simm.s32 $0x7;
	s31 =	simm.s32 $0x8;
	s11 =	simm.s32 $0x9  }
0x1e: {  	s20 =	simm.s32 $0x0;
	[dreg:$0x2] =	wrdreg s2;
	s2 =	sshrl.u32 s30, $0x17  }
0x1f: {  	s16 =	simm.s32 $0xA;
	s18 =	simm.s32 $0x0;
	s12 =	smul.u32 $0xF0, s2  }
.Ltmp1:
0x20: {  	[tilespmem:s9+$0x0] =	vst v0;
	v0 =	vimm.s32 $0xFFFFFFFF;
	s19 =	simm.s32 $0x0;
	[sflag:s3] =	ssyncpa.u1 $0x0;
	(pc) =	sbr.rel .LBB2_3-.Ltmp1, $4  }
0x21: {  	[tilespmem:$0xF208] =	vst v0;
	[sflag:s10] =	ssyncpa.u1 $0x0;
	p0 =	sne.s32 s0, s12;
	s0 =	simm.s32 $0x1  }
0x22: {  	s14 =	sshll.u32 s14, $0x8;
	[sflag:s31] =	ssyncpa.u1 $0x0;
	s0 =	simm.s32 @!p0 $0x0  }
0x23: {  	[sflag:s11] =	ssyncpa.u1 $0x0;
	s17 =	smov.u32 s7;
	s13 =	sadd.s32 s2, s0  }
0x24: {  	v0 =	vlaneseq.u32;
	s12 =	simm.s32 $0x1;
	p0 =	por $0x0, $0x0;
	s15 =	sadd.s32 $0x1, s13  }
.LBB2_18:
0x25: {  	s0 =	sshrl.u32 s29, $0x2  }
.LBB2_20:
0x26: {  	_ =	swait.ge [sflag:s16], s0  }
0x27: {  	s31 =	ssub.s32 $0x0, s0;
	v1 =	vmov s22;
	vm0 =	veq.s32 v0, $0x0;
	[sflag:s16] =	ssyncset.done $0x0  }
0x28: {  	vm15 =	veq.s32 v0, $0x2;
	v1 =	vsel vm0, s28, v1;
	[sflag:s16] =	ssyncadd.s32 s31  }
0x29: {  	v1 =	vsel vm15, s20, v1;
	[sflag:s16] =	ssyncpa.u1 $0x1  }
0x2a: {  	[tilespmem:$0xF208] =	vst v1  }
.LBB2_21:
0x2b: {  	s0 =	sadd.s32 $0xF0, s17  }
0x2c: {  	s2 =	smov.u32 s7;
	p1 =	slt.s32 s0, s8  }
0x2d: {  	s2 =	smov.u32 @p1 s0;
	p1 =	sne.s32 s19, s15  }
.Ltmp2:
0x2e: {  	_ = 	snop;
	(pc) =	sbr.rel @!p1 .LBB2_22-.Ltmp2, $3  }
0x2f: {  	_ =	sdelay $0x1  }
0x30: {  	s20 =	smov.u32 s18;
	s31 =	sadd.s32 $0x1, s19;
	s18 =	smov.u32 s17  }
0x31: {  	p0 =	por !p0, !p0;
	s19 =	smov.u32 s31;
	s17 =	smov.u32 s2  }
.LBB2_3:
0x32: {  	p1 =	sge.u32 s19, s13  }
0x33: {  	s0 =	smulhi.u32 @!p1 $0xAAAAAAAB, s19  }
0x34: {  	s2 =	smov.u32 s17;
	p2 =	sgt.s32 @!p1 s17, $0x2620  }
0x35: {  	s3 =	sshra.s32 @!p1 s17, $0x1F;
	p2 =	por !p2, p1;
	s0 =	sshrl.u32 @!p1 s0, $0x1  }
0x36: {  	s3 =	sand.u32 @!p1 s3, s17;
	s2 =	simm.s32 @p2 $0x2620;
	s0 =	smul.u32 @!p1 $0x3, s0  }
0x37: {  	s2 =	ssub.s32 @!p1 s2, s3  }
0x38: {  	s2 =	sadd.s32 @!p1 $0xFFFFD9E0, s2;
	s0 =	ssub.s32 @!p1 s19, s0  }
0x39: {  	s3 =	sshll.u32 @!p1 s2, $0x2;
	p2 =	sgt.s32 @!p1 s2, $0xEF;
	s0 =	smul.u32 @!p1 $0x3C0, s0  }
0x3a: {  	s21 =	sand.u32 @!p1 $0x7, s17;
	s2 =	ssub.s32 @!p1 $0x3C0, s3;
	p2 =	por !p2, p1  }
0x3b: {  	s3 =	sshrl.u32 @!p1 s17, $0x3;
	s2 =	sshrl.u32 @!p1 s2, $0x2;
	s0 =	sshrl.u32 @!p1 s0, $0x2  }
0x3c: {  	s3 =	sadd.s32 @!p1 s6, s3;
	s2 =	simm.s32 @!p2 $0x0;
	s0 =	sadd.s32 @!p1 $0x10238, s0  }
0x3d: {  	[tilespmem:s0], [sflag:$0x8] =	stream.linear.gather @!p1 [hbm4b:s3+s21], s2, $0x38;
	[tilespmem:$0x1F6E8] =	vst v63  }
0x3e: {  	s0 =	sadd.s32 $0xFFFFFFFF, s19  }
0x3f: {  	p1 =	sge.u32 s0, s13  }
0x40: {  	p2 =	sgt.s32 @!p1 s18, $0x2620  }
0x41: {  	s2 =	smov.u32 s18;
	s3 =	sshra.s32 @!p1 s18, $0x1F;
	p2 =	por !p2, p1  }
0x42: {  	s3 =	sand.u32 @!p1 s3, s18;
	s2 =	simm.s32 @p2 $0x2620  }
0x43: {  	s2 =	ssub.s32 @!p1 s2, s3  }
0x44: {  	s2 =	sadd.s32 @!p1 $0xFFFFD9E0, s2  }
0x45: {  	s21 =	sand.u32 @!p1 $0x1, s0;
	s3 =	sshll.u32 @!p1 s2, $0x2  }
0x46: {  	p2 =	sgt.s32 @!p1 s2, $0xEF;
	s2 =	ssub.s32 @!p1 $0x3C0, s3;
	s3 =	smulhi.u32 @!p1 $0xAAAAAAAB, s0  }
0x47: {  	s23 =	smul.u32 @!p1 $0x3C0, s21;
	p2 =	por !p2, p1;
	s2 =	sshrl.u32 @!p1 s2, $0x2  }
0x48: {  	s22 =	simm.s32 @!p1 $0x8;
	s2 =	simm.s32 @!p2 $0x0;
	s3 =	sshrl.u32 @!p1 s3, $0x1  }
0x49: {  	s23 =	sshrl.u32 @!p1 s23, $0x2;
	_ =	swait.ge @!p1 [sflag:s22], s2;
	s3 =	smul.u32 @!p1 $0x3, s3  }
0x4a: {  	s23 =	sor.u32 @!p1 $0x10508, s23;
	s24 =	ssub.s32 @!p1 $0x0, s2;
	[sflag:s22] =	ssyncset.done @!p1 $0x0  }
0x4b: {  	[sflag:s22] =	ssyncadd.s32 @!p1 s24;
	s22 =	sshrl.u32 @!p1 s18, $0x3;
	s0 =	ssub.s32 @!p1 s0, s3  }
0x4c: {  	s24 =	sand.u32 @!p1 $0x7, s18;
	s22 =	sadd.s32 @!p1 s4, s22;
	s0 =	smul.u32 @!p1 $0x3C0, s0  }
0x4d: {  	[tilespmem:s23], [sflag:$0x9] =	stream.linear.gather @!p1 [hbm4b:s22+s24], s2, $0x38;
	[tilespmem:$0x1F6E8] =	vst v63  }
0x4e: {  	s3 =	ssub.s32 @!p1 $0x2710, s18;
	s2 =	smul.u32 @!p1 $0x1E000, s21  }
0x4f: {  	p2 =	slt.s32 @!p1 s3, $0xF0  }
0x50: {  	p2 =	por !p2, p1;
	s0 =	sshrl.u32 @!p1 s0, $0x2;
	s2 =	sshrl.u32 @!p1 s2, $0x2  }
0x51: {  	s3 =	simm.s32 @p2 $0xF0;
	s0 =	sadd.s32 @!p1 $0x10238, s0;
	s2 =	sor.u32 @!p1 $0x106E8, s2  }
0x52: {  	[tilespmem:s2], [sflag:$0x7] =	stream.indirect.gather @!p1 [hbm4b:s5+s3], $0x80, s0, s3, $0xb8;
	[tilespmem:$0x1F6E8] =	vst v63  }
0x53: {  	p1 =	slt.u32 s19, $0x2  }
.Ltmp3:
0x54: {  	_ = 	snop;
	(pc) =	sbr.rel @p1 .LBB2_21-.Ltmp3, $1  }
0x55: {  	_ =	sdelay $0x3  }
0x56: {  	p1 =	sgt.s32 s20, $0x2620;
	s0 =	smov.u32 s20  }
0x57: {  	s2 =	sshra.s32 s20, $0x1F;
	s3 =	ssub.s32 $0x2710, s20;
	s0 =	simm.s32 @!p1 $0x2620  }
0x58: {  	s2 =	sand.u32 s2, s20;
	p1 =	slt.s32 s3, $0xF0;
	s21 =	smov.u32 s3  }
0x59: {  	s0 =	ssub.s32 s0, s2;
	s21 =	simm.s32 @!p1 $0xF0  }
0x5a: {  	s0 =	sadd.s32 $0xFFFFD9E0, s0;
	s26 =	sshll.u32 s21, $0x7  }
0x5b: {  	s29 =	sshll.u32 s0, $0x2;
	s2 =	sand.u32 $0x3FFFFF80, s26  }
0x5c: {  	p1 =	sgt.s32 s0, $0xEF;
	s30 =	ssub.s32 $0x3C0, s29;
	_ =	swait.ge [sflag:s10], s2  }
0x5d: {  	s2 =	ssub.s32 $0x0, s2;
	[sflag:s10] =	ssyncset.done $0x0;
	s0 =	sshrl.u32 s30, $0x2  }
0x5e: {  	[sflag:s10] =	ssyncadd.s32 s2;
	s0 =	simm.s32 @p1 $0x0  }
0x5f: {  	_ =	swait.ge [sflag:s11], s0  }
0x60: {  	s0 =	ssub.s32 $0x0, s0;
	[sflag:s11] =	ssyncset.done $0x0  }
0x61: {  	[sflag:s11] =	ssyncadd.s32 s0  }
0x62: {  	v1 =	vld [tilespmem:$0xF208];
	_ =	sdelay $0x4  }
0x63: {  	(v2sf) =	vpush v1, $0x0  }
0x64: {  	(v2sf) =	vpush v1, $0x1  }
0x65: {  	(v2sf) =	vpush v1, $0x2;
	_ =	sdelay $0x3  }
0x66: {  	s0 =	sadd.s32 $0xF0, s20  }
0x67: {  	p1 =	slt.s32 s8, s0  }
0x68: {  	s0 =	smov.u32 @p1 s8;
	p1 =	sgt.s32 s3, $0x0  }
0x69: {  	s24 =	ssub.s32 s0, s20;
	s3 =	simm.s32 @!p1 $0x0  }
0x6a: {  	p1 =	slt.s32 s3, s24  }
0x6b: {  	s24 =	smov.u32 @p1 s3  }
0x6c: {  	s23 =	simm.s32 $0x1;
	p1 =	slt.s32 s24, $0x1  }
.Ltmp4:
0x6d: {  	s23 =	simm.s32 @!p0 $0x0;
	(pc) =	sbr.rel @p1 .LBB2_8-.Ltmp4, $4  }
0x6e: {  	s31 =	smul.u32 $0x3C0, s23  }
0x6f: {  	s25 =	spop (v2sf)  }
0x70: {  	s0 =	sshrl.u32 s31, $0x2;
	s28 =	spop (v2sf)  }
0x71: {  	s21 =	sor.u32 $0x10508, s0;
	s20 =	spop (v2sf)  }
0x72: {  	s0 =	smin.u32 s24, $0x10  }
0x73: {  	v1 =	vmov s0  }
0x74: {  	p2 =	sgt.s32 s24, $0x10;
	vm1 =	vgt.u32 v1, v0  }
.Ltmp5:
0x75: {  	_ = 	snop;
	(pc) =	sbr.rel @!p2 .LBB2_7-.Ltmp5, $2  }
0x76: {  	_ =	sdelay $0x2  }
0x77: {  	s26 =	simm.s32 $0x10;
	s29 =	sadd.s32 $0xFFFFFFF0, s24;
	s22 =	smov.u32 s21;
	vm0 =	vmmov vm1  }
.LBB2_6:
0x78: {  	s0 =	smin.u32 s29, $0x10;
	s26 =	sadd.s32 $0x10, s26;
	v1 =	vld.msk [tilespmem:s22+$0x0 ss:$0x1], vm1  }
0x79: {  	v2 =	vmov s0;
	p2 =	slt.s32 s26, s24  }
0x7a: {  	vm1 =	vgt.u32 v2, v0  }
.Ltmp6:
0x7b: {  	(pc) =	sbr.rel @p2 .LBB2_6-.Ltmp6, $3  }
0x7c: {  	_ =	sdelay $0x1  }
0x7d: {  	v1 =	vshll.u32 v1, $0x4  }
0x7e: {  	s29 =	sadd.s32 $0xFFFFFFF0, s29;
	[tilespmem:s22+$0x0] =	vst.msk vm0, v1;
	s22 =	sadd.s32 $0x10, s22;
	vm0 =	vmmov vm1  }
.LBB2_7:
0x7f: {  	_ =	sdelay $0x4  }
0x80: {  	v1 =	vld.msk [tilespmem:s22+$0x0 ss:$0x1], vm1;
	_ =	sdelay $0x4  }
0x81: {  	v1 =	vshll.u32 v1, $0x4  }
0x82: {  	[tilespmem:s22+$0x0] =	vst.msk vm0, v1  }
.LBB2_8:
0x83: {  	s0 =	sand.u32 $0x1, s19  }
0x84: {  	s2 =	smul.u32 $0x7800, s0  }
0x85: {  	p2 =	sne.s32 s28, $0xFFFFFFFF  }
0x86: {  	v1 =	vld @!p2 [tilespmem:s2+$0x106E8];
	_ =	sdelay $0x2  }
0x87: {  	s0 =	smul.u32 $0xF0, s0;
	_ =	sdelay $0x1  }
0x88: {  	v2 =	vld.msk @!p2 [tilespmem:s0+$0x10508], $0x1;
	[tilespmem:$0x108] =	vst @!p2 v1  }
0x89: {  	v1 =	vld @!p2 [tilespmem:s2+$0x106F8];
	_ =	sdelay $0x4  }
0x8a: {  	[tilespmem:$0x118] =	vst @!p2 v1  }
0x8b: {  	v1 =	vld @!p2 [tilespmem:s2+$0x10708];
	_ =	sdelay $0x4  }
0x8c: {  	[tilespmem:$0x128] =	vst @!p2 v1  }
0x8d: {  	v1 =	vld @!p2 [tilespmem:s2+$0x10718];
	_ =	sdelay $0x4  }
0x8e: {  	[tilespmem:$0x138] =	vst @!p2 v1  }
0x8f: {  	v1 =	vld @!p2 [tilespmem:s2+$0x10728];
	_ =	sdelay $0x4  }
0x90: {  	[tilespmem:$0x148] =	vst @!p2 v1  }
0x91: {  	(v2sf) =	vpush @!p2 v2, $0x0;
	v1 =	vld @!p2 [tilespmem:s2+$0x10738];
	_ =	sdelay $0x4  }
0x92: {  	[tilespmem:$0x158] =	vst @!p2 v1  }
0x93: {  	v1 =	vld @!p2 [tilespmem:s2+$0x10748];
	_ =	sdelay $0x4  }
0x94: {  	[tilespmem:$0x168] =	vst @!p2 v1  }
0x95: {  	v1 =	vld @!p2 [tilespmem:s2+$0x10758]  }
.Ltmp7:
0x96: {  	_ = 	snop;
	(pc) =	sbr.rel @p1 .LBB2_19-.Ltmp7, $4  }
0x97: {  	_ = 	snop  }
0x98: {  	s26 =	spop @!p2 (v2sf)  }
0x99: {  	s20 =	simm.s32 @!p2 $0x0;
	s22 =	smov.u32 s26  }
0x9a: {  	s26 =	smov.u32 @p2 s25;
	s22 =	smov.u32 @p2 s28;
	[tilespmem:$0x178] =	vst @!p2 v1;
	[sflag:s16] =	ssyncpa.u1 $0x0  }
0x9b: {  	v1 =	vld.msk [tilespmem:s21+$0x0], $0x1;
	_ =	sdelay $0x4  }
0x9c: {  	(v2sf) =	vpush v1, $0x0;
	_ =	sdelay $0xe  }
0x9d: {  	s0 =	smul.u32 $0x1E000, s23;
	s30 =	spop (v2sf)  }
0x9e: {  	s24 =	ssub.s32 $0x0, s24;
	p1 =	seq.s32 s26, s30  }
0x9f: {  	s28 =	sadd.s32 $0x1, s24;
	s0 =	sshrl.u32 s0, $0x2;
	p2 =	sgt.s32 @!p1 s26, $0x0  }
0xa0: {  	s23 =	sor.u32 $0x10728, s0;
	s0 =	smov.u32 s26;
	p2 =	por !p2, p1  }
0xa1: {  	s0 =	simm.s32 @p2 $0x0;
	p2 =	seq.s32 s28, $0x0  }
.Ltmp8:
0xa2: {  	_ = 	snop;
	(pc) =	sbr.rel @p2 .LBB2_11-.Ltmp8, $4  }
0xa3: {  	_ = 	snop  }
0xa4: {  	s25 =	simm.s32 $0x0;
	s31 =	simm.s32 @!p1 $0x1;
	s2 =	smin.u32 @!p1 s0, $0xFF0  }
0xa5: {  	s29 =	sadd.s32 $0x1, s21;
	s31 =	smov.u32 @p1 s25;
	s3 =	sand.u32 @!p1 $0xFF8, s2  }
0xa6: {  	s0 =	simm.s32 @!p1 $0x7988;
	s2 =	sand.u32 @!p1 $0x7, s2;
	s3 =	sadd.s32 @!p1 s1, s3  }
.LBB2_10:
0xa7: {  	s9 =	smov.u32 s31  }
0xa8: {  	[tilespmem:s0], [sflag:$0x2] =	stream.linear.gather @!p1 [hbm4b:s3+s2], $0x80, $0x38;
	[tilespmem:$0x1F6E8] =	vst v63  }
0xa9: {  	s28 =	sadd.s32 $0x1, s28;
	s2 =	smov.u32 s30;
	v1 =	vld.msk [tilespmem:s29+$0x0], $0x1  }
0xaa: {  	p2 =	seq.s32 s28, $0x0;
	_ =	sdelay $0x3  }
0xab: {  	(v2sf) =	vpush v1, $0x0;
	_ =	sdelay $0xe  }
0xac: {  	s30 =	spop (v2sf)  }
0xad: {  	p1 =	seq.s32 s2, s30  }
0xae: {  	p3 =	sgt.s32 @!p1 s2, $0x0;
	s0 =	sshll.u32 @!p1 s31, $0x9;
	s31 =	sadd.s32 @!p1 $0x1, s31  }
.Ltmp9:
0xaf: {  	p3 =	por !p3, p1;
	s0 =	sshra.s32 @!p1 s0, $0x2;
	(pc) =	sbr.rel @!p2 .LBB2_10-.Ltmp9, $4  }
0xb0: {  	s31 =	smov.u32 @p1 s9;
	s2 =	simm.s32 @p3 $0x0;
	s0 =	sadd.s32 @!p1 $0x7988, s0  }
0xb1: {  	s2 =	smin.u32 @!p1 s2, $0xFF0  }
0xb2: {  	s3 =	sand.u32 @!p1 $0xFF8, s2;
	s2 =	sand.u32 @!p1 $0x7, s2  }
0xb3: {  	s29 =	sadd.s32 $0x1, s29;
	s3 =	sadd.s32 @!p1 s1, s3  }
.LBB2_11:
0xb4: {  	[tilespmem:s0], [sflag:$0x2] =	stream.linear.gather @!p1 [hbm4b:s3+s2], $0x80, $0x38;
	[tilespmem:$0x1F6E8] =	vst v63  }
.Ltmp10:
0xb5: {  	s30 =	sshll.u32 s31, $0x7;
	(pc) =	sbr.rel .LBB2_12-.Ltmp10, $4  }
0xb6: {  	s31 =	simm.s32 $0x2;
	s0 =	sand.u32 $0x3FFFFF80, s30  }
0xb7: {  	_ =	swait.ge [sflag:s31], s0  }
0xb8: {  	s0 =	ssub.s32 $0x0, s0;
	[sflag:s31] =	ssyncset.done $0x0  }
0xb9: {  	s29 =	simm.s32 $0x0;
	[sflag:s31] =	ssyncadd.s32 s0  }
.LBB2_13:
0xba: {  	s0 =	sshra.s32 s0, $0x2;
	v1 =	vld [tilespmem:s23+$0xFFFFFFC0]  }
0xbb: {  	v2 =	vld [tilespmem:s0+$0x108];
	_ =	sdelay $0x4  }
0xbc: {  	v1 =	vmax.f32 v1, v2  }
0xbd: {  	v2 =	vld [tilespmem:s0+$0x118];
	[tilespmem:s0+$0x108] =	vst v1  }
0xbe: {  	v1 =	vld [tilespmem:s23+$0xFFFFFFD0];
	_ =	sdelay $0x4  }
0xbf: {  	v1 =	vmax.f32 v1, v2  }
0xc0: {  	v2 =	vld [tilespmem:s0+$0x128];
	[tilespmem:s0+$0x118] =	vst v1  }
0xc1: {  	v1 =	vld [tilespmem:s23+$0xFFFFFFE0];
	_ =	sdelay $0x4  }
0xc2: {  	v1 =	vmax.f32 v1, v2  }
0xc3: {  	v2 =	vld [tilespmem:s0+$0x138];
	[tilespmem:s0+$0x128] =	vst v1  }
0xc4: {  	v1 =	vld [tilespmem:s23+$0xFFFFFFF0];
	_ =	sdelay $0x4  }
0xc5: {  	v1 =	vmax.f32 v1, v2  }
0xc6: {  	v2 =	vld [tilespmem:s0+$0x148];
	[tilespmem:s0+$0x138] =	vst v1  }
0xc7: {  	v1 =	vld [tilespmem:s23+$0x0];
	_ =	sdelay $0x4  }
0xc8: {  	v1 =	vmax.f32 v1, v2  }
0xc9: {  	v2 =	vld [tilespmem:s0+$0x158];
	[tilespmem:s0+$0x148] =	vst v1  }
0xca: {  	v1 =	vld [tilespmem:s23+$0x10];
	_ =	sdelay $0x4  }
0xcb: {  	v1 =	vmax.f32 v1, v2  }
0xcc: {  	v2 =	vld [tilespmem:s0+$0x168];
	[tilespmem:s0+$0x158] =	vst v1  }
0xcd: {  	v1 =	vld [tilespmem:s23+$0x20];
	_ =	sdelay $0x4  }
0xce: {  	v1 =	vmax.f32 v1, v2  }
0xcf: {  	v2 =	vld [tilespmem:s0+$0x178];
	[tilespmem:s0+$0x168] =	vst v1  }
0xd0: {  	v1 =	vld [tilespmem:s23+$0x30];
	_ =	sdelay $0x4  }
0xd1: {  	v1 =	vmax.f32 v1, v2  }
0xd2: {  	[tilespmem:s0+$0x178] =	vst v1  }
.LBB2_17:
0xd3: {  	s24 =	sadd.s32 $0x1, s24  }
0xd4: {  	p1 =	seq.s32 s24, $0x0  }
.Ltmp11:
0xd5: {  	_ = 	snop;
	(pc) =	sbr.rel @p1 .LBB2_18-.Ltmp11, $2  }
0xd6: {  	_ =	sdelay $0x2  }
0xd7: {  	s21 =	sadd.s32 $0x1, s21;
	s23 =	sadd.s32 $0x80, s23;
	s26 =	smov.u32 s28  }
.LBB2_12:
0xd8: {  	v1 =	vld.msk [tilespmem:s21+$0x0], $0x1;
	_ =	sdelay $0x4  }
0xd9: {  	(v2sf) =	vpush v1, $0x0;
	_ =	sdelay $0xe  }
0xda: {  	s28 =	spop (v2sf)  }
0xdb: {  	p1 =	sne.s32 s26, s28  }
.Ltmp12:
0xdc: {  	_ = 	snop;
	(pc) =	sbr.rel @!p1 .LBB2_13-.Ltmp12, $2  }
0xdd: {  	_ =	sdelay $0x2  }
0xde: {  	s0 =	sshll.u32 s20, $0x9  }
0xdf: {  	p1 =	seq.s32 s26, s22  }
.Ltmp13:
0xe0: {  	_ = 	snop;
	(pc) =	sbr.rel @!p1 .LBB2_15-.Ltmp13, $1  }
0xe1: {  	_ =	sdelay $0x3  }
0xe2: {  	s0 =	sshra.s32 s0, $0x2  }
.Ltmp14:
0xe3: {  	s0 =	sadd.s32 $0x108, s0;
	(pc) =	sbr.rel .LBB2_16-.Ltmp14, $4  }
0xe4: {  	[spmem:s14] =	stream.linear.scatter [tilespmem:s0], [sflag:$0x1], $0x80, $0x38;
	[tilespmem:$0x1F6E8] =	vst v63  }
0xe5: {  	_ =	swait.ge [sflag:s12], $0x80  }
0xe6: {  	[sflag:s12] =	ssyncset.done $0x0  }
0xe7: {  	[sflag:s12] =	ssyncadd.s32 $0xFFFFFF80  }
.LBB2_15:
0xe8: {  	s2 =	sshll.u32 s25, $0x9;
	s0 =	sshra.s32 s0, $0x2  }
0xe9: {  	s2 =	sshra.s32 s2, $0x2;
	v2 =	vld [tilespmem:s0+$0x108]  }
0xea: {  	v1 =	vld [tilespmem:s2+$0x7988];
	_ =	sdelay $0x4  }
0xeb: {  	v1 =	vmax.f32 v1, v2  }
0xec: {  	v2 =	vld [tilespmem:s0+$0x118];
	[tilespmem:s0+$0x108] =	vst v1  }
0xed: {  	v1 =	vld [tilespmem:s2+$0x7998];
	_ =	sdelay $0x4  }
0xee: {  	v1 =	vmax.f32 v1, v2  }
0xef: {  	v2 =	vld [tilespmem:s0+$0x128];
	[tilespmem:s0+$0x118] =	vst v1  }
0xf0: {  	v1 =	vld [tilespmem:s2+$0x79A8];
	_ =	sdelay $0x4  }
0xf1: {  	v1 =	vmax.f32 v1, v2  }
0xf2: {  	v2 =	vld [tilespmem:s0+$0x138];
	[tilespmem:s0+$0x128] =	vst v1  }
0xf3: {  	v1 =	vld [tilespmem:s2+$0x79B8];
	_ =	sdelay $0x4  }
0xf4: {  	v1 =	vmax.f32 v1, v2  }
0xf5: {  	v2 =	vld [tilespmem:s0+$0x148];
	[tilespmem:s0+$0x138] =	vst v1  }
0xf6: {  	v1 =	vld [tilespmem:s2+$0x79C8];
	_ =	sdelay $0x4  }
0xf7: {  	v1 =	vmax.f32 v1, v2  }
0xf8: {  	v2 =	vld [tilespmem:s0+$0x158];
	[tilespmem:s0+$0x148] =	vst v1  }
0xf9: {  	v1 =	vld [tilespmem:s2+$0x79D8];
	_ =	sdelay $0x4  }
0xfa: {  	v1 =	vmax.f32 v1, v2  }
0xfb: {  	v2 =	vld [tilespmem:s0+$0x168];
	[tilespmem:s0+$0x158] =	vst v1  }
0xfc: {  	v1 =	vld [tilespmem:s2+$0x79E8];
	_ =	sdelay $0x4  }
0xfd: {  	v1 =	vmax.f32 v1, v2  }
0xfe: {  	v2 =	vld [tilespmem:s0+$0x178];
	[tilespmem:s0+$0x168] =	vst v1  }
0xff: {  	v1 =	vld [tilespmem:s2+$0x79F8];
	_ =	sdelay $0x3  }
0x100: {  	p1 =	sgt.u32 s26, $0xFF0  }
0x101: {  	s2 =	sand.u32 @!p1 $0xFF8, s26;
	v1 =	vmax.f32 v1, v2  }
0x102: {  	s3 =	sadd.s32 $0x108, s0;
	[tilespmem:s0+$0x178] =	vst v1;
	s0 =	sadd.s32 @!p1 s1, s2;
	s2 =	sand.u32 @!p1 $0x7, s26  }
0x103: {  	[hbm4b:s0+s2] =	stream.linear.scatter @!p1 [tilespmem:s3], [sflag:$0xA], $0x80, $0x38;
	[tilespmem:$0x1F6E8] =	vst v63  }
0x104: {  	s0 =	simm.s32 $0x0  }
0x105: {  	s0 =	simm.s32 @!p1 $0x200  }
0x106: {  	s29 =	sadd.s32 s0, s29  }
.LBB2_16:
0x107: {  	s0 =	sadd.s32 $0x1, s20  }
0x108: {  	s2 =	smulhi.u32 $0x88888889, s0;
	_ =	sdelay $0x1  }
0x109: {  	v1 =	vld [tilespmem:s23+$0xFFFFFFC0];
	s2 =	sshrl.u32 s2, $0x7  }
0x10a: {  	s2 =	smul.u32 $0xF0, s2;
	_ =	sdelay $0x1  }
0x10b: {  	s20 =	ssub.s32 s0, s2  }
0x10c: {  	s0 =	sshll.u32 s20, $0x7  }
0x10d: {  	[tilespmem:s0+$0x108] =	vst v1  }
0x10e: {  	v1 =	vld [tilespmem:s23+$0xFFFFFFD0];
	_ =	sdelay $0x4  }
0x10f: {  	[tilespmem:s0+$0x118] =	vst v1  }
0x110: {  	v1 =	vld [tilespmem:s23+$0xFFFFFFE0];
	_ =	sdelay $0x4  }
0x111: {  	[tilespmem:s0+$0x128] =	vst v1  }
0x112: {  	v1 =	vld [tilespmem:s23+$0xFFFFFFF0];
	_ =	sdelay $0x4  }
0x113: {  	[tilespmem:s0+$0x138] =	vst v1  }
0x114: {  	v1 =	vld [tilespmem:s23+$0x0];
	_ =	sdelay $0x4  }
0x115: {  	[tilespmem:s0+$0x148] =	vst v1  }
0x116: {  	v1 =	vld [tilespmem:s23+$0x10];
	_ =	sdelay $0x4  }
0x117: {  	[tilespmem:s0+$0x158] =	vst v1  }
0x118: {  	v1 =	vld [tilespmem:s23+$0x20];
	_ =	sdelay $0x4  }
0x119: {  	[tilespmem:s0+$0x168] =	vst v1  }
0x11a: {  	v1 =	vld [tilespmem:s23+$0x30]  }
.Ltmp15:
0x11b: {  	_ = 	snop;
	(pc) =	sbr.rel .LBB2_17-.Ltmp15, $2  }
0x11c: {  	_ =	sdelay $0x2  }
0x11d: {  	s25 =	sadd.s32 $0x1, s25;
	[tilespmem:s0+$0x178] =	vst v1  }
.LBB2_19:
.Ltmp16:
0x11e: {  	(pc) =	sbr.rel .LBB2_20-.Ltmp16, $4  }
0x11f: {  	_ = 	snop  }
0x120: {  	s0 =	simm.s32 $0x2  }
0x121: {  	_ =	swait.ge [sflag:s0], $0x0  }
0x122: {  	s28 =	smov.u32 s26;
	[sflag:s0] =	ssyncset.done $0x0;
	s0 =	simm.s32 $0x0  }
.LBB2_22:
0x123: {  	_ =	sfence.sel $0x180000  }
0x124: {  	s0 =	simm.s32 $0x7;
	[bflag:$0x0] =	sbarrier.arrive $0xFFFF  }
0x125: {  	s24 =	simm.s32 $0x8;
	[sflag:s0] =	ssyncpa.u1 $0x1  }
0x126: {  	s25 =	simm.s32 $0x9;
	[sflag:s24] =	ssyncpa.u1 $0x1  }
0x127: {  	s26 =	simm.s32 $0x2;
	[sflag:s25] =	ssyncpa.u1 $0x1  }
0x128: {  	[sflag:s26] =	ssyncpa.u1 $0x1  }
0x129: {  	v0 =	vld [tilespmem:$0xF208];
	_ =	sdelay $0x4  }
0x12a: {  	(v2sf) =	vpush v0, $0x0  }
0x12b: {  	(v2sf) =	vpush v0, $0x1;
	_ =	sdelay $0x2  }
0x12c: {  	(v2sf) =	vpush v0, $0x2;
	_ =	sdelay $0xa  }
0x12d: {  	s0 =	spop (v2sf)  }
0x12e: {  	s2 =	spop (v2sf)  }
0x12f: {  	s3 =	smov.u32 s0;
	p0 =	sne.s32 s0, s2  }
0x130: {  	s3 =	simm.s32 @!p0 $0xFFFFFFFF  }
0x131: {  	v2 =	vimm.s32 $0x1;
	v3 =	vlaneseq.u32;
	v1 =	vmov s3;
	s3 =	spop (v2sf)  }
0x132: {  	v0 =	vperm.xlane v0, v2;
	v1 =	vperm.xlane v1, v3;
	p0 =	seq.s32 s3, $0xFFFFFFFF  }
0x133: {  	vm0 =	vcmask $0x3F04;
	s5 =	simm.s32 $0xF208;
	p1 =	sne.s32 @!p0 s0, s2  }
0x134: {  	s6 =	rddreg [dreg:$0x2];
	s0 =	simm.s32 @!p0 $0x1;
	v0 =	vsel vm0, v1, v0;
	p1 =	por !p1, p0  }
0x135: {  	s4 =	sor.u32 $0x1000, s6;
	s2 =	sshll.u32 @!p0 s3, $0x9;
	[tilespmem:$0xF208] =	vst v0;
	s0 =	simm.s32 @p1 $0x0  }
0x136: {  	[spmem:s4] =	stream.linear.scatter [tilespmem:s5], [sflag:$0x1], $0x2, $0x38;
	[tilespmem:$0x1F6E8] =	vst v63  }
0x137: {  	s2 =	sshra.s32 @!p0 s2, $0x2;
	s0 =	sor.u32 @!p0 s0, s6  }
0x138: {  	s2 =	sadd.s32 @!p0 $0x108, s2;
	s0 =	sshll.u32 @!p0 s0, $0x7  }
0x139: {  	[spmem:s0] =	stream.linear.scatter @!p0 [tilespmem:s2], [sflag:$0x1], $0x80, $0x38;
	[tilespmem:$0x1F6E8] =	vst v63  }
0x13a: {  	s2 =	simm.s32 @!p0 $0x82  }
0x13b: {  	s0 =	simm.s32 $0x1;
	s2 =	simm.s32 @p0 $0x2  }
0x13c: {  	_ =	swait.ge [sflag:s0], s2  }
0x13d: {  	s2 =	ssub.s32 $0x0, s2;
	[sflag:s0] =	ssyncset.done $0x0  }
0x13e: {  	[sflag:s0] =	ssyncadd.s32 s2  }
0x13f: {  	_ =	sfence.stream.spmem  }
0x140: {  	s28 =	simm.s32 $0x3;
	[bflag:$0x0] =	sbarrier.arrive $0xFFFF  }
0x141: {  	s29 =	simm.s32 $0x4;
	[sflag:s28] =	ssyncpa.u1 $0x1  }
0x142: {  	s30 =	simm.s32 $0x3C;
	s31 =	stileid.u32;
	[sflag:s29] =	ssyncpa.u1 $0x1  }
0x143: {  	p0 =	sne.s32 s31, $0x0;
	[sflag:s30] =	ssyncpa.u1 $0x1  }
0x144: {  	_ =	sfence @p0  }
0x145: {  	[sflag:s0] =	ssyncpa.u1 @p0 $0x1  }
0x146: {  	_ =	strace @p0 $0x90000050  }
0x147: {  	[bflag:$0x2] =	sbarrier.arrive @p0 $0xFFFF  }
0x148: {  	_ =	shalt @p0  }
.LBB2_23:
0x149: {  	_ =	sfence.stream.spmem;
	s0 =	simm.s32 $0x5  }
0x14a: {  	s2 =	simm.s32 $0x1000;
	s3 =	simm.s32 $0xF218;
	[sflag:s0] =	ssyncpa.u1 $0x0  }
0x14b: {  	[tilespmem:s3], [sflag:$0x5] =	stream.linear.gather [spmem:s2], $0x20, $0x38;
	[tilespmem:$0x1F6E8] =	vst v63  }
0x14c: {  	s30 =	simm.s32 $0xF238;
	s2 =	simm.s32 $0x0  }
0x14d: {  	[tilespmem:s30], [sflag:$0x5] =	stream.linear.gather [spmem:s2], $0x1000, $0x38;
	[tilespmem:$0x1F6E8] =	vst v63  }
.Ltmp17:
0x14e: {  	_ = 	snop;
	(pc) =	sbr.rel .LBB2_24-.Ltmp17, $4  }
0x14f: {  	_ =	swait.ge [sflag:s0], $0x1020  }
0x150: {  	[sflag:s0] =	ssyncset.done $0x0  }
0x151: {  	s31 =	simm.s32 $0x6;
	[sflag:s0] =	ssyncadd.s32 $0xFFFFEFE0  }
0x152: {  	s3 =	simm.s32 $0x0;
	[sflag:s31] =	ssyncpa.u1 $0x0  }
.LBB2_30:
0x153: {  	p0 =	slt.u32 s4, $0xFF1  }
0x154: {  	s0 =	sand.u32 @p0 $0xFF8, s4  }
0x155: {  	s4 =	sand.u32 @p0 $0x7, s4;
	s5 =	simm.s32 @p0 $0xF188;
	s0 =	sadd.s32 @p0 s1, s0  }
0x156: {  	[tilespmem:s5], [sflag:$0x6] =	stream.linear.gather @p0 [hbm4b:s0+s4], $0x80, $0x38;
	[tilespmem:$0x1F6E8] =	vst v63  }
0x157: {  	s0 =	simm.s32 @p0 $0x6  }
0x158: {  	_ =	swait.ge @p0 [sflag:s0], $0x80  }
0x159: {  	[sflag:s0] =	ssyncset.done @p0 $0x0  }
0x15a: {  	[sflag:s0] =	ssyncadd.s32 @p0 $0xFFFFFF80;
	s0 =	sshll.u32 @p0 s3, $0x9  }
0x15b: {  	s4 =	sshrl.u32 @p0 s0, $0x2;
	v1 =	vld @p0 [tilespmem:$0xF188]  }
0x15c: {  	v2 =	vld @p0 [tilespmem:s4+$0xF238];
	_ =	sdelay $0x4  }
0x15d: {  	v1 =	vmax.f32 @p0 v1, v2  }
0x15e: {  	v2 =	vld @p0 [tilespmem:s4+$0xF248];
	[tilespmem:s4+$0xF238] =	vst @p0 v1  }
0x15f: {  	v1 =	vld @p0 [tilespmem:$0xF198];
	_ =	sdelay $0x4  }
0x160: {  	v1 =	vmax.f32 @p0 v1, v2  }
0x161: {  	v2 =	vld @p0 [tilespmem:s4+$0xF258];
	[tilespmem:s4+$0xF248] =	vst @p0 v1  }
0x162: {  	v1 =	vld @p0 [tilespmem:$0xF1A8];
	_ =	sdelay $0x4  }
0x163: {  	v1 =	vmax.f32 @p0 v1, v2  }
0x164: {  	v2 =	vld @p0 [tilespmem:s4+$0xF268];
	[tilespmem:s4+$0xF258] =	vst @p0 v1  }
0x165: {  	v1 =	vld @p0 [tilespmem:$0xF1B8];
	_ =	sdelay $0x4  }
0x166: {  	v1 =	vmax.f32 @p0 v1, v2  }
0x167: {  	v2 =	vld @p0 [tilespmem:s4+$0xF278];
	[tilespmem:s4+$0xF268] =	vst @p0 v1  }
0x168: {  	v1 =	vld @p0 [tilespmem:$0xF1C8];
	_ =	sdelay $0x4  }
0x169: {  	v1 =	vmax.f32 @p0 v1, v2  }
0x16a: {  	v2 =	vld @p0 [tilespmem:s4+$0xF288];
	[tilespmem:s4+$0xF278] =	vst @p0 v1  }
0x16b: {  	v1 =	vld @p0 [tilespmem:$0xF1D8];
	_ =	sdelay $0x4  }
0x16c: {  	v1 =	vmax.f32 @p0 v1, v2  }
0x16d: {  	v2 =	vld @p0 [tilespmem:s4+$0xF298];
	[tilespmem:s4+$0xF288] =	vst @p0 v1  }
0x16e: {  	v1 =	vld @p0 [tilespmem:$0xF1E8];
	_ =	sdelay $0x4  }
0x16f: {  	v1 =	vmax.f32 @p0 v1, v2  }
0x170: {  	v2 =	vld @p0 [tilespmem:s4+$0xF2A8];
	[tilespmem:s4+$0xF298] =	vst @p0 v1  }
0x171: {  	v1 =	vld @p0 [tilespmem:$0xF1F8];
	_ =	sdelay $0x4  }
0x172: {  	s5 =	sshll.u32 @!p0 s3, $0x9;
	v1 =	vmax.f32 @p0 v1, v2  }
0x173: {  	s5 =	smov.u32 @p0 s0;
	[tilespmem:s4+$0xF2A8] =	vst @p0 v1  }
0x174: {  	s0 =	sshrl.u32 s5, $0x2;
	[tilespmem:s2+$0xF218] =	vst.msk $0x1, v0  }
0x175: {  	v0 =	vld [tilespmem:s0+$0xF238];
	_ =	sdelay $0x2  }
0x176: {  	s31 =	sshll.u32 s2, $0x9  }
0x177: {  	s4 =	sshra.s32 s31, $0x2  }
0x178: {  	[tilespmem:s4+$0xF238] =	vst v0  }
0x179: {  	v0 =	vld [tilespmem:s0+$0xF248];
	_ =	sdelay $0x4  }
0x17a: {  	[tilespmem:s4+$0xF248] =	vst v0  }
0x17b: {  	v0 =	vld [tilespmem:s0+$0xF258];
	_ =	sdelay $0x4  }
0x17c: {  	[tilespmem:s4+$0xF258] =	vst v0  }
0x17d: {  	v0 =	vld [tilespmem:s0+$0xF268];
	_ =	sdelay $0x4  }
0x17e: {  	[tilespmem:s4+$0xF268] =	vst v0  }
0x17f: {  	v0 =	vld [tilespmem:s0+$0xF278];
	_ =	sdelay $0x4  }
0x180: {  	[tilespmem:s4+$0xF278] =	vst v0  }
0x181: {  	v0 =	vld [tilespmem:s0+$0xF288];
	_ =	sdelay $0x4  }
0x182: {  	[tilespmem:s4+$0xF288] =	vst v0  }
0x183: {  	v0 =	vld [tilespmem:s0+$0xF298];
	_ =	sdelay $0x4  }
0x184: {  	[tilespmem:s4+$0xF298] =	vst v0  }
0x185: {  	v0 =	vld [tilespmem:s0+$0xF2A8];
	_ =	sdelay $0x4  }
0x186: {  	s2 =	sadd.s32 $0x1, s2;
	[tilespmem:s4+$0xF2A8] =	vst v0  }
.LBB2_31:
0x187: {  	s3 =	sadd.s32 $0x1, s3  }
0x188: {  	p0 =	sne.s32 s3, $0x20  }
.Ltmp18:
0x189: {  	_ = 	snop;
	(pc) =	sbr.rel @!p0 .LBB2_32-.Ltmp18, $1  }
0x18a: {  	_ =	sdelay $0x3  }
.LBB2_24:
0x18b: {  	v0 =	vld.msk [tilespmem:s3+$0xF218], $0x1;
	_ =	sdelay $0x4  }
0x18c: {  	(v2sf) =	vpush v0, $0x0;
	_ =	sdelay $0xe  }
0x18d: {  	s4 =	spop (v2sf)  }
0x18e: {  	p0 =	seq.s32 s4, $0xFFFFFFFF  }
.Ltmp19:
0x18f: {  	_ = 	snop;
	(pc) =	sbr.rel @p0 .LBB2_31-.Ltmp19, $1  }
0x190: {  	_ =	sdelay $0x3  }
0x191: {  	p0 =	slt.s32 s2, $0x1  }
.Ltmp20:
0x192: {  	_ = 	snop;
	(pc) =	sbr.rel @p0 .LBB2_30-.Ltmp20, $1  }
0x193: {  	_ =	sdelay $0x3  }
0x194: {  	s5 =	simm.s32 $0xF218;
	p0 =	por $0x0, $0x0  }
0x195: {  	v1 =	vld.msk @!p0 [tilespmem:s5+$0x0], $0x1;
	_ =	sdelay $0x4  }
0x196: {  	(v2sf) =	vpush @!p0 v1, $0x0;
	_ =	sdelay $0xd  }
0x197: {  	p2 =	sne.s32 s2, $0x1  }
.Ltmp21:
0x198: {  	s0 =	spop @!p0 (v2sf);
	(pc) =	sbr.rel @!p2 .LBB2_28-.Ltmp21, $4  }
0x199: {  	p1 =	seq.s32 @!p0 s4, s0  }
0x19a: {  	s6 =	simm.s32 $0x0;
	p1 =	por !p1, p0  }
0x19b: {  	s0 =	simm.s32 $0xFFFFFFFF;
	s6 =	simm.s32 @p1 $0xFFFFFFFF  }
0x19c: {  	s7 =	simm.s32 $0x1;
	s6 =	smov.u32 @p0 s0  }
.LBB2_27:
0x19d: {  	s0 =	smov.u32 s6;
	p0 =	sne.s32 s6, $0xFFFFFFFF  }
0x19e: {  	s5 =	sadd.s32 $0x1, s5;
	s6 =	smov.u32 s7;
	s7 =	sadd.s32 $0x1, s7  }
0x19f: {  	p1 =	sne.s32 s2, s7;
	v1 =	vld.msk @!p0 [tilespmem:s5+$0x0], $0x1;
	_ =	sdelay $0x4  }
0x1a0: {  	(v2sf) =	vpush @!p0 v1, $0x0;
	_ =	sdelay $0xe  }
.Ltmp22:
0x1a1: {  	s8 =	spop @!p0 (v2sf);
	(pc) =	sbr.rel @p1 .LBB2_27-.Ltmp22, $4  }
0x1a2: {  	p2 =	seq.s32 @!p0 s4, s8  }
0x1a3: {  	p2 =	por !p2, p0  }
0x1a4: {  	s6 =	simm.s32 @p2 $0xFFFFFFFF  }
0x1a5: {  	s6 =	smov.u32 @p0 s0  }
.LBB2_28:
0x1a6: {  	p0 =	seq.s32 s6, $0xFFFFFFFF  }
.Ltmp23:
0x1a7: {  	_ = 	snop;
	(pc) =	sbr.rel @p0 .LBB2_30-.Ltmp23, $1  }
0x1a8: {  	_ =	sdelay $0x3  }
0x1a9: {  	s0 =	sshll.u32 s3, $0x7  }
0x1aa: {  	s4 =	sshll.u32 s6, $0x9;
	s0 =	sand.u32 $0x3FFFFF80, s0  }
0x1ab: {  	s4 =	sshra.s32 s4, $0x2;
	v0 =	vld [tilespmem:s0+$0xF238]  }
0x1ac: {  	v1 =	vld [tilespmem:s4+$0xF238];
	_ =	sdelay $0x4  }
0x1ad: {  	v0 =	vmax.f32 v0, v1  }
0x1ae: {  	v57 =	vld [tilespmem:s4+$0xF248];
	[tilespmem:s4+$0xF238] =	vst v0  }
0x1af: {  	v0 =	vld [tilespmem:s0+$0xF248];
	_ =	sdelay $0x4  }
0x1b0: {  	v0 =	vmax.f32 v0, v57  }
0x1b1: {  	v58 =	vld [tilespmem:s4+$0xF258];
	[tilespmem:s4+$0xF248] =	vst v0  }
0x1b2: {  	v0 =	vld [tilespmem:s0+$0xF258];
	_ =	sdelay $0x4  }
0x1b3: {  	v0 =	vmax.f32 v0, v58  }
0x1b4: {  	v59 =	vld [tilespmem:s4+$0xF268];
	[tilespmem:s4+$0xF258] =	vst v0  }
0x1b5: {  	v0 =	vld [tilespmem:s0+$0xF268];
	_ =	sdelay $0x4  }
0x1b6: {  	v0 =	vmax.f32 v0, v59  }
0x1b7: {  	v60 =	vld [tilespmem:s4+$0xF278];
	[tilespmem:s4+$0xF268] =	vst v0  }
0x1b8: {  	v0 =	vld [tilespmem:s0+$0xF278];
	_ =	sdelay $0x4  }
0x1b9: {  	v0 =	vmax.f32 v0, v60  }
0x1ba: {  	v61 =	vld [tilespmem:s4+$0xF288];
	[tilespmem:s4+$0xF278] =	vst v0  }
0x1bb: {  	v0 =	vld [tilespmem:s0+$0xF288];
	_ =	sdelay $0x4  }
0x1bc: {  	v0 =	vmax.f32 v0, v61  }
0x1bd: {  	v62 =	vld [tilespmem:s4+$0xF298];
	[tilespmem:s4+$0xF288] =	vst v0  }
0x1be: {  	v0 =	vld [tilespmem:s0+$0xF298];
	_ =	sdelay $0x4  }
0x1bf: {  	v0 =	vmax.f32 v0, v62  }
0x1c0: {  	v63 =	vld [tilespmem:s4+$0xF2A8];
	[tilespmem:s4+$0xF298] =	vst v0  }
0x1c1: {  	v0 =	vld [tilespmem:s0+$0xF2A8];
	_ =	sdelay $0x1  }
.Ltmp24:
0x1c2: {  	_ = 	snop;
	(pc) =	sbr.rel .LBB2_31-.Ltmp24, $3  }
0x1c3: {  	_ =	sdelay $0x1  }
0x1c4: {  	v0 =	vmax.f32 v0, v63  }
0x1c5: {  	[tilespmem:s4+$0xF2A8] =	vst v0  }
.LBB2_32:
0x1c6: {  	p0 =	slt.s32 s2, $0x1  }
.Ltmp25:
0x1c7: {  	_ = 	snop;
	(pc) =	sbr.rel @p0 .LBB2_36-.Ltmp25, $3  }
0x1c8: {  	_ =	sdelay $0x1  }
0x1c9: {  	s0 =	simm.s32 $0x6  }
0x1ca: {  	s3 =	simm.s32 $0x0;
	[sflag:s0] =	ssyncpa.u1 $0x1  }
0x1cb: {  	s0 =	simm.s32 $0xF218  }
0x1cc: {  	v0 =	vld.msk [tilespmem:s0+$0x0], $0x1;
	_ =	sdelay $0x4  }
0x1cd: {  	(v2sf) =	vpush v0, $0x0;
	_ =	sdelay $0xe  }
0x1ce: {  	s2 =	sadd.s32 $0xFFFFFFFF, s2;
	s0 =	spop (v2sf)  }
0x1cf: {  	p1 =	sne.s32 s2, $0x0;
	p0 =	sgt.u32 s0, $0xFF0  }
.Ltmp26:
0x1d0: {  	s5 =	sand.u32 @!p0 $0xFF8, s0;
	(pc) =	sbr.rel @!p1 .LBB2_35-.Ltmp26, $4  }
0x1d1: {  	s4 =	simm.s32 $0xF238;
	s0 =	sand.u32 @!p0 $0x7, s0;
	s5 =	sadd.s32 @!p0 s1, s5  }
0x1d2: {  	[hbm4b:s5+s0] =	stream.linear.scatter @!p0 [tilespmem:s4], [sflag:$0x5], $0x80, $0x38;
	[tilespmem:$0x1F6E8] =	vst v63  }
0x1d3: {  	s0 =	simm.s32 $0x0  }
0x1d4: {  	s5 =	simm.s32 $0xF219;
	s0 =	simm.s32 @!p0 $0x200  }
.LBB2_34:
0x1d5: {  	v0 =	vld.msk [tilespmem:s5+$0x0], $0x1;
	s2 =	sadd.s32 $0xFFFFFFFF, s2;
	s3 =	sadd.s32 s3, s0  }
0x1d6: {  	p0 =	sne.s32 s2, $0x0;
	_ =	sdelay $0x3  }
0x1d7: {  	(v2sf) =	vpush v0, $0x0;
	_ =	sdelay $0xe  }
.Ltmp27:
0x1d8: {  	s6 =	spop (v2sf);
	(pc) =	sbr.rel @p0 .LBB2_34-.Ltmp27, $4  }
0x1d9: {  	s0 =	simm.s32 $0x0;
	p1 =	sgt.u32 s6, $0xFF0  }
0x1da: {  	s4 =	sadd.s32 $0x80, s4;
	s0 =	simm.s32 @!p1 $0x200;
	s7 =	sand.u32 @!p1 $0xFF8, s6  }
0x1db: {  	s5 =	sadd.s32 $0x1, s5;
	s6 =	sand.u32 @!p1 $0x7, s6;
	s7 =	sadd.s32 @!p1 s1, s7  }
0x1dc: {  	[hbm4b:s7+s6] =	stream.linear.scatter @!p1 [tilespmem:s4], [sflag:$0x5], $0x80, $0x38;
	[tilespmem:$0x1F6E8] =	vst v63  }
.LBB2_35:
0x1dd: {  	s0 =	sadd.s32 s3, s0  }
0x1de: {  	s3 =	sshrl.u32 s0, $0x2  }
.LBB2_36:
0x1df: {  	s0 =	simm.s32 $0x5  }
0x1e0: {  	_ =	swait.ge [sflag:s0], s3  }
0x1e1: {  	s1 =	ssub.s32 $0x0, s3;
	[sflag:s0] =	ssyncset.done $0x0  }
0x1e2: {  	[sflag:s0] =	ssyncadd.s32 s1  }
0x1e3: {  	[sflag:s0] =	ssyncpa.u1 $0x1  }
0x1e4: {  	s30 =	simm.s32 $0x1;
	_ =	sfence  }
0x1e5: {  	[sflag:s30] =	ssyncpa.u1 $0x1  }
0x1e6: {  	_ =	strace $0x90000050  }
0x1e7: {  	[bflag:$0x2] =	sbarrier.arrive $0xFFFF  }
0x1e8: {  	s31 =	rddreg [dreg:$0x1]  }
0x1e9: {  	s0 =	sadd.s32 $0x100000, s31  }
0x1ea: {  	[sflag:s0] =	ssyncadd.tile.s32 $0x1;
	_ =	shalt  }
.Lfunc_end2:
_tile_overlayer_lowered:
.L_overlay_start_2:
0x1eb: {  	(tag) =	ssettag $0x2  }
0x1ec: {  	s0 =	rddreg [dreg:$0x0];
	s2 =	stileid.u32  }
0x1ed: {  	s1 =	rddreg [dreg:$0x1];
	p0 =	sne.s32 s2, $0x0  }
0x1ee: {  	s3 =	rddreg [dreg:$0x2];
	[bflag:$0x3] =	sbarrier.arrive $0xFFFF;
	s2 =	simm.s32 @!p0 $0x1C01  }
0x1ef: {  	[timem:s3], [sflag:s2] =	dma.local @!p0 [hbm:s0], s1  }
0x1f0: {  	s0 =	simm.s32 @!p0 $0x1  }
0x1f1: {  	_ =	swait.ge @!p0 [sflag:s0], s1  }
0x1f2: {  	s1 =	ssub.s32 @!p0 $0x0, s1;
	[sflag:s0] =	ssyncset.done @!p0 $0x0  }
0x1f3: {  	[sflag:s0] =	ssyncadd.s32 @!p0 s1  }
0x1f4: {  	[bflag:$0x3] =	sbarrier.arrive $0xFFFF  }
0x1f5: {  	_ =	shalt  }

// kernel: sparse-core-data-format-call.cloned.1.call-start
scs
called_computation.1_lowered:
.L_overlay_start_0:
0x0: {  	s2 =	sld [smem:$0x3FD9]  }
0x1: {  	s3 =	sld [smem:$0x3FFE];
	_ =	sdelay $0x1  }
0x2: {  	s1 =	srdreg.scid  }
0x3: {  	s0 =	sand.u32 $0x1, s1  }
0x4: {  	s18 =	sshll.u32 s0, $0xA;
	s2 =	sadd.s32 s3, s2  }
0x5: {  	s2 =	sadd.s32 s2, s18  }
0x6: {  	[smem:$0x3FAF] =	sst s2  }
0x7: {  	_ = 	snop  }
0x8: {  	(tm) =	ssettm $0x1  }
0x9: {  	s19 =	sld [smem:$0x3FFB];
	_ =	sdelay $0x3  }
0xa: {  	_ =	strace s19  }
0xb: {  	s2 =	sld [smem:$0x3FFC];
	_ =	sdelay $0x3  }
0xc: {  	_ =	strace s2  }
0xd: {  	s2 =	sld [smem:$0x3FFD];
	_ =	sdelay $0x3  }
0xe: {  	_ =	strace s2  }
0xf: {  	_ =	strace $0x8FFFFFFF  }
0x10: {  	s20 =	sld [smem:$0x3FDB];
	_ =	sdelay $0x1  }
0x11: {  	s21 =	simm.s32 $_scs_section_size  }
0x12: {  	s4 =	simm.s32 $_size__tile_overlayer_lowered;
	s5 =	simm.s32 $_tile_overlayer_lowered  }
0x13: {  	s6 =	simm.s32 $0x1BFF;
	s22 =	sshll.u32 s5, $0x1;
	s3 =	sadd.s32 s21, s20  }
0x14: {  	s23 =	simm.s32 $0x0;
	s4 =	sshll.u32 s4, $0x1;
	s5 =	sadd.s32 s22, s3  }
0x15: {  	[timem:s23], [sflag:s6] =	dma.local [hbm:s5], s4  }
0x16: {  	_ =	swait.ge [sflag:s6], s4  }
0x17: {  	s4 =	ssub.s32 $0x0, s4;
	[sflag:s6] =	ssyncset.done $0x0  }
0x18: {  	[sflag:s6] =	ssyncadd.s32 s4;
	_ =	sdelay $0x1  }
0x19: {  	s24 =	simm.s32 $0x1B8B  }
0x1a: {  	_ =	swait.ge [sflag:s24], $0x1  }
0x1b: {  	[sflag:s24] =	ssyncset.done $0x0  }
0x1c: {  	[sflag:s24] =	ssyncadd.s32 $0xFFFFFFFF  }
0x1d: {  	s4 =	sld [smem:$0x0]  }
0x1e: {  	s5 =	sand.u32 $0xFFFFFFFE, s1  }
0x1f: {  	p0 =	sne.s32 s1, s5  }
0x20: {  	s5 =	sshll.u32 @p0 s5, $0xE  }
0x21: {  	s5 =	sadd.s32 @p0 $0x11B8D, s5;
	s6 =	sshll.u32 @p0 s4, $0x11  }
0x22: {  	s5 =	sor.u32 @p0 s6, s5  }
0x23: {  	[sflag:s5] =	ssyncadd.remote.s32 @p0 $0x1;
	_ =	sdelay $0x1  }
0x24: {  	s5 =	simm.s32 @p0 $0x1B8D  }
0x25: {  	_ =	swait.eq @p0 [sflag:s5], $0x1  }
0x26: {  	[sflag:s5] =	ssyncadd.s32 @p0 $0xFFFFFFFF  }
0x27: {  	s6 =	sshll.u32 @!p0 s1, $0xE  }
0x28: {  	s6 =	sor.u32 @!p0 $0x4000, s6;
	s5 =	simm.s32 @!p0 $0x1B8D  }
0x29: {  	s4 =	sshll.u32 @!p0 s4, $0x11;
	s6 =	sadd.s32 @!p0 $0x11B8D, s6;
	_ =	swait.eq @!p0 [sflag:s5], $0x1  }
0x2a: {  	s4 =	sor.u32 @!p0 s4, s6;
	[sflag:s5] =	ssyncadd.s32 @!p0 $0xFFFFFFFF  }
0x2b: {  	s26 =	simm.s32 $0x1B8E;
	s25 =	sld [smem:$0x3FFE];
	[sflag:s4] =	ssyncadd.remote.s32 @!p0 $0x1  }
0x2c: {  	s27 =	simm.s32 $execute0_lowered;
	[smem:$0x3FD2] =	sst s26  }
0x2d: {  	s5 =	sshll.u32 s27, $0x1;
	_ =	strace $0x8000004C;
	[dreg:$0x1] =	wrdreg $0xFFFFFFFF  }
0x2e: {  	s28 =	simm.s32 $_size_execute0_lowered;
	s3 =	sadd.s32 s3, s5;
	[dreg:$0x0] =	wrdreg $0x0  }
0x2f: {  	s5 =	sshll.u32 s28, $0x1;
	[dreg:$0x2] =	wrdreg s3  }
0x30: {  	[dreg:$0x3] =	wrdreg s5  }
0x31: {  	[dreg:$0x4] =	wrdreg $0xC0  }
0x32: {  	_ =	task [dreg:s23], $0x5FFFF  }
0x33: {  	[dreg:$0x1] =	wrdreg $0xFFFFFFFF  }
0x34: {  	[dreg:$0x0] =	wrdreg $0x60  }
0x35: {  	[dreg:$0x2] =	wrdreg s25  }
0x36: {  	[dreg:$0x3] =	wrdreg $0x9  }
0x37: {  	_ =	task.clear_ibuf [dreg:s23], $0x4FFFF;
	_ =	strace $0x9000004C  }
0x38: {  	s29 =	simm.s32 $0x9;
	_ =	strace $0x8000004E  }
0x39: {  	_ =	swait.ge [sflag:s29], $0x1  }
0x3a: {  	[sflag:s29] =	ssyncadd.s32 $0xFFFFFFFF  }
0x3b: {  	_ =	strace $0x9000004E  }
0x3c: {  	_ =	sfence  }
0x3d: {  	s30 =	sld [smem:$0x0];
	_ =	sdelay $0x2  }
0x3e: {  	s31 =	sshll.u32 s1, $0xD;
	s1 =	sshrl.u32 s1, $0x2  }
0x3f: {  	s4 =	sand.u32 $0x4000, s31;
	s1 =	sadd.s32 s1, s30  }
0x40: {  	s0 =	sor.u32 s4, s0;
	s1 =	sshll.u32 s1, $0x11  }
0x41: {  	s0 =	sor.u32 s1, s0  }
0x42: {  	s0 =	sadd.s32 $0x8F2B, s0  }
0x43: {  	[sflag:s0] =	ssyncadd.remote.s32 $0x1  }
0x44: {  	_ =	sfence.sel $0xFFFF  }
0x45: {  	[dreg:$0x0] =	wrdreg $0xFFFFFFFF;
	(pc) =	sbr.abs _section_cstart, $3  }
0x46: {  	[dreg:$0x1] =	wrdreg $0xFFFFFFFF  }
0x47: {  	_ =	task.clear_ibuf [dreg:s23], $0x2FFFF;
	_ =	strace $0x9FFFFFFF  }
0x48: {  	(tm) =	ssettm $0x7FFFFFFF  }
0x49: {  	_ =	shalt  }
tec
execute0_lowered:
.L_overlay_start_1:
0x0: {  	(tag) =	ssettag $0x1  }
0x1: {  	s1 =	srdreg.scid;
	s0 =	stileid.u32  }
0x2: {  	s7 =	rddreg [dreg:$0x0];
	s31 =	simm.s32 $0x2;
	s14 =	simm.s32 $0x0  }
0x3: {  	s13 =	simm.s32 $0x0;
	s1 =	sshll.u32 s1, $0x4;
	s3 =	sshll.u32 s0, $0x7  }
0x4: {  	s12 =	simm.s32 $0x0;
	s1 =	sor.u32 s0, s1;
	s3 =	sand.u32 $0x80, s3  }
0x5: {  	s2 =	sand.u32 $0x1E, s1;
	s1 =	rddreg [dreg:$0x1];
	s4 =	ssub.s32 $0x100, s3  }
0x6: {  	_ =	strace $0x8000004D;
	s11 =	smov.u32 s3;
	s5 =	ssub.s32 $0x3E8, s2  }
0x7: {  	s6 =	sshrl.u32 s4, $0x8;
	s4 =	sshrl.u32 s4, $0x7;
	s8 =	sand.u32 $0x1E, s5  }
0x8: {  	s9 =	sand.u32 $0x1, s4;
	p0 =	sne.s32 s8, $0x0;
	s8 =	simm.s32 $0x1  }
.Ltmp0:
0x9: {  	s5 =	sshrl.u32 s5, $0x5;
	s8 =	simm.s32 @!p0 $0x0;
	(pc) =	sbr.rel .LBB1_1-.Ltmp0, $4  }
0xa: {  	s4 =	simm.s32 $0x1;
	s6 =	sadd.s32 s6, s9;
	s5 =	sadd.s32 s8, s5  }
0xb: {  	s10 =	smov.u32 s2;
	[sflag:s4] =	ssyncpa.u1 $0x0;
	s5 =	smul.u32 s6, s5  }
0xc: {  	s9 =	simm.s32 $0x1F400;
	[sflag:s31] =	ssyncpa.u1 $0x0;
	p0 =	por $0x0, $0x0  }
0xd: {  	s6 =	sadd.s32 $0x110800, s7;
	s7 =	sadd.s32 $0x304800, s7;
	s8 =	sadd.s32 $0x1, s5  }
.LBB1_4:
0xe: {  	s20 =	sshll.u32 s14, $0x8;
	s21 =	sshll.u32 s13, $0x3  }
0xf: {  	v5 =	vld [tilespmem:s18+$0xFFFFFFD0];
	[tilespmem:s17+$0x2040 ss:$0x81] =	vst.msk $0xffff, v4;
	s27 =	sshll.u32 s14, $0x7;
	s20 =	sand.u32 $0xFFFFF800, s20;
	s21 =	sand.u32 $0xFFFFFC00, s21  }
0x10: {  	v58 =	vld [tilespmem:s18+$0xFFFFFFE0];
	[tilespmem:s17+$0x2850 ss:$0x81] =	vst.msk $0xffff, v3;
	s14 =	sand.u32 $0x300, s27;
	s20 =	sadd.s32 s21, s20  }
0x11: {  	s19 =	sshra.s32 s19, $0x2;
	v59 =	vld [tilespmem:s18+$0xFFFFFFF0];
	[tilespmem:s17+$0x3060 ss:$0x81] =	vst.msk $0xffff, v2;
	s14 =	sor.u32 s14, s20  }
0x12: {  	v60 =	vld [tilespmem:s18+$0x0];
	[tilespmem:s17+$0x0 ss:$0x81] =	vst.msk $0xffff, v0;
	s16 =	sadd.s32 s19, s16;
	s14 =	sshrl.u32 s14, $0x8  }
0x13: {  	v61 =	vld [tilespmem:s18+$0x10];
	[tilespmem:s16+$0x3870 ss:$0x81] =	vst.msk $0xffff, v1;
	s28 =	smulhi.u32 $0x83126F, s14  }
0x14: {  	v62 =	vld [tilespmem:s18+$0x20];
	[tilespmem:s16+$0x810 ss:$0x81] =	vst.msk $0xffff, v5  }
0x15: {  	v63 =	vld [tilespmem:s18+$0xFFFFFFC0];
	[tilespmem:s16+$0x1020 ss:$0x81] =	vst.msk $0xffff, v58;
	s17 =	sshrl.u32 s28, $0x1  }
0x16: {  	[tilespmem:s16+$0x1830 ss:$0x81] =	vst.msk $0xffff, v59;
	s17 =	smul.u32 $0x3E8, s17  }
0x17: {  	s29 =	sshrl.u32 s13, $0x3;
	[tilespmem:s16+$0x2040 ss:$0x81] =	vst.msk $0xffff, v60  }
0x18: {  	s31 =	sand.u32 $0x7, s13;
	s30 =	sand.u32 $0xF, s29;
	[tilespmem:s16+$0x2850 ss:$0x81] =	vst.msk $0xffff, v61;
	s14 =	ssub.s32 s14, s17  }
0x19: {  	s13 =	sshll.u32 s31, $0x12;
	[tilespmem:s16+$0x3060 ss:$0x81] =	vst.msk $0xffff, v62;
	s17 =	sadd.s32 s7, s30;
	s14 =	sshll.u32 s14, $0x4  }
0x1a: {  	s13 =	sor.u32 $0x80, s13;
	[tilespmem:s16+$0x0 ss:$0x81] =	vst.msk $0xffff, v63;
	s14 =	sadd.s32 s14, s17  }
0x1b: {  	[hbm4b:s14+s13] =	stream.strided.scatter [tilespmem:s15], [sflag:$0x2], $0x4000, s9, s13, $0x20;
	[tilespmem:$0x10100] =	vst v63  }
.LBB1_5:
0x1c: {  	s15 =	sadd.s32 $0x20, s10  }
0x1d: {  	s13 =	sadd.s32 $0x100, s11;
	s17 =	smov.u32 s11;
	p2 =	sgt.s32 s15, $0x3E7  }
0x1e: {  	s17 =	smov.u32 @p2 s13  }
0x1f: {  	s15 =	smov.u32 @p2 s2;
	p2 =	sgt.s32 s17, $0xFF  }
0x20: {  	s17 =	smov.u32 @p2 s3;
	p2 =	sne.s32 s12, s8  }
.Ltmp1:
0x21: {  	p1 =	slt.u32 s12, $0x2;
	(pc) =	sbr.rel @!p2 .LBB1_6-.Ltmp1, $4  }
0x22: {  	s16 =	simm.s32 @!p1 $0x2  }
0x23: {  	s14 =	smov.u32 s10;
	p0 =	por !p0, !p0;
	_ =	swait.ge @!p1 [sflag:s16], $0x4000  }
0x24: {  	s13 =	smov.u32 s11;
	[sflag:s16] =	ssyncset.done @!p1 $0x0;
	s10 =	smov.u32 s15  }
0x25: {  	s12 =	sadd.s32 $0x1, s12;
	[sflag:s16] =	ssyncadd.s32 @!p1 $0xFFFFC000;
	s11 =	smov.u32 s17  }
.LBB1_1:
0x26: {  	p1 =	sge.u32 s12, s5  }
0x27: {  	s15 =	sand.u32 @!p1 $0x1FFFFFE, s10  }
0x28: {  	s16 =	smulhi.u32 @!p1 $0x20C49BB, s15;
	_ =	sdelay $0x1  }
0x29: {  	s16 =	sshrl.u32 @!p1 s16, $0x3  }
0x2a: {  	s16 =	smul.u32 @!p1 $0x3E8, s16  }
0x2b: {  	s31 =	sadd.s32 $0xFFFFFFFF, s12;
	s17 =	smul.u32 @!p1 $0x1F40, s11  }
0x2c: {  	s18 =	simm.s32 @!p1 $0xFA00;
	s15 =	ssub.s32 @!p1 s15, s16;
	s16 =	sxor.u32 @!p1 $0xFFFFFFFF, s12  }
0x2d: {  	s17 =	sadd.s32 @!p1 s6, s17;
	s15 =	sshll.u32 @!p1 s15, $0x3;
	s16 =	sshll.u32 @!p1 s16, $0xE  }
0x2e: {  	s15 =	sadd.s32 @!p1 s15, s17;
	s16 =	sand.u32 @!p1 $0x4000, s16;
	s17 =	simm.s32 @!p1 $0x80  }
0x2f: {  	[tilespmem:s16], [sflag:$0x1] =	stream.strided.gather @!p1 [hbm4b:s15+s17], $0x4000, s18, s17, $0x38;
	[tilespmem:$0x10100] =	vst v63  }
0x30: {  	p1 =	sge.u32 s31, s5  }
.Ltmp2:
0x31: {  	_ = 	snop;
	(pc) =	sbr.rel @p1 .LBB1_5-.Ltmp2, $1  }
0x32: {  	_ =	sdelay $0x3  }
0x33: {  	s15 =	simm.s32 $0x1  }
0x34: {  	_ =	swait.ge [sflag:s4], $0x4000;
	s15 =	simm.s32 @!p0 $0x0  }
0x35: {  	[sflag:s4] =	ssyncset.done $0x0;
	s16 =	sshll.u32 s15, $0xE  }
0x36: {  	[sflag:s4] =	ssyncadd.s32 $0xFFFFC000;
	s18 =	sor.u32 $0x40, s16  }
0x37: {  	s15 =	smul.u32 $0x10200, s15;
	v0 =	vld [tilespmem:s18+$0x30]  }
0x38: {  	v1 =	vld [tilespmem:s18+$0xFFFFFFD0]  }
0x39: {  	s15 =	sshrl.u32 s15, $0x2;
	v5 =	vld [tilespmem:s18+$0xFFFFFFE0]  }
0x3a: {  	v6 =	vld [tilespmem:s18+$0xFFFFFFF0];
	s16 =	sor.u32 $0x8000, s15  }
0x3b: {  	s31 =	sand.u32 $0x1, s12;
	v4 =	vld [tilespmem:s18+$0x0];
	s17 =	sadd.s32 $0x0, s16  }
0x3c: {  	v3 =	vld [tilespmem:s18+$0x10];
	s15 =	smul.u32 $0x10200, s31;
	[tilespmem:s17+$0x3870 ss:$0x81] =	vst.msk $0xffff, v0  }
0x3d: {  	v2 =	vld [tilespmem:s18+$0x20];
	[tilespmem:s17+$0x810 ss:$0x81] =	vst.msk $0xffff, v1  }
0x3e: {  	s15 =	sshrl.u32 s15, $0x2;
	v0 =	vld [tilespmem:s18+$0xFFFFFFC0];
	[tilespmem:s17+$0x1020 ss:$0x81] =	vst.msk $0xffff, v5;
	s18 =	sadd.s32 $0x80, s18  }
0x3f: {  	s19 =	simm.s32 $0x4;
	s20 =	simm.s32 $0x8;
	s15 =	sor.u32 $0x8000, s15;
	[tilespmem:s17+$0x1830 ss:$0x81] =	vst.msk $0xffff, v6;
	v1 =	vld [tilespmem:s18+$0x30]  }
.LBB1_3:
0x40: {  	p1 =	sne.s32 s20, $0x1FC;
	v5 =	vld [tilespmem:s18+$0xFFFFFFD0];
	[tilespmem:s17+$0x2040 ss:$0x81] =	vst.msk $0xffff, v4  }
0x41: {  	v6 =	vld [tilespmem:s18+$0xFFFFFFE0];
	[tilespmem:s17+$0x2850 ss:$0x81] =	vst.msk $0xffff, v3  }
0x42: {  	s21 =	sshra.s32 s19, $0x2;
	s19 =	smov.u32 s20;
	v7 =	vld [tilespmem:s18+$0xFFFFFFF0];
	[tilespmem:s17+$0x3060 ss:$0x81] =	vst.msk $0xffff, v2  }
.Ltmp3:
0x43: {  	v4 =	vld [tilespmem:s18+$0x0];
	[tilespmem:s17+$0x0 ss:$0x81] =	vst.msk $0xffff, v0;
	s17 =	sadd.s32 s21, s16;
	(pc) =	sbr.rel @p1 .LBB1_3-.Ltmp3, $4  }
0x44: {  	v3 =	vld [tilespmem:s18+$0x10];
	[tilespmem:s17+$0x3870 ss:$0x81] =	vst.msk $0xffff, v1  }
0x45: {  	[tilespmem:s17+$0x810 ss:$0x81] =	vst.msk $0xffff, v5;
	v2 =	vld [tilespmem:s18+$0x20]  }
0x46: {  	v0 =	vld [tilespmem:s18+$0xFFFFFFC0];
	[tilespmem:s17+$0x1020 ss:$0x81] =	vst.msk $0xffff, v6;
	s18 =	sadd.s32 $0x80, s18  }
0x47: {  	s20 =	sadd.s32 $0x4, s20;
	v1 =	vld [tilespmem:s18+$0x30];
	[tilespmem:s17+$0x1830 ss:$0x81] =	vst.msk $0xffff, v7  }
.Ltmp4:
0x48: {  	_ = 	snop;
	(pc) =	sbr.rel .LBB1_4-.Ltmp4, $1  }
0x49: {  	_ =	sdelay $0x3  }
.LBB1_6:
0x4a: {  	_ =	sfence.sel $0x180000  }
0x4b: {  	s2 =	simm.s32 $0x1;
	[bflag:$0x0] =	sbarrier.arrive $0xFFFF  }
0x4c: {  	s31 =	simm.s32 $0x2;
	[sflag:s2] =	ssyncpa.u1 $0x1  }
0x4d: {  	[sflag:s31] =	ssyncpa.u1 $0x1  }
0x4e: {  	p0 =	sne.s32 s0, $0x0;
	_ =	strace $0x9000004D  }
0x4f: {  	s0 =	sadd.s32 @!p0 $0x100000, s1;
	[bflag:$0x2] =	sbarrier.arrive $0xFFFF  }
0x50: {  	[sflag:s0] =	ssyncadd.tile.s32 @!p0 $0x1;
	_ =	shalt  }
.Lfunc_end1:
_tile_overlayer_lowered:
.L_overlay_start_2:
0x51: {  	(tag) =	ssettag $0x2  }
0x52: {  	s0 =	rddreg [dreg:$0x0];
	s2 =	stileid.u32  }
0x53: {  	s1 =	rddreg [dreg:$0x1];
	p0 =	sne.s32 s2, $0x0  }
0x54: {  	s3 =	rddreg [dreg:$0x2];
	[bflag:$0x3] =	sbarrier.arrive $0xFFFF;
	s2 =	simm.s32 @!p0 $0x1C01  }
0x55: {  	[timem:s3], [sflag:s2] =	dma.local @!p0 [hbm:s0], s1  }
0x56: {  	s0 =	simm.s32 @!p0 $0x1  }
0x57: {  	_ =	swait.ge @!p0 [sflag:s0], s1  }
0x58: {  	s1 =	ssub.s32 @!p0 $0x0, s1;
	[sflag:s0] =	ssyncset.done @!p0 $0x0  }
0x59: {  	[sflag:s0] =	ssyncadd.s32 @!p0 s1  }
0x5a: {  	[bflag:$0x3] =	sbarrier.arrive $0xFFFF  }
0x5b: {  	_ =	shalt  }

</sc_bundles>
